<compile_context>
chip_gen: v7x
topology: tpu7x:2x2x1
jax: 0.10.2.dev20260603
libtpu: 0.0.44.dev20260713+nightly
codegen_flags: <defaults>
</compile_context>

<pallas_src>
import functools

import jax
import jax.numpy as jnp
from jax import lax
from jax.experimental import pallas as pl
from jax.experimental.pallas import tpu as pltpu
from jax.experimental.pallas import tpu_sc as plsc

_NV = 3
_NQ = 2



def _prep_body(cbt_ref, cbtm2_ref, cn_ref):
    cbt = cbt_ref[...]
    cbtm2_ref[...] = -2.0 * cbt
    cn = jnp.sum(cbt * cbt, axis=0, keepdims=True)
    cn_ref[...] = jnp.broadcast_to(cn, cn_ref.shape)


def _prep_call(cbt):
    d, k = cbt.shape
    return pl.pallas_call(
        _prep_body,
        out_shape=[
            jax.ShapeDtypeStruct((d, k), jnp.float32),
            jax.ShapeDtypeStruct((8, k), jnp.float32),
        ],
    )(cbt)


def _argmin_body(u_ref, cbtm2_ref, cn_ref, idx_ref):
    _argmin_common(u_ref[...], cbtm2_ref, cn_ref, idx_ref)


def _argmin_res_body(u_ref, q1_ref, cbtm2_ref, cn_ref, idx_ref):
    d = u_ref.shape[1]
    _argmin_common(u_ref[...] - q1_ref[:, :d], cbtm2_ref, cn_ref, idx_ref)


def _argmin_common(r, cbtm2_ref, cn_ref, idx_ref):
    tm, d = r.shape
    k = cbtm2_ref.shape[1]

    ck = min(512, k)
    one_bits = jnp.int32(0x3F800000)
    two_bits = jnp.int32(0x40000000)
    best_v = jnp.full((tm, 1), 3.0e38, jnp.float32)
    best_k = jnp.full((tm, 1), 2.0, jnp.float32)
    for c in range(k // ck):
        e2 = jnp.dot(r, cbtm2_ref[:, c * ck:(c + 1) * ck],
                     preferred_element_type=jnp.float32)
        sc = e2 + cn_ref[0:1, c * ck:(c + 1) * ck]
        mv = jnp.min(sc, axis=1, keepdims=True)
        iota = lax.broadcasted_iota(jnp.int32, (tm, ck), 1) + (c * ck)
        cand = jnp.where(sc <= mv, iota | one_bits, two_bits)
        key = jnp.min(lax.bitcast_convert_type(cand, jnp.float32), axis=1,
                      keepdims=True)
        better = mv < best_v
        best_k = jnp.where(better, key, best_k)
        best_v = jnp.where(better, mv, best_v)
    idx = (lax.bitcast_convert_type(best_k[:, 0], jnp.int32)
           & jnp.int32(0x007FFFFF))
    idx_ref[0, 0] = idx


def _argmin_call(u, q1, cbtm2, cn, tm):
    t, d = u.shape
    k = cbtm2.shape[1]
    nblk = t // tm
    out_shape = jax.ShapeDtypeStruct((nblk, 1, tm), jnp.int32)
    tok_spec = pl.BlockSpec((tm, d), lambda i: (i, 0))
    cb_spec = pl.BlockSpec((d, k), lambda i: (0, 0))
    cn_spec = pl.BlockSpec((8, k), lambda i: (0, 0))
    idx_spec = pl.BlockSpec((1, 1, tm), lambda i: (i, 0, 0))
    if q1 is None:
        return pl.pallas_call(
            _argmin_body,
            grid=(nblk,),
            in_specs=[tok_spec, cb_spec, cn_spec],
            out_specs=idx_spec,
            out_shape=out_shape,
        )(u, cbtm2, cn)
    q_spec = pl.BlockSpec((tm, q1.shape[1]), lambda i: (i, 0))
    return pl.pallas_call(
        _argmin_res_body,
        grid=(nblk,),
        in_specs=[tok_spec, q_spec, cb_spec, cn_spec],
        out_specs=idx_spec,
        out_shape=out_shape,
    )(u, q1, cbtm2, cn)



def _make_sc_gather(t, dpad, chunk):
    info = plsc.get_sparse_core_info()
    nw = info.num_cores * info.num_subcores
    b_per_w = t // nw
    nchunk = b_per_w // chunk
    mesh = plsc.VectorSubcoreMesh(core_axis_name="c", subcore_axis_name="s")

    @functools.partial(
        pl.kernel,
        mesh=mesh,
        out_type=jax.ShapeDtypeStruct((t, dpad), jnp.float32),
        scratch_types=[
            pltpu.VMEM((b_per_w,), jnp.int32),
            pltpu.VMEM((chunk, dpad), jnp.float32),
            pltpu.VMEM((chunk, dpad), jnp.float32),
            pltpu.SemaphoreType.DMA,
            pltpu.SemaphoreType.DMA,
        ],
    )
    def gather_k(cb_hbm, idx_hbm, out_hbm, idx_v, rows0, rows1, sem0, sem1):
        wid = lax.axis_index("s") * info.num_cores + lax.axis_index("c")
        base = wid * b_per_w
        pltpu.sync_copy(idx_hbm.at[pl.ds(base, b_per_w)], idx_v)
        bufs = (rows0, rows1)
        sems = (sem0, sem1)
        handles = [None] * nchunk
        handles[0] = pltpu.async_copy(
            cb_hbm.at[idx_v.at[pl.ds(0, chunk)]], bufs[0], sems[0])
        for c in range(nchunk):
            if c + 1 < nchunk:
                handles[c + 1] = pltpu.async_copy(
                    cb_hbm.at[idx_v.at[pl.ds((c + 1) * chunk, chunk)]],
                    bufs[(c + 1) % 2], sems[(c + 1) % 2])
            handles[c].wait()
            pltpu.sync_copy(bufs[c % 2],
                            out_hbm.at[pl.ds(base + c * chunk, chunk)])

    return gather_k



def _finish_body(u_ref, q1_ref, q2_ref, quant_ref, l1_ref, l2_ref):
    d = u_ref.shape[1]
    u = u_ref[...]
    q1 = q1_ref[:, :d]
    q2 = q2_ref[:, :d]
    r2 = u - q1
    r3 = r2 - q2
    quant_ref[...] = q1 + q2

    @pl.when(pl.program_id(0) == 0)
    def _():
        l1_ref[...] = jnp.zeros_like(l1_ref)
        l2_ref[...] = jnp.zeros_like(l2_ref)

    l1_ref[...] += jnp.sum(r2 * r2).reshape(1, 1)
    l2_ref[...] += jnp.sum(r3 * r3).reshape(1, 1)


def _finish_call(u, q1, q2, tm):
    t, d = u.shape
    nblk = t // tm
    tok_spec = pl.BlockSpec((tm, d), lambda i: (i, 0))
    q_spec = pl.BlockSpec((tm, q1.shape[1]), lambda i: (i, 0))
    scalar_spec = pl.BlockSpec((1, 1), lambda i: (0, 0))
    return pl.pallas_call(
        _finish_body,
        grid=(nblk,),
        in_specs=[tok_spec, q_spec, q_spec],
        out_specs=[tok_spec, scalar_spec, scalar_spec],
        out_shape=[
            jax.ShapeDtypeStruct((t, d), jnp.float32),
            jax.ShapeDtypeStruct((1, 1), jnp.float32),
            jax.ShapeDtypeStruct((1, 1), jnp.float32),
        ],
    )(u, q1, q2)



def kernel(face_features, codebook):
    b, nf, dim = face_features.shape
    d = dim // _NV
    t = b * nf * _NV
    n = nf * _NV

    u = face_features.reshape(t, d)
    cbt = codebook.T
    dpad = 128
    cb_pad = jnp.pad(codebook, ((0, 0), (0, dpad - d)))

    tm = 1024
    gather = _make_sc_gather(t, dpad, chunk=384)

    cbtm2, cn = _prep_call(cbt)
    idx1 = _argmin_call(u, None, cbtm2, cn, tm).reshape(t)
    q1 = gather(cb_pad, idx1)
    idx2 = _argmin_call(u, q1, cbtm2, cn, tm).reshape(t)
    q2 = gather(cb_pad, idx2)

    quant, l1, l2 = _finish_call(u, q1, q2, tm=512)

    quantized = quant.reshape(b, nf, dim)
    indices = jnp.stack([idx1.reshape(b, n), idx2.reshape(b, n)], axis=-1)
    commit_loss = jnp.concatenate([l1.reshape(1), l2.reshape(1)]) / float(t * d)
    return quantized, indices, commit_loss

# --- scband reference (transcript-rebuilt; emitter-appended) ---
"""Pipeline reference for scband-face-res-vq-86870008529645 (READ-ONLY COPY).

The authoritative reference and input builder live on the scoring server;
editing this copy changes nothing except your own understanding.
"""

import jax, jax.numpy as jnp
import numpy as np

B, NF, DIM = 8, 4096, 192
NV = 3
Q_PER_VERTEX = 2  # num_quantizers // num_vertices_per_face = 6 // 3
K = 8192
CODE_DIM = DIM // NV  # 64
COMMIT_W = 1.0


def setup_inputs(seed: int = 0) -> dict:
    key = jax.random.key(seed)
    k1, k2 = jax.random.split(key)
    face_features = jax.random.normal(k1, (B, NF, DIM), dtype=jnp.float32)
    # shared codebook for all residual quantizers (shared_codebook=True)
    codebook = jax.random.normal(k2, (K, CODE_DIM), dtype=jnp.float32)
    return {"face_features": face_features, "codebook": codebook}


def _vq_step(residual, codebook):
    # squared euclidean distances [B, N, K]
    d = (jnp.sum(residual ** 2, axis=-1, keepdims=True)
         - 2.0 * jnp.einsum('bnd,kd->bnk', residual, codebook)
         + jnp.sum(codebook ** 2, axis=-1))
    idx = jnp.argmin(d, axis=-1)
    quantize = jnp.take(codebook, idx, axis=0)
    commit = COMMIT_W * jnp.mean((jax.lax.stop_gradient(quantize) - residual) ** 2)
    # straight-through estimator
    quantize_st = residual + jax.lax.stop_gradient(quantize - residual)
    return quantize_st, idx, commit


def reference(face_features, codebook):
    b, nf, dim = face_features.shape
    vertex = face_features.reshape(b, nf, NV, dim // NV)
    # interleaved layout unique[:, 3*f + i] = vertex[:, f, i] == plain reshape
    unique = vertex.reshape(b, nf * NV, dim // NV)
    residual = unique
    quantized_out = jnp.zeros_like(unique)
    all_idx = []
    all_loss = []
    for _ in range(Q_PER_VERTEX):
        q, idx, loss = _vq_step(residual, codebook)
        residual = residual - jax.lax.stop_gradient(q)
        quantized_out = quantized_out + q
        all_idx.append(idx)
        all_loss.append(loss)
    indices = jnp.stack(all_idx, axis=-1)          # [B, NF*3, Q]
    commit_loss = jnp.stack(all_loss)               # [Q]
    quantized = quantized_out.reshape(b, nf, NV, dim // NV).reshape(b, nf, dim)
    return quantized, indices, commit_loss

if __name__ == "__main__":
    import jax
    _d = setup_inputs()
    print(jax.jit(kernel)(*tuple(_d.values())))

</pallas_src>

<mosaic_0001>
#map = affine_map<(d0, d1) -> (0, 0)>
#map1 = affine_map<(d0, d1) -> (0)>
module attributes {stable_mosaic.version = 14 : i64} {
  func.func @gather_k(%arg0: i32, %arg1: i32, %arg2: memref<8192x128xf32, #tpu.memory_space<hbm>>, %arg3: memref<98304xi32, #tpu.memory_space<hbm>>, %arg4: memref<98304x128xf32, #tpu.memory_space<hbm>>, %arg5: memref<3072xi32, #tpu.memory_space<vmem>>, %arg6: memref<384x128xf32, #tpu.memory_space<vmem>>, %arg7: memref<384x128xf32, #tpu.memory_space<vmem>>, %arg8: memref<!tpu.dma_semaphore, #tpu.memory_space<semaphore_mem>>, %arg9: memref<!tpu.dma_semaphore, #tpu.memory_space<semaphore_mem>>) attributes {dimension_semantics = [#tpu.dimension_semantics<core_parallel>, #tpu.dimension_semantics<subcore_parallel>], iteration_bounds = array<i64: 2, 16>, scalar_prefetch = 0 : i64, scratch_operands = 5 : i64, tpu.core_type = #tpu.core_type<sc_vector_subcore>, window_params = [{transform_indices = #map}, {transform_indices = #map1}, {transform_indices = #map}]} {
    %mul3A = arith.constant 2 : i32
    %mul3A_0 = arith.muli %arg1, %mul3A : i32
    %add3A = arith.addi %mul3A_0, %arg0 : i32
    %mul3A_1 = arith.constant 3072 : i32
    %mul3A_2 = arith.muli %add3A, %mul3A_1 : i32
    "tpu.region"() ({
      %run_scoped3A = tpu.sem_alloc : memref<!tpu.dma_semaphore, #tpu.memory_space<semaphore_mem>>
      %dma_start3A_97 = tpu.memref_slice %arg3[%mul3A_2] : memref<98304xi32, #tpu.memory_space<hbm>> -> memref<3072xi32, #tpu.memory_space<hbm>>
      %dma_start3A_98 = tpu.memref_slice %arg3[%mul3A_2] : memref<98304xi32, #tpu.memory_space<hbm>> -> memref<3072xi32, #tpu.memory_space<hbm>>
      tpu.enqueue_dma source(%dma_start3A_98 : memref<3072xi32, #tpu.memory_space<hbm>>) target(%arg5 : memref<3072xi32, #tpu.memory_space<vmem>>) target_semaphore(%run_scoped3A : memref<!tpu.dma_semaphore, #tpu.memory_space<semaphore_mem>>)
      %dma_wait3A_99 = tpu.memref_slice %arg3[%mul3A_2] : memref<98304xi32, #tpu.memory_space<hbm>> -> memref<3072xi32, #tpu.memory_space<hbm>>
      %dma_wait3A_100 = tpu.memref_slice %arg3[%mul3A_2] : memref<98304xi32, #tpu.memory_space<hbm>> -> memref<3072xi32, #tpu.memory_space<hbm>>
      tpu.wait_dma2 semaphore(%run_scoped3A : memref<!tpu.dma_semaphore, #tpu.memory_space<semaphore_mem>>) src(%dma_wait3A_100 : memref<3072xi32, #tpu.memory_space<hbm>>) dst(%arg5 : memref<3072xi32, #tpu.memory_space<vmem>>)
      tpu.yield
    }) : () -> ()
    %dma_start3A = arith.constant 0 : i32
    %dma_start3A_3 = tpu.memref_slice %arg5[%dma_start3A] : memref<3072xi32, #tpu.memory_space<vmem>> -> memref<384xi32, #tpu.memory_space<vmem>>
    %dma_start3A_4 = arith.constant 0 : i32
    %dma_start3A_5 = arith.constant 0 : i32
    %dma_start3A_6 = tpu.memref_slice %arg2[%dma_start3A_4, %dma_start3A_5] : memref<8192x128xf32, #tpu.memory_space<hbm>> -> memref<8192x128xf32, #tpu.memory_space<hbm>>
    tpu.enqueue_indirect_dma source(%dma_start3A_6 : memref<8192x128xf32, #tpu.memory_space<hbm>>) target(%arg6 : memref<384x128xf32, #tpu.memory_space<vmem>>) offsets(%dma_start3A_3 : memref<384xi32, #tpu.memory_space<vmem>>) semaphore(%arg8 : memref<!tpu.dma_semaphore, #tpu.memory_space<semaphore_mem>>)
    %dma_start3A_7 = arith.constant 384 : i32
    %dma_start3A_8 = tpu.memref_slice %arg5[%dma_start3A_7] : memref<3072xi32, #tpu.memory_space<vmem>> -> memref<384xi32, #tpu.memory_space<vmem>>
    %dma_start3A_9 = arith.constant 0 : i32
    %dma_start3A_10 = arith.constant 0 : i32
    %dma_start3A_11 = tpu.memref_slice %arg2[%dma_start3A_9, %dma_start3A_10] : memref<8192x128xf32, #tpu.memory_space<hbm>> -> memref<8192x128xf32, #tpu.memory_space<hbm>>
    tpu.enqueue_indirect_dma source(%dma_start3A_11 : memref<8192x128xf32, #tpu.memory_space<hbm>>) target(%arg7 : memref<384x128xf32, #tpu.memory_space<vmem>>) offsets(%dma_start3A_8 : memref<384xi32, #tpu.memory_space<vmem>>) semaphore(%arg9 : memref<!tpu.dma_semaphore, #tpu.memory_space<semaphore_mem>>)
    %dma_wait3A = arith.constant 0 : i32
    %dma_wait3A_12 = tpu.memref_slice %arg5[%dma_wait3A] : memref<3072xi32, #tpu.memory_space<vmem>> -> memref<384xi32, #tpu.memory_space<vmem>>
    %dma_wait3A_13 = arith.constant 0 : i32
    %dma_wait3A_14 = arith.constant 0 : i32
    %dma_wait3A_15 = tpu.memref_slice %arg2[%dma_wait3A_13, %dma_wait3A_14] : memref<8192x128xf32, #tpu.memory_space<hbm>> -> memref<8192x128xf32, #tpu.memory_space<hbm>>
    tpu.wait_indirect_dma semaphore(%arg8 : memref<!tpu.dma_semaphore, #tpu.memory_space<semaphore_mem>>) src(%dma_wait3A_15 : memref<8192x128xf32, #tpu.memory_space<hbm>>) dst(%arg6 : memref<384x128xf32, #tpu.memory_space<vmem>>)
    %add3A_16 = arith.constant 0 : i32
    %add3A_17 = arith.addi %mul3A_2, %add3A_16 : i32
    "tpu.region"() ({
      %run_scoped3A = tpu.sem_alloc : memref<!tpu.dma_semaphore, #tpu.memory_space<semaphore_mem>>
      %dma_start3A_97 = arith.constant 0 : i32
      %dma_start3A_98 = tpu.memref_slice %arg4[%add3A_17, %dma_start3A_97] : memref<98304x128xf32, #tpu.memory_space<hbm>> -> memref<384x128xf32, #tpu.memory_space<hbm>>
      %dma_start3A_99 = arith.constant 0 : i32
      %dma_start3A_100 = tpu.memref_slice %arg4[%add3A_17, %dma_start3A_99] : memref<98304x128xf32, #tpu.memory_space<hbm>> -> memref<384x128xf32, #tpu.memory_space<hbm>>
      tpu.enqueue_dma source(%arg6 : memref<384x128xf32, #tpu.memory_space<vmem>>) target(%dma_start3A_100 : memref<384x128xf32, #tpu.memory_space<hbm>>) target_semaphore(%run_scoped3A : memref<!tpu.dma_semaphore, #tpu.memory_space<semaphore_mem>>)
      %dma_wait3A_101 = arith.constant 0 : i32
      %dma_wait3A_102 = tpu.memref_slice %arg4[%add3A_17, %dma_wait3A_101] : memref<98304x128xf32, #tpu.memory_space<hbm>> -> memref<384x128xf32, #tpu.memory_space<hbm>>
      %dma_wait3A_103 = arith.constant 0 : i32
      %dma_wait3A_104 = tpu.memref_slice %arg4[%add3A_17, %dma_wait3A_103] : memref<98304x128xf32, #tpu.memory_space<hbm>> -> memref<384x128xf32, #tpu.memory_space<hbm>>
      tpu.wait_dma2 semaphore(%run_scoped3A : memref<!tpu.dma_semaphore, #tpu.memory_space<semaphore_mem>>) src(%arg6 : memref<384x128xf32, #tpu.memory_space<vmem>>) dst(%dma_wait3A_104 : memref<384x128xf32, #tpu.memory_space<hbm>>)
      tpu.yield
    }) : () -> ()
    %dma_start3A_18 = arith.constant 768 : i32
    %dma_start3A_19 = tpu.memref_slice %arg5[%dma_start3A_18] : memref<3072xi32, #tpu.memory_space<vmem>> -> memref<384xi32, #tpu.memory_space<vmem>>
    %dma_start3A_20 = arith.constant 0 : i32
    %dma_start3A_21 = arith.constant 0 : i32
    %dma_start3A_22 = tpu.memref_slice %arg2[%dma_start3A_20, %dma_start3A_21] : memref<8192x128xf32, #tpu.memory_space<hbm>> -> memref<8192x128xf32, #tpu.memory_space<hbm>>
    tpu.enqueue_indirect_dma source(%dma_start3A_22 : memref<8192x128xf32, #tpu.memory_space<hbm>>) target(%arg6 : memref<384x128xf32, #tpu.memory_space<vmem>>) offsets(%dma_start3A_19 : memref<384xi32, #tpu.memory_space<vmem>>) semaphore(%arg8 : memref<!tpu.dma_semaphore, #tpu.memory_space<semaphore_mem>>)
    %dma_wait3A_23 = arith.constant 384 : i32
    %dma_wait3A_24 = tpu.memref_slice %arg5[%dma_wait3A_23] : memref<3072xi32, #tpu.memory_space<vmem>> -> memref<384xi32, #tpu.memory_space<vmem>>
    %dma_wait3A_25 = arith.constant 0 : i32
    %dma_wait3A_26 = arith.constant 0 : i32
    %dma_wait3A_27 = tpu.memref_slice %arg2[%dma_wait3A_25, %dma_wait3A_26] : memref<8192x128xf32, #tpu.memory_space<hbm>> -> memref<8192x128xf32, #tpu.memory_space<hbm>>
    tpu.wait_indirect_dma semaphore(%arg9 : memref<!tpu.dma_semaphore, #tpu.memory_space<semaphore_mem>>) src(%dma_wait3A_27 : memref<8192x128xf32, #tpu.memory_space<hbm>>) dst(%arg7 : memref<384x128xf32, #tpu.memory_space<vmem>>)
    %add3A_28 = arith.constant 384 : i32
    %add3A_29 = arith.addi %mul3A_2, %add3A_28 : i32
    "tpu.region"() ({
      %run_scoped3A = tpu.sem_alloc : memref<!tpu.dma_semaphore, #tpu.memory_space<semaphore_mem>>
      %dma_start3A_97 = arith.constant 0 : i32
      %dma_start3A_98 = tpu.memref_slice %arg4[%add3A_29, %dma_start3A_97] : memref<98304x128xf32, #tpu.memory_space<hbm>> -> memref<384x128xf32, #tpu.memory_space<hbm>>
      %dma_start3A_99 = arith.constant 0 : i32
      %dma_start3A_100 = tpu.memref_slice %arg4[%add3A_29, %dma_start3A_99] : memref<98304x128xf32, #tpu.memory_space<hbm>> -> memref<384x128xf32, #tpu.memory_space<hbm>>
      tpu.enqueue_dma source(%arg7 : memref<384x128xf32, #tpu.memory_space<vmem>>) target(%dma_start3A_100 : memref<384x128xf32, #tpu.memory_space<hbm>>) target_semaphore(%run_scoped3A : memref<!tpu.dma_semaphore, #tpu.memory_space<semaphore_mem>>)
      %dma_wait3A_101 = arith.constant 0 : i32
      %dma_wait3A_102 = tpu.memref_slice %arg4[%add3A_29, %dma_wait3A_101] : memref<98304x128xf32, #tpu.memory_space<hbm>> -> memref<384x128xf32, #tpu.memory_space<hbm>>
      %dma_wait3A_103 = arith.constant 0 : i32
      %dma_wait3A_104 = tpu.memref_slice %arg4[%add3A_29, %dma_wait3A_103] : memref<98304x128xf32, #tpu.memory_space<hbm>> -> memref<384x128xf32, #tpu.memory_space<hbm>>
      tpu.wait_dma2 semaphore(%run_scoped3A : memref<!tpu.dma_semaphore, #tpu.memory_space<semaphore_mem>>) src(%arg7 : memref<384x128xf32, #tpu.memory_space<vmem>>) dst(%dma_wait3A_104 : memref<384x128xf32, #tpu.memory_space<hbm>>)
      tpu.yield
    }) : () -> ()
    %dma_start3A_30 = arith.constant 1152 : i32
    %dma_start3A_31 = tpu.memref_slice %arg5[%dma_start3A_30] : memref<3072xi32, #tpu.memory_space<vmem>> -> memref<384xi32, #tpu.memory_space<vmem>>
    %dma_start3A_32 = arith.constant 0 : i32
    %dma_start3A_33 = arith.constant 0 : i32
    %dma_start3A_34 = tpu.memref_slice %arg2[%dma_start3A_32, %dma_start3A_33] : memref<8192x128xf32, #tpu.memory_space<hbm>> -> memref<8192x128xf32, #tpu.memory_space<hbm>>
    tpu.enqueue_indirect_dma source(%dma_start3A_34 : memref<8192x128xf32, #tpu.memory_space<hbm>>) target(%arg7 : memref<384x128xf32, #tpu.memory_space<vmem>>) offsets(%dma_start3A_31 : memref<384xi32, #tpu.memory_space<vmem>>) semaphore(%arg9 : memref<!tpu.dma_semaphore, #tpu.memory_space<semaphore_mem>>)
    %dma_wait3A_35 = arith.constant 768 : i32
    %dma_wait3A_36 = tpu.memref_slice %arg5[%dma_wait3A_35] : memref<3072xi32, #tpu.memory_space<vmem>> -> memref<384xi32, #tpu.memory_space<vmem>>
    %dma_wait3A_37 = arith.constant 0 : i32
    %dma_wait3A_38 = arith.constant 0 : i32
    %dma_wait3A_39 = tpu.memref_slice %arg2[%dma_wait3A_37, %dma_wait3A_38] : memref<8192x128xf32, #tpu.memory_space<hbm>> -> memref<8192x128xf32, #tpu.memory_space<hbm>>
    tpu.wait_indirect_dma semaphore(%arg8 : memref<!tpu.dma_semaphore, #tpu.memory_space<semaphore_mem>>) src(%dma_wait3A_39 : memref<8192x128xf32, #tpu.memory_space<hbm>>) dst(%arg6 : memref<384x128xf32, #tpu.memory_space<vmem>>)
    %add3A_40 = arith.constant 768 : i32
    %add3A_41 = arith.addi %mul3A_2, %add3A_40 : i32
    "tpu.region"() ({
      %run_scoped3A = tpu.sem_alloc : memref<!tpu.dma_semaphore, #tpu.memory_space<semaphore_mem>>
      %dma_start3A_97 = arith.constant 0 : i32
      %dma_start3A_98 = tpu.memref_slice %arg4[%add3A_41, %dma_start3A_97] : memref<98304x128xf32, #tpu.memory_space<hbm>> -> memref<384x128xf32, #tpu.memory_space<hbm>>
      %dma_start3A_99 = arith.constant 0 : i32
      %dma_start3A_100 = tpu.memref_slice %arg4[%add3A_41, %dma_start3A_99] : memref<98304x128xf32, #tpu.memory_space<hbm>> -> memref<384x128xf32, #tpu.memory_space<hbm>>
      tpu.enqueue_dma source(%arg6 : memref<384x128xf32, #tpu.memory_space<vmem>>) target(%dma_start3A_100 : memref<384x128xf32, #tpu.memory_space<hbm>>) target_semaphore(%run_scoped3A : memref<!tpu.dma_semaphore, #tpu.memory_space<semaphore_mem>>)
      %dma_wait3A_101 = arith.constant 0 : i32
      %dma_wait3A_102 = tpu.memref_slice %arg4[%add3A_41, %dma_wait3A_101] : memref<98304x128xf32, #tpu.memory_space<hbm>> -> memref<384x128xf32, #tpu.memory_space<hbm>>
      %dma_wait3A_103 = arith.constant 0 : i32
      %dma_wait3A_104 = tpu.memref_slice %arg4[%add3A_41, %dma_wait3A_103] : memref<98304x128xf32, #tpu.memory_space<hbm>> -> memref<384x128xf32, #tpu.memory_space<hbm>>
      tpu.wait_dma2 semaphore(%run_scoped3A : memref<!tpu.dma_semaphore, #tpu.memory_space<semaphore_mem>>) src(%arg6 : memref<384x128xf32, #tpu.memory_space<vmem>>) dst(%dma_wait3A_104 : memref<384x128xf32, #tpu.memory_space<hbm>>)
      tpu.yield
    }) : () -> ()
    %dma_start3A_42 = arith.constant 1536 : i32
    %dma_start3A_43 = tpu.memref_slice %arg5[%dma_start3A_42] : memref<3072xi32, #tpu.memory_space<vmem>> -> memref<384xi32, #tpu.memory_space<vmem>>
    %dma_start3A_44 = arith.constant 0 : i32
    %dma_start3A_45 = arith.constant 0 : i32
    %dma_start3A_46 = tpu.memref_slice %arg2[%dma_start3A_44, %dma_start3A_45] : memref<8192x128xf32, #tpu.memory_space<hbm>> -> memref<8192x128xf32, #tpu.memory_space<hbm>>
    tpu.enqueue_indirect_dma source(%dma_start3A_46 : memref<8192x128xf32, #tpu.memory_space<hbm>>) target(%arg6 : memref<384x128xf32, #tpu.memory_space<vmem>>) offsets(%dma_start3A_43 : memref<384xi32, #tpu.memory_space<vmem>>) semaphore(%arg8 : memref<!tpu.dma_semaphore, #tpu.memory_space<semaphore_mem>>)
    %dma_wait3A_47 = arith.constant 1152 : i32
    %dma_wait3A_48 = tpu.memref_slice %arg5[%dma_wait3A_47] : memref<3072xi32, #tpu.memory_space<vmem>> -> memref<384xi32, #tpu.memory_space<vmem>>
    %dma_wait3A_49 = arith.constant 0 : i32
    %dma_wait3A_50 = arith.constant 0 : i32
    %dma_wait3A_51 = tpu.memref_slice %arg2[%dma_wait3A_49, %dma_wait3A_50] : memref<8192x128xf32, #tpu.memory_space<hbm>> -> memref<8192x128xf32, #tpu.memory_space<hbm>>
    tpu.wait_indirect_dma semaphore(%arg9 : memref<!tpu.dma_semaphore, #tpu.memory_space<semaphore_mem>>) src(%dma_wait3A_51 : memref<8192x128xf32, #tpu.memory_space<hbm>>) dst(%arg7 : memref<384x128xf32, #tpu.memory_space<vmem>>)
    %add3A_52 = arith.constant 1152 : i32
    %add3A_53 = arith.addi %mul3A_2, %add3A_52 : i32
    "tpu.region"() ({
      %run_scoped3A = tpu.sem_alloc : memref<!tpu.dma_semaphore, #tpu.memory_space<semaphore_mem>>
      %dma_start3A_97 = arith.constant 0 : i32
      %dma_start3A_98 = tpu.memref_slice %arg4[%add3A_53, %dma_start3A_97] : memref<98304x128xf32, #tpu.memory_space<hbm>> -> memref<384x128xf32, #tpu.memory_space<hbm>>
      %dma_start3A_99 = arith.constant 0 : i32
      %dma_start3A_100 = tpu.memref_slice %arg4[%add3A_53, %dma_start3A_99] : memref<98304x128xf32, #tpu.memory_space<hbm>> -> memref<384x128xf32, #tpu.memory_space<hbm>>
      tpu.enqueue_dma source(%arg7 : memref<384x128xf32, #tpu.memory_space<vmem>>) target(%dma_start3A_100 : memref<384x128xf32, #tpu.memory_space<hbm>>) target_semaphore(%run_scoped3A : memref<!tpu.dma_semaphore, #tpu.memory_space<semaphore_mem>>)
      %dma_wait3A_101 = arith.constant 0 : i32
      %dma_wait3A_102 = tpu.memref_slice %arg4[%add3A_53, %dma_wait3A_101] : memref<98304x128xf32, #tpu.memory_space<hbm>> -> memref<384x128xf32, #tpu.memory_space<hbm>>
      %dma_wait3A_103 = arith.constant 0 : i32
      %dma_wait3A_104 = tpu.memref_slice %arg4[%add3A_53, %dma_wait3A_103] : memref<98304x128xf32, #tpu.memory_space<hbm>> -> memref<384x128xf32, #tpu.memory_space<hbm>>
      tpu.wait_dma2 semaphore(%run_scoped3A : memref<!tpu.dma_semaphore, #tpu.memory_space<semaphore_mem>>) src(%arg7 : memref<384x128xf32, #tpu.memory_space<vmem>>) dst(%dma_wait3A_104 : memref<384x128xf32, #tpu.memory_space<hbm>>)
      tpu.yield
    }) : () -> ()
    %dma_start3A_54 = arith.constant 1920 : i32
    %dma_start3A_55 = tpu.memref_slice %arg5[%dma_start3A_54] : memref<3072xi32, #tpu.memory_space<vmem>> -> memref<384xi32, #tpu.memory_space<vmem>>
    %dma_start3A_56 = arith.constant 0 : i32
    %dma_start3A_57 = arith.constant 0 : i32
    %dma_start3A_58 = tpu.memref_slice %arg2[%dma_start3A_56, %dma_start3A_57] : memref<8192x128xf32, #tpu.memory_space<hbm>> -> memref<8192x128xf32, #tpu.memory_space<hbm>>
    tpu.enqueue_indirect_dma source(%dma_start3A_58 : memref<8192x128xf32, #tpu.memory_space<hbm>>) target(%arg7 : memref<384x128xf32, #tpu.memory_space<vmem>>) offsets(%dma_start3A_55 : memref<384xi32, #tpu.memory_space<vmem>>) semaphore(%arg9 : memref<!tpu.dma_semaphore, #tpu.memory_space<semaphore_mem>>)
    %dma_wait3A_59 = arith.constant 1536 : i32
    %dma_wait3A_60 = tpu.memref_slice %arg5[%dma_wait3A_59] : memref<3072xi32, #tpu.memory_space<vmem>> -> memref<384xi32, #tpu.memory_space<vmem>>
    %dma_wait3A_61 = arith.constant 0 : i32
    %dma_wait3A_62 = arith.constant 0 : i32
    %dma_wait3A_63 = tpu.memref_slice %arg2[%dma_wait3A_61, %dma_wait3A_62] : memref<8192x128xf32, #tpu.memory_space<hbm>> -> memref<8192x128xf32, #tpu.memory_space<hbm>>
    tpu.wait_indirect_dma semaphore(%arg8 : memref<!tpu.dma_semaphore, #tpu.memory_space<semaphore_mem>>) src(%dma_wait3A_63 : memref<8192x128xf32, #tpu.memory_space<hbm>>) dst(%arg6 : memref<384x128xf32, #tpu.memory_space<vmem>>)
    %add3A_64 = arith.constant 1536 : i32
    %add3A_65 = arith.addi %mul3A_2, %add3A_64 : i32
    "tpu.region"() ({
      %run_scoped3A = tpu.sem_alloc : memref<!tpu.dma_semaphore, #tpu.memory_space<semaphore_mem>>
      %dma_start3A_97 = arith.constant 0 : i32
      %dma_start3A_98 = tpu.memref_slice %arg4[%add3A_65, %dma_start3A_97] : memref<98304x128xf32, #tpu.memory_space<hbm>> -> memref<384x128xf32, #tpu.memory_space<hbm>>
      %dma_start3A_99 = arith.constant 0 : i32
      %dma_start3A_100 = tpu.memref_slice %arg4[%add3A_65, %dma_start3A_99] : memref<98304x128xf32, #tpu.memory_space<hbm>> -> memref<384x128xf32, #tpu.memory_space<hbm>>
      tpu.enqueue_dma source(%arg6 : memref<384x128xf32, #tpu.memory_space<vmem>>) target(%dma_start3A_100 : memref<384x128xf32, #tpu.memory_space<hbm>>) target_semaphore(%run_scoped3A : memref<!tpu.dma_semaphore, #tpu.memory_space<semaphore_mem>>)
      %dma_wait3A_101 = arith.constant 0 : i32
      %dma_wait3A_102 = tpu.memref_slice %arg4[%add3A_65, %dma_wait3A_101] : memref<98304x128xf32, #tpu.memory_space<hbm>> -> memref<384x128xf32, #tpu.memory_space<hbm>>
      %dma_wait3A_103 = arith.constant 0 : i32
      %dma_wait3A_104 = tpu.memref_slice %arg4[%add3A_65, %dma_wait3A_103] : memref<98304x128xf32, #tpu.memory_space<hbm>> -> memref<384x128xf32, #tpu.memory_space<hbm>>
      tpu.wait_dma2 semaphore(%run_scoped3A : memref<!tpu.dma_semaphore, #tpu.memory_space<semaphore_mem>>) src(%arg6 : memref<384x128xf32, #tpu.memory_space<vmem>>) dst(%dma_wait3A_104 : memref<384x128xf32, #tpu.memory_space<hbm>>)
      tpu.yield
    }) : () -> ()
    %dma_start3A_66 = arith.constant 2304 : i32
    %dma_start3A_67 = tpu.memref_slice %arg5[%dma_start3A_66] : memref<3072xi32, #tpu.memory_space<vmem>> -> memref<384xi32, #tpu.memory_space<vmem>>
    %dma_start3A_68 = arith.constant 0 : i32
    %dma_start3A_69 = arith.constant 0 : i32
    %dma_start3A_70 = tpu.memref_slice %arg2[%dma_start3A_68, %dma_start3A_69] : memref<8192x128xf32, #tpu.memory_space<hbm>> -> memref<8192x128xf32, #tpu.memory_space<hbm>>
    tpu.enqueue_indirect_dma source(%dma_start3A_70 : memref<8192x128xf32, #tpu.memory_space<hbm>>) target(%arg6 : memref<384x128xf32, #tpu.memory_space<vmem>>) offsets(%dma_start3A_67 : memref<384xi32, #tpu.memory_space<vmem>>) semaphore(%arg8 : memref<!tpu.dma_semaphore, #tpu.memory_space<semaphore_mem>>)
    %dma_wait3A_71 = arith.constant 1920 : i32
    %dma_wait3A_72 = tpu.memref_slice %arg5[%dma_wait3A_71] : memref<3072xi32, #tpu.memory_space<vmem>> -> memref<384xi32, #tpu.memory_space<vmem>>
    %dma_wait3A_73 = arith.constant 0 : i32
    %dma_wait3A_74 = arith.constant 0 : i32
    %dma_wait3A_75 = tpu.memref_slice %arg2[%dma_wait3A_73, %dma_wait3A_74] : memref<8192x128xf32, #tpu.memory_space<hbm>> -> memref<8192x128xf32, #tpu.memory_space<hbm>>
    tpu.wait_indirect_dma semaphore(%arg9 : memref<!tpu.dma_semaphore, #tpu.memory_space<semaphore_mem>>) src(%dma_wait3A_75 : memref<8192x128xf32, #tpu.memory_space<hbm>>) dst(%arg7 : memref<384x128xf32, #tpu.memory_space<vmem>>)
    %add3A_76 = arith.constant 1920 : i32
    %add3A_77 = arith.addi %mul3A_2, %add3A_76 : i32
    "tpu.region"() ({
      %run_scoped3A = tpu.sem_alloc : memref<!tpu.dma_semaphore, #tpu.memory_space<semaphore_mem>>
      %dma_start3A_97 = arith.constant 0 : i32
      %dma_start3A_98 = tpu.memref_slice %arg4[%add3A_77, %dma_start3A_97] : memref<98304x128xf32, #tpu.memory_space<hbm>> -> memref<384x128xf32, #tpu.memory_space<hbm>>
      %dma_start3A_99 = arith.constant 0 : i32
      %dma_start3A_100 = tpu.memref_slice %arg4[%add3A_77, %dma_start3A_99] : memref<98304x128xf32, #tpu.memory_space<hbm>> -> memref<384x128xf32, #tpu.memory_space<hbm>>
      tpu.enqueue_dma source(%arg7 : memref<384x128xf32, #tpu.memory_space<vmem>>) target(%dma_start3A_100 : memref<384x128xf32, #tpu.memory_space<hbm>>) target_semaphore(%run_scoped3A : memref<!tpu.dma_semaphore, #tpu.memory_space<semaphore_mem>>)
      %dma_wait3A_101 = arith.constant 0 : i32
      %dma_wait3A_102 = tpu.memref_slice %arg4[%add3A_77, %dma_wait3A_101] : memref<98304x128xf32, #tpu.memory_space<hbm>> -> memref<384x128xf32, #tpu.memory_space<hbm>>
      %dma_wait3A_103 = arith.constant 0 : i32
      %dma_wait3A_104 = tpu.memref_slice %arg4[%add3A_77, %dma_wait3A_103] : memref<98304x128xf32, #tpu.memory_space<hbm>> -> memref<384x128xf32, #tpu.memory_space<hbm>>
      tpu.wait_dma2 semaphore(%run_scoped3A : memref<!tpu.dma_semaphore, #tpu.memory_space<semaphore_mem>>) src(%arg7 : memref<384x128xf32, #tpu.memory_space<vmem>>) dst(%dma_wait3A_104 : memref<384x128xf32, #tpu.memory_space<hbm>>)
      tpu.yield
    }) : () -> ()
    %dma_start3A_78 = arith.constant 2688 : i32
    %dma_start3A_79 = tpu.memref_slice %arg5[%dma_start3A_78] : memref<3072xi32, #tpu.memory_space<vmem>> -> memref<384xi32, #tpu.memory_space<vmem>>
    %dma_start3A_80 = arith.constant 0 : i32
    %dma_start3A_81 = arith.constant 0 : i32
    %dma_start3A_82 = tpu.memref_slice %arg2[%dma_start3A_80, %dma_start3A_81] : memref<8192x128xf32, #tpu.memory_space<hbm>> -> memref<8192x128xf32, #tpu.memory_space<hbm>>
    tpu.enqueue_indirect_dma source(%dma_start3A_82 : memref<8192x128xf32, #tpu.memory_space<hbm>>) target(%arg7 : memref<384x128xf32, #tpu.memory_space<vmem>>) offsets(%dma_start3A_79 : memref<384xi32, #tpu.memory_space<vmem>>) semaphore(%arg9 : memref<!tpu.dma_semaphore, #tpu.memory_space<semaphore_mem>>)
    %dma_wait3A_83 = arith.constant 2304 : i32
    %dma_wait3A_84 = tpu.memref_slice %arg5[%dma_wait3A_83] : memref<3072xi32, #tpu.memory_space<vmem>> -> memref<384xi32, #tpu.memory_space<vmem>>
    %dma_wait3A_85 = arith.constant 0 : i32
    %dma_wait3A_86 = arith.constant 0 : i32
    %dma_wait3A_87 = tpu.memref_slice %arg2[%dma_wait3A_85, %dma_wait3A_86] : memref<8192x128xf32, #tpu.memory_space<hbm>> -> memref<8192x128xf32, #tpu.memory_space<hbm>>
    tpu.wait_indirect_dma semaphore(%arg8 : memref<!tpu.dma_semaphore, #tpu.memory_space<semaphore_mem>>) src(%dma_wait3A_87 : memref<8192x128xf32, #tpu.memory_space<hbm>>) dst(%arg6 : memref<384x128xf32, #tpu.memory_space<vmem>>)
    %add3A_88 = arith.constant 2304 : i32
    %add3A_89 = arith.addi %mul3A_2, %add3A_88 : i32
    "tpu.region"() ({
      %run_scoped3A = tpu.sem_alloc : memref<!tpu.dma_semaphore, #tpu.memory_space<semaphore_mem>>
      %dma_start3A_97 = arith.constant 0 : i32
      %dma_start3A_98 = tpu.memref_slice %arg4[%add3A_89, %dma_start3A_97] : memref<98304x128xf32, #tpu.memory_space<hbm>> -> memref<384x128xf32, #tpu.memory_space<hbm>>
      %dma_start3A_99 = arith.constant 0 : i32
      %dma_start3A_100 = tpu.memref_slice %arg4[%add3A_89, %dma_start3A_99] : memref<98304x128xf32, #tpu.memory_space<hbm>> -> memref<384x128xf32, #tpu.memory_space<hbm>>
      tpu.enqueue_dma source(%arg6 : memref<384x128xf32, #tpu.memory_space<vmem>>) target(%dma_start3A_100 : memref<384x128xf32, #tpu.memory_space<hbm>>) target_semaphore(%run_scoped3A : memref<!tpu.dma_semaphore, #tpu.memory_space<semaphore_mem>>)
      %dma_wait3A_101 = arith.constant 0 : i32
      %dma_wait3A_102 = tpu.memref_slice %arg4[%add3A_89, %dma_wait3A_101] : memref<98304x128xf32, #tpu.memory_space<hbm>> -> memref<384x128xf32, #tpu.memory_space<hbm>>
      %dma_wait3A_103 = arith.constant 0 : i32
      %dma_wait3A_104 = tpu.memref_slice %arg4[%add3A_89, %dma_wait3A_103] : memref<98304x128xf32, #tpu.memory_space<hbm>> -> memref<384x128xf32, #tpu.memory_space<hbm>>
      tpu.wait_dma2 semaphore(%run_scoped3A : memref<!tpu.dma_semaphore, #tpu.memory_space<semaphore_mem>>) src(%arg6 : memref<384x128xf32, #tpu.memory_space<vmem>>) dst(%dma_wait3A_104 : memref<384x128xf32, #tpu.memory_space<hbm>>)
      tpu.yield
    }) : () -> ()
    %dma_wait3A_90 = arith.constant 2688 : i32
    %dma_wait3A_91 = tpu.memref_slice %arg5[%dma_wait3A_90] : memref<3072xi32, #tpu.memory_space<vmem>> -> memref<384xi32, #tpu.memory_space<vmem>>
    %dma_wait3A_92 = arith.constant 0 : i32
    %dma_wait3A_93 = arith.constant 0 : i32
    %dma_wait3A_94 = tpu.memref_slice %arg2[%dma_wait3A_92, %dma_wait3A_93] : memref<8192x128xf32, #tpu.memory_space<hbm>> -> memref<8192x128xf32, #tpu.memory_space<hbm>>
    tpu.wait_indirect_dma semaphore(%arg9 : memref<!tpu.dma_semaphore, #tpu.memory_space<semaphore_mem>>) src(%dma_wait3A_94 : memref<8192x128xf32, #tpu.memory_space<hbm>>) dst(%arg7 : memref<384x128xf32, #tpu.memory_space<vmem>>)
    %add3A_95 = arith.constant 2688 : i32
    %add3A_96 = arith.addi %mul3A_2, %add3A_95 : i32
    "tpu.region"() ({
      %run_scoped3A = tpu.sem_alloc : memref<!tpu.dma_semaphore, #tpu.memory_space<semaphore_mem>>
      %dma_start3A_97 = arith.constant 0 : i32
      %dma_start3A_98 = tpu.memref_slice %arg4[%add3A_96, %dma_start3A_97] : memref<98304x128xf32, #tpu.memory_space<hbm>> -> memref<384x128xf32, #tpu.memory_space<hbm>>
      %dma_start3A_99 = arith.constant 0 : i32
      %dma_start3A_100 = tpu.memref_slice %arg4[%add3A_96, %dma_start3A_99] : memref<98304x128xf32, #tpu.memory_space<hbm>> -> memref<384x128xf32, #tpu.memory_space<hbm>>
      tpu.enqueue_dma source(%arg7 : memref<384x128xf32, #tpu.memory_space<vmem>>) target(%dma_start3A_100 : memref<384x128xf32, #tpu.memory_space<hbm>>) target_semaphore(%run_scoped3A : memref<!tpu.dma_semaphore, #tpu.memory_space<semaphore_mem>>)
      %dma_wait3A_101 = arith.constant 0 : i32
      %dma_wait3A_102 = tpu.memref_slice %arg4[%add3A_96, %dma_wait3A_101] : memref<98304x128xf32, #tpu.memory_space<hbm>> -> memref<384x128xf32, #tpu.memory_space<hbm>>
      %dma_wait3A_103 = arith.constant 0 : i32
      %dma_wait3A_104 = tpu.memref_slice %arg4[%add3A_96, %dma_wait3A_103] : memref<98304x128xf32, #tpu.memory_space<hbm>> -> memref<384x128xf32, #tpu.memory_space<hbm>>
      tpu.wait_dma2 semaphore(%run_scoped3A : memref<!tpu.dma_semaphore, #tpu.memory_space<semaphore_mem>>) src(%arg7 : memref<384x128xf32, #tpu.memory_space<vmem>>) dst(%dma_wait3A_104 : memref<384x128xf32, #tpu.memory_space<hbm>>)
      tpu.yield
    }) : () -> ()
    return
  }
}

#map = affine_map<(d0, d1) -> (0, 0)>
#map1 = affine_map<(d0, d1) -> (0)>
module attributes {stable_mosaic.version = 14 : i64} {
  func.func @gather_k(%arg0: i32, %arg1: i32, %arg2: memref<8192x128xf32, #tpu.memory_space<hbm>>, %arg3: memref<98304xi32, #tpu.memory_space<hbm>>, %arg4: memref<98304x128xf32, #tpu.memory_space<hbm>>, %arg5: memref<3072xi32, #tpu.memory_space<vmem>>, %arg6: memref<384x128xf32, #tpu.memory_space<vmem>>, %arg7: memref<384x128xf32, #tpu.memory_space<vmem>>, %arg8: memref<!tpu.dma_semaphore, #tpu.memory_space<semaphore_mem>>, %arg9: memref<!tpu.dma_semaphore, #tpu.memory_space<semaphore_mem>>) attributes {dimension_semantics = [#tpu.dimension_semantics<core_parallel>, #tpu.dimension_semantics<subcore_parallel>], iteration_bounds = array<i64: 2, 16>, scalar_prefetch = 0 : i64, scratch_operands = 5 : i64, tpu.core_type = #tpu.core_type<sc_vector_subcore>, window_params = [{transform_indices = #map}, {transform_indices = #map1}, {transform_indices = #map}]} {
    %mul3A = arith.constant 2 : i32
    %mul3A_0 = arith.muli %arg1, %mul3A : i32
    %add3A = arith.addi %mul3A_0, %arg0 : i32
    %mul3A_1 = arith.constant 3072 : i32
    %mul3A_2 = arith.muli %add3A, %mul3A_1 : i32
    "tpu.region"() ({
      %run_scoped3A = tpu.sem_alloc : memref<!tpu.dma_semaphore, #tpu.memory_space<semaphore_mem>>
      %dma_start3A_97 = tpu.memref_slice %arg3[%mul3A_2] : memref<98304xi32, #tpu.memory_space<hbm>> -> memref<3072xi32, #tpu.memory_space<hbm>>
      %dma_start3A_98 = tpu.memref_slice %arg3[%mul3A_2] : memref<98304xi32, #tpu.memory_space<hbm>> -> memref<3072xi32, #tpu.memory_space<hbm>>
      tpu.enqueue_dma source(%dma_start3A_98 : memref<3072xi32, #tpu.memory_space<hbm>>) target(%arg5 : memref<3072xi32, #tpu.memory_space<vmem>>) target_semaphore(%run_scoped3A : memref<!tpu.dma_semaphore, #tpu.memory_space<semaphore_mem>>)
      %dma_wait3A_99 = tpu.memref_slice %arg3[%mul3A_2] : memref<98304xi32, #tpu.memory_space<hbm>> -> memref<3072xi32, #tpu.memory_space<hbm>>
      %dma_wait3A_100 = tpu.memref_slice %arg3[%mul3A_2] : memref<98304xi32, #tpu.memory_space<hbm>> -> memref<3072xi32, #tpu.memory_space<hbm>>
      tpu.wait_dma2 semaphore(%run_scoped3A : memref<!tpu.dma_semaphore, #tpu.memory_space<semaphore_mem>>) src(%dma_wait3A_100 : memref<3072xi32, #tpu.memory_space<hbm>>) dst(%arg5 : memref<3072xi32, #tpu.memory_space<vmem>>)
      tpu.yield
    }) : () -> ()
    %dma_start3A = arith.constant 0 : i32
    %dma_start3A_3 = tpu.memref_slice %arg5[%dma_start3A] : memref<3072xi32, #tpu.memory_space<vmem>> -> memref<384xi32, #tpu.memory_space<vmem>>
    %dma_start3A_4 = arith.constant 0 : i32
    %dma_start3A_5 = arith.constant 0 : i32
    %dma_start3A_6 = tpu.memref_slice %arg2[%dma_start3A_4, %dma_start3A_5] : memref<8192x128xf32, #tpu.memory_space<hbm>> -> memref<8192x128xf32, #tpu.memory_space<hbm>>
    tpu.enqueue_indirect_dma source(%dma_start3A_6 : memref<8192x128xf32, #tpu.memory_space<hbm>>) target(%arg6 : memref<384x128xf32, #tpu.memory_space<vmem>>) offsets(%dma_start3A_3 : memref<384xi32, #tpu.memory_space<vmem>>) semaphore(%arg8 : memref<!tpu.dma_semaphore, #tpu.memory_space<semaphore_mem>>)
    %dma_start3A_7 = arith.constant 384 : i32
    %dma_start3A_8 = tpu.memref_slice %arg5[%dma_start3A_7] : memref<3072xi32, #tpu.memory_space<vmem>> -> memref<384xi32, #tpu.memory_space<vmem>>
    %dma_start3A_9 = arith.constant 0 : i32
    %dma_start3A_10 = arith.constant 0 : i32
    %dma_start3A_11 = tpu.memref_slice %arg2[%dma_start3A_9, %dma_start3A_10] : memref<8192x128xf32, #tpu.memory_space<hbm>> -> memref<8192x128xf32, #tpu.memory_space<hbm>>
    tpu.enqueue_indirect_dma source(%dma_start3A_11 : memref<8192x128xf32, #tpu.memory_space<hbm>>) target(%arg7 : memref<384x128xf32, #tpu.memory_space<vmem>>) offsets(%dma_start3A_8 : memref<384xi32, #tpu.memory_space<vmem>>) semaphore(%arg9 : memref<!tpu.dma_semaphore, #tpu.memory_space<semaphore_mem>>)
    %dma_wait3A = arith.constant 0 : i32
    %dma_wait3A_12 = tpu.memref_slice %arg5[%dma_wait3A] : memref<3072xi32, #tpu.memory_space<vmem>> -> memref<384xi32, #tpu.memory_space<vmem>>
    %dma_wait3A_13 = arith.constant 0 : i32
    %dma_wait3A_14 = arith.constant 0 : i32
    %dma_wait3A_15 = tpu.memref_slice %arg2[%dma_wait3A_13, %dma_wait3A_14] : memref<8192x128xf32, #tpu.memory_space<hbm>> -> memref<8192x128xf32, #tpu.memory_space<hbm>>
    tpu.wait_indirect_dma semaphore(%arg8 : memref<!tpu.dma_semaphore, #tpu.memory_space<semaphore_mem>>) src(%dma_wait3A_15 : memref<8192x128xf32, #tpu.memory_space<hbm>>) dst(%arg6 : memref<384x128xf32, #tpu.memory_space<vmem>>)
    %add3A_16 = arith.constant 0 : i32
    %add3A_17 = arith.addi %mul3A_2, %add3A_16 : i32
    "tpu.region"() ({
      %run_scoped3A = tpu.sem_alloc : memref<!tpu.dma_semaphore, #tpu.memory_space<semaphore_mem>>
      %dma_start3A_97 = arith.constant 0 : i32
      %dma_start3A_98 = tpu.memref_slice %arg4[%add3A_17, %dma_start3A_97] : memref<98304x128xf32, #tpu.memory_space<hbm>> -> memref<384x128xf32, #tpu.memory_space<hbm>>
      %dma_start3A_99 = arith.constant 0 : i32
      %dma_start3A_100 = tpu.memref_slice %arg4[%add3A_17, %dma_start3A_99] : memref<98304x128xf32, #tpu.memory_space<hbm>> -> memref<384x128xf32, #tpu.memory_space<hbm>>
      tpu.enqueue_dma source(%arg6 : memref<384x128xf32, #tpu.memory_space<vmem>>) target(%dma_start3A_100 : memref<384x128xf32, #tpu.memory_space<hbm>>) target_semaphore(%run_scoped3A : memref<!tpu.dma_semaphore, #tpu.memory_space<semaphore_mem>>)
      %dma_wait3A_101 = arith.constant 0 : i32
      %dma_wait3A_102 = tpu.memref_slice %arg4[%add3A_17, %dma_wait3A_101] : memref<98304x128xf32, #tpu.memory_space<hbm>> -> memref<384x128xf32, #tpu.memory_space<hbm>>
      %dma_wait3A_103 = arith.constant 0 : i32
      %dma_wait3A_104 = tpu.memref_slice %arg4[%add3A_17, %dma_wait3A_103] : memref<98304x128xf32, #tpu.memory_space<hbm>> -> memref<384x128xf32, #tpu.memory_space<hbm>>
      tpu.wait_dma2 semaphore(%run_scoped3A : memref<!tpu.dma_semaphore, #tpu.memory_space<semaphore_mem>>) src(%arg6 : memref<384x128xf32, #tpu.memory_space<vmem>>) dst(%dma_wait3A_104 : memref<384x128xf32, #tpu.memory_space<hbm>>)
      tpu.yield
    }) : () -> ()
    %dma_start3A_18 = arith.constant 768 : i32
    %dma_start3A_19 = tpu.memref_slice %arg5[%dma_start3A_18] : memref<3072xi32, #tpu.memory_space<vmem>> -> memref<384xi32, #tpu.memory_space<vmem>>
    %dma_start3A_20 = arith.constant 0 : i32
    %dma_start3A_21 = arith.constant 0 : i32
    %dma_start3A_22 = tpu.memref_slice %arg2[%dma_start3A_20, %dma_start3A_21] : memref<8192x128xf32, #tpu.memory_space<hbm>> -> memref<8192x128xf32, #tpu.memory_space<hbm>>
    tpu.enqueue_indirect_dma source(%dma_start3A_22 : memref<8192x128xf32, #tpu.memory_space<hbm>>) target(%arg6 : memref<384x128xf32, #tpu.memory_space<vmem>>) offsets(%dma_start3A_19 : memref<384xi32, #tpu.memory_space<vmem>>) semaphore(%arg8 : memref<!tpu.dma_semaphore, #tpu.memory_space<semaphore_mem>>)
    %dma_wait3A_23 = arith.constant 384 : i32
    %dma_wait3A_24 = tpu.memref_slice %arg5[%dma_wait3A_23] : memref<3072xi32, #tpu.memory_space<vmem>> -> memref<384xi32, #tpu.memory_space<vmem>>
    %dma_wait3A_25 = arith.constant 0 : i32
    %dma_wait3A_26 = arith.constant 0 : i32
    %dma_wait3A_27 = tpu.memref_slice %arg2[%dma_wait3A_25, %dma_wait3A_26] : memref<8192x128xf32, #tpu.memory_space<hbm>> -> memref<8192x128xf32, #tpu.memory_space<hbm>>
    tpu.wait_indirect_dma semaphore(%arg9 : memref<!tpu.dma_semaphore, #tpu.memory_space<semaphore_mem>>) src(%dma_wait3A_27 : memref<8192x128xf32, #tpu.memory_space<hbm>>) dst(%arg7 : memref<384x128xf32, #tpu.memory_space<vmem>>)
    %add3A_28 = arith.constant 384 : i32
    %add3A_29 = arith.addi %mul3A_2, %add3A_28 : i32
    "tpu.region"() ({
      %run_scoped3A = tpu.sem_alloc : memref<!tpu.dma_semaphore, #tpu.memory_space<semaphore_mem>>
      %dma_start3A_97 = arith.constant 0 : i32
      %dma_start3A_98 = tpu.memref_slice %arg4[%add3A_29, %dma_start3A_97] : memref<98304x128xf32, #tpu.memory_space<hbm>> -> memref<384x128xf32, #tpu.memory_space<hbm>>
      %dma_start3A_99 = arith.constant 0 : i32
      %dma_start3A_100 = tpu.memref_slice %arg4[%add3A_29, %dma_start3A_99] : memref<98304x128xf32, #tpu.memory_space<hbm>> -> memref<384x128xf32, #tpu.memory_space<hbm>>
      tpu.enqueue_dma source(%arg7 : memref<384x128xf32, #tpu.memory_space<vmem>>) target(%dma_start3A_100 : memref<384x128xf32, #tpu.memory_space<hbm>>) target_semaphore(%run_scoped3A : memref<!tpu.dma_semaphore, #tpu.memory_space<semaphore_mem>>)
      %dma_wait3A_101 = arith.constant 0 : i32
      %dma_wait3A_102 = tpu.memref_slice %arg4[%add3A_29, %dma_wait3A_101] : memref<98304x128xf32, #tpu.memory_space<hbm>> -> memref<384x128xf32, #tpu.memory_space<hbm>>
      %dma_wait3A_103 = arith.constant 0 : i32
      %dma_wait3A_104 = tpu.memref_slice %arg4[%add3A_29, %dma_wait3A_103] : memref<98304x128xf32, #tpu.memory_space<hbm>> -> memref<384x128xf32, #tpu.memory_space<hbm>>
      tpu.wait_dma2 semaphore(%run_scoped3A : memref<!tpu.dma_semaphore, #tpu.memory_space<semaphore_mem>>) src(%arg7 : memref<384x128xf32, #tpu.memory_space<vmem>>) dst(%dma_wait3A_104 : memref<384x128xf32, #tpu.memory_space<hbm>>)
      tpu.yield
    }) : () -> ()
    %dma_start3A_30 = arith.constant 1152 : i32
    %dma_start3A_31 = tpu.memref_slice %arg5[%dma_start3A_30] : memref<3072xi32, #tpu.memory_space<vmem>> -> memref<384xi32, #tpu.memory_space<vmem>>
    %dma_start3A_32 = arith.constant 0 : i32
    %dma_start3A_33 = arith.constant 0 : i32
    %dma_start3A_34 = tpu.memref_slice %arg2[%dma_start3A_32, %dma_start3A_33] : memref<8192x128xf32, #tpu.memory_space<hbm>> -> memref<8192x128xf32, #tpu.memory_space<hbm>>
    tpu.enqueue_indirect_dma source(%dma_start3A_34 : memref<8192x128xf32, #tpu.memory_space<hbm>>) target(%arg7 : memref<384x128xf32, #tpu.memory_space<vmem>>) offsets(%dma_start3A_31 : memref<384xi32, #tpu.memory_space<vmem>>) semaphore(%arg9 : memref<!tpu.dma_semaphore, #tpu.memory_space<semaphore_mem>>)
    %dma_wait3A_35 = arith.constant 768 : i32
    %dma_wait3A_36 = tpu.memref_slice %arg5[%dma_wait3A_35] : memref<3072xi32, #tpu.memory_space<vmem>> -> memref<384xi32, #tpu.memory_space<vmem>>
    %dma_wait3A_37 = arith.constant 0 : i32
    %dma_wait3A_38 = arith.constant 0 : i32
    %dma_wait3A_39 = tpu.memref_slice %arg2[%dma_wait3A_37, %dma_wait3A_38] : memref<8192x128xf32, #tpu.memory_space<hbm>> -> memref<8192x128xf32, #tpu.memory_space<hbm>>
    tpu.wait_indirect_dma semaphore(%arg8 : memref<!tpu.dma_semaphore, #tpu.memory_space<semaphore_mem>>) src(%dma_wait3A_39 : memref<8192x128xf32, #tpu.memory_space<hbm>>) dst(%arg6 : memref<384x128xf32, #tpu.memory_space<vmem>>)
    %add3A_40 = arith.constant 768 : i32
    %add3A_41 = arith.addi %mul3A_2, %add3A_40 : i32
    "tpu.region"() ({
      %run_scoped3A = tpu.sem_alloc : memref<!tpu.dma_semaphore, #tpu.memory_space<semaphore_mem>>
      %dma_start3A_97 = arith.constant 0 : i32
      %dma_start3A_98 = tpu.memref_slice %arg4[%add3A_41, %dma_start3A_97] : memref<98304x128xf32, #tpu.memory_space<hbm>> -> memref<384x128xf32, #tpu.memory_space<hbm>>
      %dma_start3A_99 = arith.constant 0 : i32
      %dma_start3A_100 = tpu.memref_slice %arg4[%add3A_41, %dma_start3A_99] : memref<98304x128xf32, #tpu.memory_space<hbm>> -> memref<384x128xf32, #tpu.memory_space<hbm>>
      tpu.enqueue_dma source(%arg6 : memref<384x128xf32, #tpu.memory_space<vmem>>) target(%dma_start3A_100 : memref<384x128xf32, #tpu.memory_space<hbm>>) target_semaphore(%run_scoped3A : memref<!tpu.dma_semaphore, #tpu.memory_space<semaphore_mem>>)
      %dma_wait3A_101 = arith.constant 0 : i32
      %dma_wait3A_102 = tpu.memref_slice %arg4[%add3A_41, %dma_wait3A_101] : memref<98304x128xf32, #tpu.memory_space<hbm>> -> memref<384x128xf32, #tpu.memory_space<hbm>>
      %dma_wait3A_103 = arith.constant 0 : i32
      %dma_wait3A_104 = tpu.memref_slice %arg4[%add3A_41, %dma_wait3A_103] : memref<98304x128xf32, #tpu.memory_space<hbm>> -> memref<384x128xf32, #tpu.memory_space<hbm>>
      tpu.wait_dma2 semaphore(%run_scoped3A : memref<!tpu.dma_semaphore, #tpu.memory_space<semaphore_mem>>) src(%arg6 : memref<384x128xf32, #tpu.memory_space<vmem>>) dst(%dma_wait3A_104 : memref<384x128xf32, #tpu.memory_space<hbm>>)
      tpu.yield
    }) : () -> ()
    %dma_start3A_42 = arith.constant 1536 : i32
    %dma_start3A_43 = tpu.memref_slice %arg5[%dma_start3A_42] : memref<3072xi32, #tpu.memory_space<vmem>> -> memref<384xi32, #tpu.memory_space<vmem>>
    %dma_start3A_44 = arith.constant 0 : i32
    %dma_start3A_45 = arith.constant 0 : i32
    %dma_start3A_46 = tpu.memref_slice %arg2[%dma_start3A_44, %dma_start3A_45] : memref<8192x128xf32, #tpu.memory_space<hbm>> -> memref<8192x128xf32, #tpu.memory_space<hbm>>
    tpu.enqueue_indirect_dma source(%dma_start3A_46 : memref<8192x128xf32, #tpu.memory_space<hbm>>) target(%arg6 : memref<384x128xf32, #tpu.memory_space<vmem>>) offsets(%dma_start3A_43 : memref<384xi32, #tpu.memory_space<vmem>>) semaphore(%arg8 : memref<!tpu.dma_semaphore, #tpu.memory_space<semaphore_mem>>)
    %dma_wait3A_47 = arith.constant 1152 : i32
    %dma_wait3A_48 = tpu.memref_slice %arg5[%dma_wait3A_47] : memref<3072xi32, #tpu.memory_space<vmem>> -> memref<384xi32, #tpu.memory_space<vmem>>
    %dma_wait3A_49 = arith.constant 0 : i32
    %dma_wait3A_50 = arith.constant 0 : i32
    %dma_wait3A_51 = tpu.memref_slice %arg2[%dma_wait3A_49, %dma_wait3A_50] : memref<8192x128xf32, #tpu.memory_space<hbm>> -> memref<8192x128xf32, #tpu.memory_space<hbm>>
    tpu.wait_indirect_dma semaphore(%arg9 : memref<!tpu.dma_semaphore, #tpu.memory_space<semaphore_mem>>) src(%dma_wait3A_51 : memref<8192x128xf32, #tpu.memory_space<hbm>>) dst(%arg7 : memref<384x128xf32, #tpu.memory_space<vmem>>)
    %add3A_52 = arith.constant 1152 : i32
    %add3A_53 = arith.addi %mul3A_2, %add3A_52 : i32
    "tpu.region"() ({
      %run_scoped3A = tpu.sem_alloc : memref<!tpu.dma_semaphore, #tpu.memory_space<semaphore_mem>>
      %dma_start3A_97 = arith.constant 0 : i32
      %dma_start3A_98 = tpu.memref_slice %arg4[%add3A_53, %dma_start3A_97] : memref<98304x128xf32, #tpu.memory_space<hbm>> -> memref<384x128xf32, #tpu.memory_space<hbm>>
      %dma_start3A_99 = arith.constant 0 : i32
      %dma_start3A_100 = tpu.memref_slice %arg4[%add3A_53, %dma_start3A_99] : memref<98304x128xf32, #tpu.memory_space<hbm>> -> memref<384x128xf32, #tpu.memory_space<hbm>>
      tpu.enqueue_dma source(%arg7 : memref<384x128xf32, #tpu.memory_space<vmem>>) target(%dma_start3A_100 : memref<384x128xf32, #tpu.memory_space<hbm>>) target_semaphore(%run_scoped3A : memref<!tpu.dma_semaphore, #tpu.memory_space<semaphore_mem>>)
      %dma_wait3A_101 = arith.constant 0 : i32
      %dma_wait3A_102 = tpu.memref_slice %arg4[%add3A_53, %dma_wait3A_101] : memref<98304x128xf32, #tpu.memory_space<hbm>> -> memref<384x128xf32, #tpu.memory_space<hbm>>
      %dma_wait3A_103 = arith.constant 0 : i32
      %dma_wait3A_104 = tpu.memref_slice %arg4[%add3A_53, %dma_wait3A_103] : memref<98304x128xf32, #tpu.memory_space<hbm>> -> memref<384x128xf32, #tpu.memory_space<hbm>>
      tpu.wait_dma2 semaphore(%run_scoped3A : memref<!tpu.dma_semaphore, #tpu.memory_space<semaphore_mem>>) src(%arg7 : memref<384x128xf32, #tpu.memory_space<vmem>>) dst(%dma_wait3A_104 : memref<384x128xf32, #tpu.memory_space<hbm>>)
      tpu.yield
    }) : () -> ()
    %dma_start3A_54 = arith.constant 1920 : i32
    %dma_start3A_55 = tpu.memref_slice %arg5[%dma_start3A_54] : memref<3072xi32, #tpu.memory_space<vmem>> -> memref<384xi32, #tpu.memory_space<vmem>>
    %dma_start3A_56 = arith.constant 0 : i32
    %dma_start3A_57 = arith.constant 0 : i32
    %dma_start3A_58 = tpu.memref_slice %arg2[%dma_start3A_56, %dma_start3A_57] : memref<8192x128xf32, #tpu.memory_space<hbm>> -> memref<8192x128xf32, #tpu.memory_space<hbm>>
    tpu.enqueue_indirect_dma source(%dma_start3A_58 : memref<8192x128xf32, #tpu.memory_space<hbm>>) target(%arg7 : memref<384x128xf32, #tpu.memory_space<vmem>>) offsets(%dma_start3A_55 : memref<384xi32, #tpu.memory_space<vmem>>) semaphore(%arg9 : memref<!tpu.dma_semaphore, #tpu.memory_space<semaphore_mem>>)
    %dma_wait3A_59 = arith.constant 1536 : i32
    %dma_wait3A_60 = tpu.memref_slice %arg5[%dma_wait3A_59] : memref<3072xi32, #tpu.memory_space<vmem>> -> memref<384xi32, #tpu.memory_space<vmem>>
    %dma_wait3A_61 = arith.constant 0 : i32
    %dma_wait3A_62 = arith.constant 0 : i32
    %dma_wait3A_63 = tpu.memref_slice %arg2[%dma_wait3A_61, %dma_wait3A_62] : memref<8192x128xf32, #tpu.memory_space<hbm>> -> memref<8192x128xf32, #tpu.memory_space<hbm>>
    tpu.wait_indirect_dma semaphore(%arg8 : memref<!tpu.dma_semaphore, #tpu.memory_space<semaphore_mem>>) src(%dma_wait3A_63 : memref<8192x128xf32, #tpu.memory_space<hbm>>) dst(%arg6 : memref<384x128xf32, #tpu.memory_space<vmem>>)
    %add3A_64 = arith.constant 1536 : i32
    %add3A_65 = arith.addi %mul3A_2, %add3A_64 : i32
    "tpu.region"() ({
      %run_scoped3A = tpu.sem_alloc : memref<!tpu.dma_semaphore, #tpu.memory_space<semaphore_mem>>
      %dma_start3A_97 = arith.constant 0 : i32
      %dma_start3A_98 = tpu.memref_slice %arg4[%add3A_65, %dma_start3A_97] : memref<98304x128xf32, #tpu.memory_space<hbm>> -> memref<384x128xf32, #tpu.memory_space<hbm>>
      %dma_start3A_99 = arith.constant 0 : i32
      %dma_start3A_100 = tpu.memref_slice %arg4[%add3A_65, %dma_start3A_99] : memref<98304x128xf32, #tpu.memory_space<hbm>> -> memref<384x128xf32, #tpu.memory_space<hbm>>
      tpu.enqueue_dma source(%arg6 : memref<384x128xf32, #tpu.memory_space<vmem>>) target(%dma_start3A_100 : memref<384x128xf32, #tpu.memory_space<hbm>>) target_semaphore(%run_scoped3A : memref<!tpu.dma_semaphore, #tpu.memory_space<semaphore_mem>>)
      %dma_wait3A_101 = arith.constant 0 : i32
      %dma_wait3A_102 = tpu.memref_slice %arg4[%add3A_65, %dma_wait3A_101] : memref<98304x128xf32, #tpu.memory_space<hbm>> -> memref<384x128xf32, #tpu.memory_space<hbm>>
      %dma_wait3A_103 = arith.constant 0 : i32
      %dma_wait3A_104 = tpu.memref_slice %arg4[%add3A_65, %dma_wait3A_103] : memref<98304x128xf32, #tpu.memory_space<hbm>> -> memref<384x128xf32, #tpu.memory_space<hbm>>
      tpu.wait_dma2 semaphore(%run_scoped3A : memref<!tpu.dma_semaphore, #tpu.memory_space<semaphore_mem>>) src(%arg6 : memref<384x128xf32, #tpu.memory_space<vmem>>) dst(%dma_wait3A_104 : memref<384x128xf32, #tpu.memory_space<hbm>>)
      tpu.yield
    }) : () -> ()
    %dma_start3A_66 = arith.constant 2304 : i32
    %dma_start3A_67 = tpu.memref_slice %arg5[%dma_start3A_66] : memref<3072xi32, #tpu.memory_space<vmem>> -> memref<384xi32, #tpu.memory_space<vmem>>
    %dma_start3A_68 = arith.constant 0 : i32
    %dma_start3A_69 = arith.constant 0 : i32
    %dma_start3A_70 = tpu.memref_slice %arg2[%dma_start3A_68, %dma_start3A_69] : memref<8192x128xf32, #tpu.memory_space<hbm>> -> memref<8192x128xf32, #tpu.memory_space<hbm>>
    tpu.enqueue_indirect_dma source(%dma_start3A_70 : memref<8192x128xf32, #tpu.memory_space<hbm>>) target(%arg6 : memref<384x128xf32, #tpu.memory_space<vmem>>) offsets(%dma_start3A_67 : memref<384xi32, #tpu.memory_space<vmem>>) semaphore(%arg8 : memref<!tpu.dma_semaphore, #tpu.memory_space<semaphore_mem>>)
    %dma_wait3A_71 = arith.constant 1920 : i32
    %dma_wait3A_72 = tpu.memref_slice %arg5[%dma_wait3A_71] : memref<3072xi32, #tpu.memory_space<vmem>> -> memref<384xi32, #tpu.memory_space<vmem>>
    %dma_wait3A_73 = arith.constant 0 : i32
    %dma_wait3A_74 = arith.constant 0 : i32
    %dma_wait3A_75 = tpu.memref_slice %arg2[%dma_wait3A_73, %dma_wait3A_74] : memref<8192x128xf32, #tpu.memory_space<hbm>> -> memref<8192x128xf32, #tpu.memory_space<hbm>>
    tpu.wait_indirect_dma semaphore(%arg9 : memref<!tpu.dma_semaphore, #tpu.memory_space<semaphore_mem>>) src(%dma_wait3A_75 : memref<8192x128xf32, #tpu.memory_space<hbm>>) dst(%arg7 : memref<384x128xf32, #tpu.memory_space<vmem>>)
    %add3A_76 = arith.constant 1920 : i32
    %add3A_77 = arith.addi %mul3A_2, %add3A_76 : i32
    "tpu.region"() ({
      %run_scoped3A = tpu.sem_alloc : memref<!tpu.dma_semaphore, #tpu.memory_space<semaphore_mem>>
      %dma_start3A_97 = arith.constant 0 : i32
      %dma_start3A_98 = tpu.memref_slice %arg4[%add3A_77, %dma_start3A_97] : memref<98304x128xf32, #tpu.memory_space<hbm>> -> memref<384x128xf32, #tpu.memory_space<hbm>>
      %dma_start3A_99 = arith.constant 0 : i32
      %dma_start3A_100 = tpu.memref_slice %arg4[%add3A_77, %dma_start3A_99] : memref<98304x128xf32, #tpu.memory_space<hbm>> -> memref<384x128xf32, #tpu.memory_space<hbm>>
      tpu.enqueue_dma source(%arg7 : memref<384x128xf32, #tpu.memory_space<vmem>>) target(%dma_start3A_100 : memref<384x128xf32, #tpu.memory_space<hbm>>) target_semaphore(%run_scoped3A : memref<!tpu.dma_semaphore, #tpu.memory_space<semaphore_mem>>)
      %dma_wait3A_101 = arith.constant 0 : i32
      %dma_wait3A_102 = tpu.memref_slice %arg4[%add3A_77, %dma_wait3A_101] : memref<98304x128xf32, #tpu.memory_space<hbm>> -> memref<384x128xf32, #tpu.memory_space<hbm>>
      %dma_wait3A_103 = arith.constant 0 : i32
      %dma_wait3A_104 = tpu.memref_slice %arg4[%add3A_77, %dma_wait3A_103] : memref<98304x128xf32, #tpu.memory_space<hbm>> -> memref<384x128xf32, #tpu.memory_space<hbm>>
      tpu.wait_dma2 semaphore(%run_scoped3A : memref<!tpu.dma_semaphore, #tpu.memory_space<semaphore_mem>>) src(%arg7 : memref<384x128xf32, #tpu.memory_space<vmem>>) dst(%dma_wait3A_104 : memref<384x128xf32, #tpu.memory_space<hbm>>)
      tpu.yield
    }) : () -> ()
    %dma_start3A_78 = arith.constant 2688 : i32
    %dma_start3A_79 = tpu.memref_slice %arg5[%dma_start3A_78] : memref<3072xi32, #tpu.memory_space<vmem>> -> memref<384xi32, #tpu.memory_space<vmem>>
    %dma_start3A_80 = arith.constant 0 : i32
    %dma_start3A_81 = arith.constant 0 : i32
    %dma_start3A_82 = tpu.memref_slice %arg2[%dma_start3A_80, %dma_start3A_81] : memref<8192x128xf32, #tpu.memory_space<hbm>> -> memref<8192x128xf32, #tpu.memory_space<hbm>>
    tpu.enqueue_indirect_dma source(%dma_start3A_82 : memref<8192x128xf32, #tpu.memory_space<hbm>>) target(%arg7 : memref<384x128xf32, #tpu.memory_space<vmem>>) offsets(%dma_start3A_79 : memref<384xi32, #tpu.memory_space<vmem>>) semaphore(%arg9 : memref<!tpu.dma_semaphore, #tpu.memory_space<semaphore_mem>>)
    %dma_wait3A_83 = arith.constant 2304 : i32
    %dma_wait3A_84 = tpu.memref_slice %arg5[%dma_wait3A_83] : memref<3072xi32, #tpu.memory_space<vmem>> -> memref<384xi32, #tpu.memory_space<vmem>>
    %dma_wait3A_85 = arith.constant 0 : i32
    %dma_wait3A_86 = arith.constant 0 : i32
    %dma_wait3A_87 = tpu.memref_slice %arg2[%dma_wait3A_85, %dma_wait3A_86] : memref<8192x128xf32, #tpu.memory_space<hbm>> -> memref<8192x128xf32, #tpu.memory_space<hbm>>
    tpu.wait_indirect_dma semaphore(%arg8 : memref<!tpu.dma_semaphore, #tpu.memory_space<semaphore_mem>>) src(%dma_wait3A_87 : memref<8192x128xf32, #tpu.memory_space<hbm>>) dst(%arg6 : memref<384x128xf32, #tpu.memory_space<vmem>>)
    %add3A_88 = arith.constant 2304 : i32
    %add3A_89 = arith.addi %mul3A_2, %add3A_88 : i32
    "tpu.region"() ({
      %run_scoped3A = tpu.sem_alloc : memref<!tpu.dma_semaphore, #tpu.memory_space<semaphore_mem>>
      %dma_start3A_97 = arith.constant 0 : i32
      %dma_start3A_98 = tpu.memref_slice %arg4[%add3A_89, %dma_start3A_97] : memref<98304x128xf32, #tpu.memory_space<hbm>> -> memref<384x128xf32, #tpu.memory_space<hbm>>
      %dma_start3A_99 = arith.constant 0 : i32
      %dma_start3A_100 = tpu.memref_slice %arg4[%add3A_89, %dma_start3A_99] : memref<98304x128xf32, #tpu.memory_space<hbm>> -> memref<384x128xf32, #tpu.memory_space<hbm>>
      tpu.enqueue_dma source(%arg6 : memref<384x128xf32, #tpu.memory_space<vmem>>) target(%dma_start3A_100 : memref<384x128xf32, #tpu.memory_space<hbm>>) target_semaphore(%run_scoped3A : memref<!tpu.dma_semaphore, #tpu.memory_space<semaphore_mem>>)
      %dma_wait3A_101 = arith.constant 0 : i32
      %dma_wait3A_102 = tpu.memref_slice %arg4[%add3A_89, %dma_wait3A_101] : memref<98304x128xf32, #tpu.memory_space<hbm>> -> memref<384x128xf32, #tpu.memory_space<hbm>>
      %dma_wait3A_103 = arith.constant 0 : i32
      %dma_wait3A_104 = tpu.memref_slice %arg4[%add3A_89, %dma_wait3A_103] : memref<98304x128xf32, #tpu.memory_space<hbm>> -> memref<384x128xf32, #tpu.memory_space<hbm>>
      tpu.wait_dma2 semaphore(%run_scoped3A : memref<!tpu.dma_semaphore, #tpu.memory_space<semaphore_mem>>) src(%arg6 : memref<384x128xf32, #tpu.memory_space<vmem>>) dst(%dma_wait3A_104 : memref<384x128xf32, #tpu.memory_space<hbm>>)
      tpu.yield
    }) : () -> ()
    %dma_wait3A_90 = arith.constant 2688 : i32
    %dma_wait3A_91 = tpu.memref_slice %arg5[%dma_wait3A_90] : memref<3072xi32, #tpu.memory_space<vmem>> -> memref<384xi32, #tpu.memory_space<vmem>>
    %dma_wait3A_92 = arith.constant 0 : i32
    %dma_wait3A_93 = arith.constant 0 : i32
    %dma_wait3A_94 = tpu.memref_slice %arg2[%dma_wait3A_92, %dma_wait3A_93] : memref<8192x128xf32, #tpu.memory_space<hbm>> -> memref<8192x128xf32, #tpu.memory_space<hbm>>
    tpu.wait_indirect_dma semaphore(%arg9 : memref<!tpu.dma_semaphore, #tpu.memory_space<semaphore_mem>>) src(%dma_wait3A_94 : memref<8192x128xf32, #tpu.memory_space<hbm>>) dst(%arg7 : memref<384x128xf32, #tpu.memory_space<vmem>>)
    %add3A_95 = arith.constant 2688 : i32
    %add3A_96 = arith.addi %mul3A_2, %add3A_95 : i32
    "tpu.region"() ({
      %run_scoped3A = tpu.sem_alloc : memref<!tpu.dma_semaphore, #tpu.memory_space<semaphore_mem>>
      %dma_start3A_97 = arith.constant 0 : i32
      %dma_start3A_98 = tpu.memref_slice %arg4[%add3A_96, %dma_start3A_97] : memref<98304x128xf32, #tpu.memory_space<hbm>> -> memref<384x128xf32, #tpu.memory_space<hbm>>
      %dma_start3A_99 = arith.constant 0 : i32
      %dma_start3A_100 = tpu.memref_slice %arg4[%add3A_96, %dma_start3A_99] : memref<98304x128xf32, #tpu.memory_space<hbm>> -> memref<384x128xf32, #tpu.memory_space<hbm>>
      tpu.enqueue_dma source(%arg7 : memref<384x128xf32, #tpu.memory_space<vmem>>) target(%dma_start3A_100 : memref<384x128xf32, #tpu.memory_space<hbm>>) target_semaphore(%run_scoped3A : memref<!tpu.dma_semaphore, #tpu.memory_space<semaphore_mem>>)
      %dma_wait3A_101 = arith.constant 0 : i32
      %dma_wait3A_102 = tpu.memref_slice %arg4[%add3A_96, %dma_wait3A_101] : memref<98304x128xf32, #tpu.memory_space<hbm>> -> memref<384x128xf32, #tpu.memory_space<hbm>>
      %dma_wait3A_103 = arith.constant 0 : i32
      %dma_wait3A_104 = tpu.memref_slice %arg4[%add3A_96, %dma_wait3A_103] : memref<98304x128xf32, #tpu.memory_space<hbm>> -> memref<384x128xf32, #tpu.memory_space<hbm>>
      tpu.wait_dma2 semaphore(%run_scoped3A : memref<!tpu.dma_semaphore, #tpu.memory_space<semaphore_mem>>) src(%arg7 : memref<384x128xf32, #tpu.memory_space<vmem>>) dst(%dma_wait3A_104 : memref<384x128xf32, #tpu.memory_space<hbm>>)
      tpu.yield
    }) : () -> ()
    return
  }
}

module attributes {stable_mosaic.version = 14 : i64} {
  func.func @_prep_body(%arg0: memref<64x8192xf32, #tpu.memory_space<vmem>>, %arg1: memref<64x8192xf32, #tpu.memory_space<vmem>>, %arg2: memref<8x8192xf32, #tpu.memory_space<vmem>>) attributes {dimension_semantics = [], scalar_prefetch = 0 : i64, scratch_operands = 0 : i64, tpu.core_type = #tpu.core_type<tc>} {
    %get3A = arith.constant 0 : index
    %get3A_0 = arith.constant 0 : index
    %get3A_1 = vector.load %arg0[%get3A, %get3A_0] : memref<64x8192xf32, #tpu.memory_space<vmem>>, vector<64x8192xf32>
    %mul3A = arith.constant -2.000000e+00 : f32
    %mul3A_2 = vector.broadcast %mul3A : f32 to vector<64x8192xf32>
    %mul3A_3 = arith.mulf %mul3A_2, %get3A_1 : vector<64x8192xf32>
    %swap3A = arith.constant 0 : index
    %swap3A_4 = arith.constant 0 : index
    %swap3A_5 = vector.load %arg1[%swap3A, %swap3A_4] : memref<64x8192xf32, #tpu.memory_space<vmem>>, vector<64x8192xf32>
    tpu.vector_store %arg1[%swap3A, %swap3A_4], %mul3A_3 {strides = array<i32>} : memref<64x8192xf32, #tpu.memory_space<vmem>>, vector<64x8192xf32>,
    %mul3A_6 = arith.mulf %get3A_1, %get3A_1 : vector<64x8192xf32>
    %reduce_sum3A = arith.constant dense<0.000000e+00> : vector<8192xf32>
    %reduce_sum3A_7 = vector.multi_reduction <add>, %mul3A_6, %reduce_sum3A [0] : vector<64x8192xf32> to vector<8192xf32>
    %broadcast_in_dim3A = vector.shape_cast %reduce_sum3A_7 : vector<8192xf32> to vector<1x8192xf32>
    %broadcast_in_dim3A_8 = vector.shape_cast %broadcast_in_dim3A : vector<1x8192xf32> to vector<1x8192xf32>
    %broadcast_in_dim3A_9 = vector.broadcast %broadcast_in_dim3A_8 : vector<1x8192xf32> to vector<8x8192xf32>
    %swap3A_10 = arith.constant 0 : index
    %swap3A_11 = arith.constant 0 : index
    %swap3A_12 = vector.load %arg2[%swap3A_10, %swap3A_11] : memref<8x8192xf32, #tpu.memory_space<vmem>>, vector<8x8192xf32>
    tpu.vector_store %arg2[%swap3A_10, %swap3A_11], %broadcast_in_dim3A_9 {strides = array<i32>} : memref<8x8192xf32, #tpu.memory_space<vmem>>, vector<8x8192xf32>,
    return
  }
}

module attributes {stable_mosaic.version = 14 : i64} {
  func.func @_argmin_body(%arg0: i32, %arg1: memref<1024x64xf32, #tpu.memory_space<vmem>>, %arg2: memref<64x8192xf32, #tpu.memory_space<vmem>>, %arg3: memref<8x8192xf32, #tpu.memory_space<vmem>>, %arg4: memref<1x1x1024xi32, #tpu.memory_space<vmem>>) attributes {dimension_semantics = [#tpu.dimension_semantics<arbitrary>], iteration_bounds = array<i64: 96>, scalar_prefetch = 0 : i64, scratch_operands = 0 : i64, tpu.core_type = #tpu.core_type<tc>, window_params = [{transform_indices = @transform_0, window_bounds = array<i64: 1024, 64>}, {pipeline_mode = #tpu.pipeline_mode<synchronous>, transform_indices = @transform_1, window_bounds = array<i64: 64, 8192>}, {pipeline_mode = #tpu.pipeline_mode<synchronous>, transform_indices = @transform_2, window_bounds = array<i64: 8, 8192>}, {transform_indices = @transform_3, window_bounds = array<i64: 1, 1, 1024>}]} {
    %get3A = arith.constant 0 : index
    %get3A_0 = arith.constant 0 : index
    %get3A_1 = vector.load %arg1[%get3A, %get3A_0] : memref<1024x64xf32, #tpu.memory_space<vmem>>, vector<1024x64xf32>
    %broadcast_in_dim3A = arith.constant 3.000000e+38 : f32
    %broadcast_in_dim3A_2 = vector.broadcast %broadcast_in_dim3A : f32 to vector<1024x1xf32>
    %broadcast_in_dim3A_3 = arith.constant 2.000000e+00 : f32
    %broadcast_in_dim3A_4 = vector.broadcast %broadcast_in_dim3A_3 : f32 to vector<1024x1xf32>
    %get3A_5 = arith.constant 0 : index
    %get3A_6 = arith.constant 0 : index
    %get3A_7 = vector.load %arg2[%get3A_5, %get3A_6] : memref<64x8192xf32, #tpu.memory_space<vmem>>, vector<64x512xf32>
    %dot_general3A = arith.constant dense<0.000000e+00> : vector<1024x512xf32>
    %dot_general3A_8 = tpu.matmul %get3A_1, %get3A_7, %dot_general3A {dimension_numbers = #tpu.dot_dimension_numbers<[1], [0], [0], [1], [0, 0, 1, 1], [], []>, transpose_lhs_hint = false} : vector<1024x64xf32>, vector<64x512xf32>, vector<1024x512xf32> -> vector<1024x512xf32>
    %get3A_9 = arith.constant 0 : index
    %get3A_10 = arith.constant 0 : index
    %get3A_11 = vector.load %arg3[%get3A_9, %get3A_10] : memref<8x8192xf32, #tpu.memory_space<vmem>>, vector<1x512xf32>
    %add3A = vector.broadcast %get3A_11 : vector<1x512xf32> to vector<1024x512xf32>
    %add3A_12 = arith.addf %dot_general3A_8, %add3A : vector<1024x512xf32>
    %reduce_min3A = arith.constant dense<0x7F800000> : vector<1024xf32>
    %reduce_min3A_13 = vector.multi_reduction <minimumf>, %add3A_12, %reduce_min3A [1] : vector<1024x512xf32> to vector<1024xf32>
    %broadcast_in_dim3A_14 = vector.shape_cast %reduce_min3A_13 : vector<1024xf32> to vector<1024x1xf32>
    %iota3A = tpu.iota {dimensions = array<i32: 1>} : vector<1024x512xi32>
    %add3A_15 = arith.constant 0 : i32
    %add3A_16 = vector.broadcast %add3A_15 : i32 to vector<1024x512xi32>
    %add3A_17 = arith.addi %iota3A, %add3A_16 : vector<1024x512xi32>
    %le3A = vector.broadcast %broadcast_in_dim3A_14 : vector<1024x1xf32> to vector<1024x512xf32>
    %le3A_18 = arith.cmpf ole, %add3A_12, %le3A : vector<1024x512xf32>
    %or3A = arith.constant 1065353216 : i32
    %or3A_19 = vector.broadcast %or3A : i32 to vector<1024x512xi32>
    %or3A_20 = arith.ori %add3A_17, %or3A_19 : vector<1024x512xi32>
    %jit3A = arith.constant 1073741824 : i32
    %broadcast_in_dim3A_21 = vector.broadcast %jit3A : i32 to vector<1024x512xi32>
    %select_n3A = arith.select %le3A_18, %or3A_20, %broadcast_in_dim3A_21 : vector<1024x512xi1>, vector<1024x512xi32>
    %bitcast_convert_type3A = tpu.bitcast %select_n3A : vector<1024x512xi32> -> vector<1024x512xf32>
    %reduce_min3A_22 = arith.constant dense<0x7F800000> : vector<1024xf32>
    %reduce_min3A_23 = vector.multi_reduction <minimumf>, %bitcast_convert_type3A, %reduce_min3A_22 [1] : vector<1024x512xf32> to vector<1024xf32>
    %broadcast_in_dim3A_24 = vector.shape_cast %reduce_min3A_23 : vector<1024xf32> to vector<1024x1xf32>
    %lt3A = arith.cmpf olt, %broadcast_in_dim3A_14, %broadcast_in_dim3A_2 : vector<1024x1xf32>
    %select_n3A_25 = arith.select %lt3A, %broadcast_in_dim3A_24, %broadcast_in_dim3A_4 : vector<1024x1xi1>, vector<1024x1xf32>
    %select_n3A_26 = arith.select %lt3A, %broadcast_in_dim3A_14, %broadcast_in_dim3A_2 : vector<1024x1xi1>, vector<1024x1xf32>
    %get3A_27 = arith.constant 0 : index
    %get3A_28 = arith.constant 512 : index
    %get3A_29 = vector.load %arg2[%get3A_27, %get3A_28] : memref<64x8192xf32, #tpu.memory_space<vmem>>, vector<64x512xf32>
    %dot_general3A_30 = arith.constant dense<0.000000e+00> : vector<1024x512xf32>
    %dot_general3A_31 = tpu.matmul %get3A_1, %get3A_29, %dot_general3A_30 {dimension_numbers = #tpu.dot_dimension_numbers<[1], [0], [0], [1], [0, 0, 1, 1], [], []>, transpose_lhs_hint = false} : vector<1024x64xf32>, vector<64x512xf32>, vector<1024x512xf32> -> vector<1024x512xf32>
    %get3A_32 = arith.constant 0 : index
    %get3A_33 = arith.constant 512 : index
    %get3A_34 = vector.load %arg3[%get3A_32, %get3A_33] : memref<8x8192xf32, #tpu.memory_space<vmem>>, vector<1x512xf32>
    %add3A_35 = vector.broadcast %get3A_34 : vector<1x512xf32> to vector<1024x512xf32>
    %add3A_36 = arith.addf %dot_general3A_31, %add3A_35 : vector<1024x512xf32>
    %reduce_min3A_37 = arith.constant dense<0x7F800000> : vector<1024xf32>
    %reduce_min3A_38 = vector.multi_reduction <minimumf>, %add3A_36, %reduce_min3A_37 [1] : vector<1024x512xf32> to vector<1024xf32>
    %broadcast_in_dim3A_39 = vector.shape_cast %reduce_min3A_38 : vector<1024xf32> to vector<1024x1xf32>
    %iota3A_40 = tpu.iota {dimensions = array<i32: 1>} : vector<1024x512xi32>
    %add3A_41 = arith.constant 512 : i32
    %add3A_42 = vector.broadcast %add3A_41 : i32 to vector<1024x512xi32>
    %add3A_43 = arith.addi %iota3A_40, %add3A_42 : vector<1024x512xi32>
    %le3A_44 = vector.broadcast %broadcast_in_dim3A_39 : vector<1024x1xf32> to vector<1024x512xf32>
    %le3A_45 = arith.cmpf ole, %add3A_36, %le3A_44 : vector<1024x512xf32>
    %or3A_46 = arith.constant 1065353216 : i32
    %or3A_47 = vector.broadcast %or3A_46 : i32 to vector<1024x512xi32>
    %or3A_48 = arith.ori %add3A_43, %or3A_47 : vector<1024x512xi32>
    %jit3A_49 = arith.constant 1073741824 : i32
    %broadcast_in_dim3A_50 = vector.broadcast %jit3A_49 : i32 to vector<1024x512xi32>
    %select_n3A_51 = arith.select %le3A_45, %or3A_48, %broadcast_in_dim3A_50 : vector<1024x512xi1>, vector<1024x512xi32>
    %bitcast_convert_type3A_52 = tpu.bitcast %select_n3A_51 : vector<1024x512xi32> -> vector<1024x512xf32>
    %reduce_min3A_53 = arith.constant dense<0x7F800000> : vector<1024xf32>
    %reduce_min3A_54 = vector.multi_reduction <minimumf>, %bitcast_convert_type3A_52, %reduce_min3A_53 [1] : vector<1024x512xf32> to vector<1024xf32>
    %broadcast_in_dim3A_55 = vector.shape_cast %reduce_min3A_54 : vector<1024xf32> to vector<1024x1xf32>
    %lt3A_56 = arith.cmpf olt, %broadcast_in_dim3A_39, %select_n3A_26 : vector<1024x1xf32>
    %select_n3A_57 = arith.select %lt3A_56, %broadcast_in_dim3A_55, %select_n3A_25 : vector<1024x1xi1>, vector<1024x1xf32>
    %select_n3A_58 = arith.select %lt3A_56, %broadcast_in_dim3A_39, %select_n3A_26 : vector<1024x1xi1>, vector<1024x1xf32>
    %get3A_59 = arith.constant 0 : index
    %get3A_60 = arith.constant 1024 : index
    %get3A_61 = vector.load %arg2[%get3A_59, %get3A_60] : memref<64x8192xf32, #tpu.memory_space<vmem>>, vector<64x512xf32>
    %dot_general3A_62 = arith.constant dense<0.000000e+00> : vector<1024x512xf32>
    %dot_general3A_63 = tpu.matmul %get3A_1, %get3A_61, %dot_general3A_62 {dimension_numbers = #tpu.dot_dimension_numbers<[1], [0], [0], [1], [0, 0, 1, 1], [], []>, transpose_lhs_hint = false} : vector<1024x64xf32>, vector<64x512xf32>, vector<1024x512xf32> -> vector<1024x512xf32>
    %get3A_64 = arith.constant 0 : index
    %get3A_65 = arith.constant 1024 : index
    %get3A_66 = vector.load %arg3[%get3A_64, %get3A_65] : memref<8x8192xf32, #tpu.memory_space<vmem>>, vector<1x512xf32>
    %add3A_67 = vector.broadcast %get3A_66 : vector<1x512xf32> to vector<1024x512xf32>
    %add3A_68 = arith.addf %dot_general3A_63, %add3A_67 : vector<1024x512xf32>
    %reduce_min3A_69 = arith.constant dense<0x7F800000> : vector<1024xf32>
    %reduce_min3A_70 = vector.multi_reduction <minimumf>, %add3A_68, %reduce_min3A_69 [1] : vector<1024x512xf32> to vector<1024xf32>
    %broadcast_in_dim3A_71 = vector.shape_cast %reduce_min3A_70 : vector<1024xf32> to vector<1024x1xf32>
    %iota3A_72 = tpu.iota {dimensions = array<i32: 1>} : vector<1024x512xi32>
    %add3A_73 = arith.constant 1024 : i32
    %add3A_74 = vector.broadcast %add3A_73 : i32 to vector<1024x512xi32>
    %add3A_75 = arith.addi %iota3A_72, %add3A_74 : vector<1024x512xi32>
    %le3A_76 = vector.broadcast %broadcast_in_dim3A_71 : vector<1024x1xf32> to vector<1024x512xf32>
    %le3A_77 = arith.cmpf ole, %add3A_68, %le3A_76 : vector<1024x512xf32>
    %or3A_78 = arith.constant 1065353216 : i32
    %or3A_79 = vector.broadcast %or3A_78 : i32 to vector<1024x512xi32>
    %or3A_80 = arith.ori %add3A_75, %or3A_79 : vector<1024x512xi32>
    %jit3A_81 = arith.constant 1073741824 : i32
    %broadcast_in_dim3A_82 = vector.broadcast %jit3A_81 : i32 to vector<1024x512xi32>
    %select_n3A_83 = arith.select %le3A_77, %or3A_80, %broadcast_in_dim3A_82 : vector<1024x512xi1>, vector<1024x512xi32>
    %bitcast_convert_type3A_84 = tpu.bitcast %select_n3A_83 : vector<1024x512xi32> -> vector<1024x512xf32>
    %reduce_min3A_85 = arith.constant dense<0x7F800000> : vector<1024xf32>
    %reduce_min3A_86 = vector.multi_reduction <minimumf>, %bitcast_convert_type3A_84, %reduce_min3A_85 [1] : vector<1024x512xf32> to vector<1024xf32>
    %broadcast_in_dim3A_87 = vector.shape_cast %reduce_min3A_86 : vector<1024xf32> to vector<1024x1xf32>
    %lt3A_88 = arith.cmpf olt, %broadcast_in_dim3A_71, %select_n3A_58 : vector<1024x1xf32>
    %select_n3A_89 = arith.select %lt3A_88, %broadcast_in_dim3A_87, %select_n3A_57 : vector<1024x1xi1>, vector<1024x1xf32>
    %select_n3A_90 = arith.select %lt3A_88, %broadcast_in_dim3A_71, %select_n3A_58 : vector<1024x1xi1>, vector<1024x1xf32>
    %get3A_91 = arith.constant 0 : index
    %get3A_92 = arith.constant 1536 : index
    %get3A_93 = vector.load %arg2[%get3A_91, %get3A_92] : memref<64x8192xf32, #tpu.memory_space<vmem>>, vector<64x512xf32>
    %dot_general3A_94 = arith.constant dense<0.000000e+00> : vector<1024x512xf32>
    %dot_general3A_95 = tpu.matmul %get3A_1, %get3A_93, %dot_general3A_94 {dimension_numbers = #tpu.dot_dimension_numbers<[1], [0], [0], [1], [0, 0, 1, 1], [], []>, transpose_lhs_hint = false} : vector<1024x64xf32>, vector<64x512xf32>, vector<1024x512xf32> -> vector<1024x512xf32>
    %get3A_96 = arith.constant 0 : index
    %get3A_97 = arith.constant 1536 : index
    %get3A_98 = vector.load %arg3[%get3A_96, %get3A_97] : memref<8x8192xf32, #tpu.memory_space<vmem>>, vector<1x512xf32>
    %add3A_99 = vector.broadcast %get3A_98 : vector<1x512xf32> to vector<1024x512xf32>
    %add3A_100 = arith.addf %dot_general3A_95, %add3A_99 : vector<1024x512xf32>
    %reduce_min3A_101 = arith.constant dense<0x7F800000> : vector<1024xf32>
    %reduce_min3A_102 = vector.multi_reduction <minimumf>, %add3A_100, %reduce_min3A_101 [1] : vector<1024x512xf32> to vector<1024xf32>
    %broadcast_in_dim3A_103 = vector.shape_cast %reduce_min3A_102 : vector<1024xf32> to vector<1024x1xf32>
    %iota3A_104 = tpu.iota {dimensions = array<i32: 1>} : vector<1024x512xi32>
    %add3A_105 = arith.constant 1536 : i32
    %add3A_106 = vector.broadcast %add3A_105 : i32 to vector<1024x512xi32>
    %add3A_107 = arith.addi %iota3A_104, %add3A_106 : vector<1024x512xi32>
    %le3A_108 = vector.broadcast %broadcast_in_dim3A_103 : vector<1024x1xf32> to vector<1024x512xf32>
    %le3A_109 = arith.cmpf ole, %add3A_100, %le3A_108 : vector<1024x512xf32>
    %or3A_110 = arith.constant 1065353216 : i32
    %or3A_111 = vector.broadcast %or3A_110 : i32 to vector<1024x512xi32>
    %or3A_112 = arith.ori %add3A_107, %or3A_111 : vector<1024x512xi32>
    %jit3A_113 = arith.constant 1073741824 : i32
    %broadcast_in_dim3A_114 = vector.broadcast %jit3A_113 : i32 to vector<1024x512xi32>
    %select_n3A_115 = arith.select %le3A_109, %or3A_112, %broadcast_in_dim3A_114 : vector<1024x512xi1>, vector<1024x512xi32>
    %bitcast_convert_type3A_116 = tpu.bitcast %select_n3A_115 : vector<1024x512xi32> -> vector<1024x512xf32>
    %reduce_min3A_117 = arith.constant dense<0x7F800000> : vector<1024xf32>
    %reduce_min3A_118 = vector.multi_reduction <minimumf>, %bitcast_convert_type3A_116, %reduce_min3A_117 [1] : vector<1024x512xf32> to vector<1024xf32>
    %broadcast_in_dim3A_119 = vector.shape_cast %reduce_min3A_118 : vector<1024xf32> to vector<1024x1xf32>
    %lt3A_120 = arith.cmpf olt, %broadcast_in_dim3A_103, %select_n3A_90 : vector<1024x1xf32>
    %select_n3A_121 = arith.select %lt3A_120, %broadcast_in_dim3A_119, %select_n3A_89 : vector<1024x1xi1>, vector<1024x1xf32>
    %select_n3A_122 = arith.select %lt3A_120, %broadcast_in_dim3A_103, %select_n3A_90 : vector<1024x1xi1>, vector<1024x1xf32>
    %get3A_123 = arith.constant 0 : index
    %get3A_124 = arith.constant 2048 : index
    %get3A_125 = vector.load %arg2[%get3A_123, %get3A_124] : memref<64x8192xf32, #tpu.memory_space<vmem>>, vector<64x512xf32>
    %dot_general3A_126 = arith.constant dense<0.000000e+00> : vector<1024x512xf32>
    %dot_general3A_127 = tpu.matmul %get3A_1, %get3A_125, %dot_general3A_126 {dimension_numbers = #tpu.dot_dimension_numbers<[1], [0], [0], [1], [0, 0, 1, 1], [], []>, transpose_lhs_hint = false} : vector<1024x64xf32>, vector<64x512xf32>, vector<1024x512xf32> -> vector<1024x512xf32>
    %get3A_128 = arith.constant 0 : index
    %get3A_129 = arith.constant 2048 : index
    %get3A_130 = vector.load %arg3[%get3A_128, %get3A_129] : memref<8x8192xf32, #tpu.memory_space<vmem>>, vector<1x512xf32>
    %add3A_131 = vector.broadcast %get3A_130 : vector<1x512xf32> to vector<1024x512xf32>
    %add3A_132 = arith.addf %dot_general3A_127, %add3A_131 : vector<1024x512xf32>
    %reduce_min3A_133 = arith.constant dense<0x7F800000> : vector<1024xf32>
    %reduce_min3A_134 = vector.multi_reduction <minimumf>, %add3A_132, %reduce_min3A_133 [1] : vector<1024x512xf32> to vector<1024xf32>
    %broadcast_in_dim3A_135 = vector.shape_cast %reduce_min3A_134 : vector<1024xf32> to vector<1024x1xf32>
    %iota3A_136 = tpu.iota {dimensions = array<i32: 1>} : vector<1024x512xi32>
    %add3A_137 = arith.constant 2048 : i32
    %add3A_138 = vector.broadcast %add3A_137 : i32 to vector<1024x512xi32>
    %add3A_139 = arith.addi %iota3A_136, %add3A_138 : vector<1024x512xi32>
    %le3A_140 = vector.broadcast %broadcast_in_dim3A_135 : vector<1024x1xf32> to vector<1024x512xf32>
    %le3A_141 = arith.cmpf ole, %add3A_132, %le3A_140 : vector<1024x512xf32>
    %or3A_142 = arith.constant 1065353216 : i32
    %or3A_143 = vector.broadcast %or3A_142 : i32 to vector<1024x512xi32>
    %or3A_144 = arith.ori %add3A_139, %or3A_143 : vector<1024x512xi32>
    %jit3A_145 = arith.constant 1073741824 : i32
    %broadcast_in_dim3A_146 = vector.broadcast %jit3A_145 : i32 to vector<1024x512xi32>
    %select_n3A_147 = arith.select %le3A_141, %or3A_144, %broadcast_in_dim3A_146 : vector<1024x512xi1>, vector<1024x512xi32>
    %bitcast_convert_type3A_148 = tpu.bitcast %select_n3A_147 : vector<1024x512xi32> -> vector<1024x512xf32>
    %reduce_min3A_149 = arith.constant dense<0x7F800000> : vector<1024xf32>
    %reduce_min3A_150 = vector.multi_reduction <minimumf>, %bitcast_convert_type3A_148, %reduce_min3A_149 [1] : vector<1024x512xf32> to vector<1024xf32>
    %broadcast_in_dim3A_151 = vector.shape_cast %reduce_min3A_150 : vector<1024xf32> to vector<1024x1xf32>
    %lt3A_152 = arith.cmpf olt, %broadcast_in_dim3A_135, %select_n3A_122 : vector<1024x1xf32>
    %select_n3A_153 = arith.select %lt3A_152, %broadcast_in_dim3A_151, %select_n3A_121 : vector<1024x1xi1>, vector<1024x1xf32>
    %select_n3A_154 = arith.select %lt3A_152, %broadcast_in_dim3A_135, %select_n3A_122 : vector<1024x1xi1>, vector<1024x1xf32>
    %get3A_155 = arith.constant 0 : index
    %get3A_156 = arith.constant 2560 : index
    %get3A_157 = vector.load %arg2[%get3A_155, %get3A_156] : memref<64x8192xf32, #tpu.memory_space<vmem>>, vector<64x512xf32>
    %dot_general3A_158 = arith.constant dense<0.000000e+00> : vector<1024x512xf32>
    %dot_general3A_159 = tpu.matmul %get3A_1, %get3A_157, %dot_general3A_158 {dimension_numbers = #tpu.dot_dimension_numbers<[1], [0], [0], [1], [0, 0, 1, 1], [], []>, transpose_lhs_hint = false} : vector<1024x64xf32>, vector<64x512xf32>, vector<1024x512xf32> -> vector<1024x512xf32>
    %get3A_160 = arith.constant 0 : index
    %get3A_161 = arith.constant 2560 : index
    %get3A_162 = vector.load %arg3[%get3A_160, %get3A_161] : memref<8x8192xf32, #tpu.memory_space<vmem>>, vector<1x512xf32>
    %add3A_163 = vector.broadcast %get3A_162 : vector<1x512xf32> to vector<1024x512xf32>
    %add3A_164 = arith.addf %dot_general3A_159, %add3A_163 : vector<1024x512xf32>
    %reduce_min3A_165 = arith.constant dense<0x7F800000> : vector<1024xf32>
    %reduce_min3A_166 = vector.multi_reduction <minimumf>, %add3A_164, %reduce_min3A_165 [1] : vector<1024x512xf32> to vector<1024xf32>
    %broadcast_in_dim3A_167 = vector.shape_cast %reduce_min3A_166 : vector<1024xf32> to vector<1024x1xf32>
    %iota3A_168 = tpu.iota {dimensions = array<i32: 1>} : vector<1024x512xi32>
    %add3A_169 = arith.constant 2560 : i32
    %add3A_170 = vector.broadcast %add3A_169 : i32 to vector<1024x512xi32>
    %add3A_171 = arith.addi %iota3A_168, %add3A_170 : vector<1024x512xi32>
    %le3A_172 = vector.broadcast %broadcast_in_dim3A_167 : vector<1024x1xf32> to vector<1024x512xf32>
    %le3A_173 = arith.cmpf ole, %add3A_164, %le3A_172 : vector<1024x512xf32>
    %or3A_174 = arith.constant 1065353216 : i32
    %or3A_175 = vector.broadcast %or3A_174 : i32 to vector<1024x512xi32>
    %or3A_176 = arith.ori %add3A_171, %or3A_175 : vector<1024x512xi32>
    %jit3A_177 = arith.constant 1073741824 : i32
    %broadcast_in_dim3A_178 = vector.broadcast %jit3A_177 : i32 to vector<1024x512xi32>
    %select_n3A_179 = arith.select %le3A_173, %or3A_176, %broadcast_in_dim3A_178 : vector<1024x512xi1>, vector<1024x512xi32>
    %bitcast_convert_type3A_180 = tpu.bitcast %select_n3A_179 : vector<1024x512xi32> -> vector<1024x512xf32>
    %reduce_min3A_181 = arith.constant dense<0x7F800000> : vector<1024xf32>
    %reduce_min3A_182 = vector.multi_reduction <minimumf>, %bitcast_convert_type3A_180, %reduce_min3A_181 [1] : vector<1024x512xf32> to vector<1024xf32>
    %broadcast_in_dim3A_183 = vector.shape_cast %reduce_min3A_182 : vector<1024xf32> to vector<1024x1xf32>
    %lt3A_184 = arith.cmpf olt, %broadcast_in_dim3A_167, %select_n3A_154 : vector<1024x1xf32>
    %select_n3A_185 = arith.select %lt3A_184, %broadcast_in_dim3A_183, %select_n3A_153 : vector<1024x1xi1>, vector<1024x1xf32>
    %select_n3A_186 = arith.select %lt3A_184, %broadcast_in_dim3A_167, %select_n3A_154 : vector<1024x1xi1>, vector<1024x1xf32>
    %get3A_187 = arith.constant 0 : index
    %get3A_188 = arith.constant 3072 : index
    %get3A_189 = vector.load %arg2[%get3A_187, %get3A_188] : memref<64x8192xf32, #tpu.memory_space<vmem>>, vector<64x512xf32>
    %dot_general3A_190 = arith.constant dense<0.000000e+00> : vector<1024x512xf32>
    %dot_general3A_191 = tpu.matmul %get3A_1, %get3A_189, %dot_general3A_190 {dimension_numbers = #tpu.dot_dimension_numbers<[1], [0], [0], [1], [0, 0, 1, 1], [], []>, transpose_lhs_hint = false} : vector<1024x64xf32>, vector<64x512xf32>, vector<1024x512xf32> -> vector<1024x512xf32>
    %get3A_192 = arith.constant 0 : index
    %get3A_193 = arith.constant 3072 : index
    %get3A_194 = vector.load %arg3[%get3A_192, %get3A_193] : memref<8x8192xf32, #tpu.memory_space<vmem>>, vector<1x512xf32>
    %add3A_195 = vector.broadcast %get3A_194 : vector<1x512xf32> to vector<1024x512xf32>
    %add3A_196 = arith.addf %dot_general3A_191, %add3A_195 : vector<1024x512xf32>
    %reduce_min3A_197 = arith.constant dense<0x7F800000> : vector<1024xf32>
    %reduce_min3A_198 = vector.multi_reduction <minimumf>, %add3A_196, %reduce_min3A_197 [1] : vector<1024x512xf32> to vector<1024xf32>
    %broadcast_in_dim3A_199 = vector.shape_cast %reduce_min3A_198 : vector<1024xf32> to vector<1024x1xf32>
    %iota3A_200 = tpu.iota {dimensions = array<i32: 1>} : vector<1024x512xi32>
    %add3A_201 = arith.constant 3072 : i32
    %add3A_202 = vector.broadcast %add3A_201 : i32 to vector<1024x512xi32>
    %add3A_203 = arith.addi %iota3A_200, %add3A_202 : vector<1024x512xi32>
    %le3A_204 = vector.broadcast %broadcast_in_dim3A_199 : vector<1024x1xf32> to vector<1024x512xf32>
    %le3A_205 = arith.cmpf ole, %add3A_196, %le3A_204 : vector<1024x512xf32>
    %or3A_206 = arith.constant 1065353216 : i32
    %or3A_207 = vector.broadcast %or3A_206 : i32 to vector<1024x512xi32>
    %or3A_208 = arith.ori %add3A_203, %or3A_207 : vector<1024x512xi32>
    %jit3A_209 = arith.constant 1073741824 : i32
    %broadcast_in_dim3A_210 = vector.broadcast %jit3A_209 : i32 to vector<1024x512xi32>
    %select_n3A_211 = arith.select %le3A_205, %or3A_208, %broadcast_in_dim3A_210 : vector<1024x512xi1>, vector<1024x512xi32>
    %bitcast_convert_type3A_212 = tpu.bitcast %select_n3A_211 : vector<1024x512xi32> -> vector<1024x512xf32>
    %reduce_min3A_213 = arith.constant dense<0x7F800000> : vector<1024xf32>
    %reduce_min3A_214 = vector.multi_reduction <minimumf>, %bitcast_convert_type3A_212, %reduce_min3A_213 [1] : vector<1024x512xf32> to vector<1024xf32>
    %broadcast_in_dim3A_215 = vector.shape_cast %reduce_min3A_214 : vector<1024xf32> to vector<1024x1xf32>
    %lt3A_216 = arith.cmpf olt, %broadcast_in_dim3A_199, %select_n3A_186 : vector<1024x1xf32>
    %select_n3A_217 = arith.select %lt3A_216, %broadcast_in_dim3A_215, %select_n3A_185 : vector<1024x1xi1>, vector<1024x1xf32>
    %select_n3A_218 = arith.select %lt3A_216, %broadcast_in_dim3A_199, %select_n3A_186 : vector<1024x1xi1>, vector<1024x1xf32>
    %get3A_219 = arith.constant 0 : index
    %get3A_220 = arith.constant 3584 : index
    %get3A_221 = vector.load %arg2[%get3A_219, %get3A_220] : memref<64x8192xf32, #tpu.memory_space<vmem>>, vector<64x512xf32>
    %dot_general3A_222 = arith.constant dense<0.000000e+00> : vector<1024x512xf32>
    %dot_general3A_223 = tpu.matmul %get3A_1, %get3A_221, %dot_general3A_222 {dimension_numbers = #tpu.dot_dimension_numbers<[1], [0], [0], [1], [0, 0, 1, 1], [], []>, transpose_lhs_hint = false} : vector<1024x64xf32>, vector<64x512xf32>, vector<1024x512xf32> -> vector<1024x512xf32>
    %get3A_224 = arith.constant 0 : index
    %get3A_225 = arith.constant 3584 : index
    %get3A_226 = vector.load %arg3[%get3A_224, %get3A_225] : memref<8x8192xf32, #tpu.memory_space<vmem>>, vector<1x512xf32>
    %add3A_227 = vector.broadcast %get3A_226 : vector<1x512xf32> to vector<1024x512xf32>
    %add3A_228 = arith.addf %dot_general3A_223, %add3A_227 : vector<1024x512xf32>
    %reduce_min3A_229 = arith.constant dense<0x7F800000> : vector<1024xf32>
    %reduce_min3A_230 = vector.multi_reduction <minimumf>, %add3A_228, %reduce_min3A_229 [1] : vector<1024x512xf32> to vector<1024xf32>
    %broadcast_in_dim3A_231 = vector.shape_cast %reduce_min3A_230 : vector<1024xf32> to vector<1024x1xf32>
    %iota3A_232 = tpu.iota {dimensions = array<i32: 1>} : vector<1024x512xi32>
    %add3A_233 = arith.constant 3584 : i32
    %add3A_234 = vector.broadcast %add3A_233 : i32 to vector<1024x512xi32>
    %add3A_235 = arith.addi %iota3A_232, %add3A_234 : vector<1024x512xi32>
    %le3A_236 = vector.broadcast %broadcast_in_dim3A_231 : vector<1024x1xf32> to vector<1024x512xf32>
    %le3A_237 = arith.cmpf ole, %add3A_228, %le3A_236 : vector<1024x512xf32>
    %or3A_238 = arith.constant 1065353216 : i32
    %or3A_239 = vector.broadcast %or3A_238 : i32 to vector<1024x512xi32>
    %or3A_240 = arith.ori %add3A_235, %or3A_239 : vector<1024x512xi32>
    %jit3A_241 = arith.constant 1073741824 : i32
    %broadcast_in_dim3A_242 = vector.broadcast %jit3A_241 : i32 to vector<1024x512xi32>
    %select_n3A_243 = arith.select %le3A_237, %or3A_240, %broadcast_in_dim3A_242 : vector<1024x512xi1>, vector<1024x512xi32>
    %bitcast_convert_type3A_244 = tpu.bitcast %select_n3A_243 : vector<1024x512xi32> -> vector<1024x512xf32>
    %reduce_min3A_245 = arith.constant dense<0x7F800000> : vector<1024xf32>
    %reduce_min3A_246 = vector.multi_reduction <minimumf>, %bitcast_convert_type3A_244, %reduce_min3A_245 [1] : vector<1024x512xf32> to vector<1024xf32>
    %broadcast_in_dim3A_247 = vector.shape_cast %reduce_min3A_246 : vector<1024xf32> to vector<1024x1xf32>
    %lt3A_248 = arith.cmpf olt, %broadcast_in_dim3A_231, %select_n3A_218 : vector<1024x1xf32>
    %select_n3A_249 = arith.select %lt3A_248, %broadcast_in_dim3A_247, %select_n3A_217 : vector<1024x1xi1>, vector<1024x1xf32>
    %select_n3A_250 = arith.select %lt3A_248, %broadcast_in_dim3A_231, %select_n3A_218 : vector<1024x1xi1>, vector<1024x1xf32>
    %get3A_251 = arith.constant 0 : index
    %get3A_252 = arith.constant 4096 : index
    %get3A_253 = vector.load %arg2[%get3A_251, %get3A_252] : memref<64x8192xf32, #tpu.memory_space<vmem>>, vector<64x512xf32>
    %dot_general3A_254 = arith.constant dense<0.000000e+00> : vector<1024x512xf32>
    %dot_general3A_255 = tpu.matmul %get3A_1, %get3A_253, %dot_general3A_254 {dimension_numbers = #tpu.dot_dimension_numbers<[1], [0], [0], [1], [0, 0, 1, 1], [], []>, transpose_lhs_hint = false} : vector<1024x64xf32>, vector<64x512xf32>, vector<1024x512xf32> -> vector<1024x512xf32>
    %get3A_256 = arith.constant 0 : index
    %get3A_257 = arith.constant 4096 : index
    %get3A_258 = vector.load %arg3[%get3A_256, %get3A_257] : memref<8x8192xf32, #tpu.memory_space<vmem>>, vector<1x512xf32>
    %add3A_259 = vector.broadcast %get3A_258 : vector<1x512xf32> to vector<1024x512xf32>
    %add3A_260 = arith.addf %dot_general3A_255, %add3A_259 : vector<1024x512xf32>
    %reduce_min3A_261 = arith.constant dense<0x7F800000> : vector<1024xf32>
    %reduce_min3A_262 = vector.multi_reduction <minimumf>, %add3A_260, %reduce_min3A_261 [1] : vector<1024x512xf32> to vector<1024xf32>
    %broadcast_in_dim3A_263 = vector.shape_cast %reduce_min3A_262 : vector<1024xf32> to vector<1024x1xf32>
    %iota3A_264 = tpu.iota {dimensions = array<i32: 1>} : vector<1024x512xi32>
    %add3A_265 = arith.constant 4096 : i32
    %add3A_266 = vector.broadcast %add3A_265 : i32 to vector<1024x512xi32>
    %add3A_267 = arith.addi %iota3A_264, %add3A_266 : vector<1024x512xi32>
    %le3A_268 = vector.broadcast %broadcast_in_dim3A_263 : vector<1024x1xf32> to vector<1024x512xf32>
    %le3A_269 = arith.cmpf ole, %add3A_260, %le3A_268 : vector<1024x512xf32>
    %or3A_270 = arith.constant 1065353216 : i32
    %or3A_271 = vector.broadcast %or3A_270 : i32 to vector<1024x512xi32>
    %or3A_272 = arith.ori %add3A_267, %or3A_271 : vector<1024x512xi32>
    %jit3A_273 = arith.constant 1073741824 : i32
    %broadcast_in_dim3A_274 = vector.broadcast %jit3A_273 : i32 to vector<1024x512xi32>
    %select_n3A_275 = arith.select %le3A_269, %or3A_272, %broadcast_in_dim3A_274 : vector<1024x512xi1>, vector<1024x512xi32>
    %bitcast_convert_type3A_276 = tpu.bitcast %select_n3A_275 : vector<1024x512xi32> -> vector<1024x512xf32>
    %reduce_min3A_277 = arith.constant dense<0x7F800000> : vector<1024xf32>
    %reduce_min3A_278 = vector.multi_reduction <minimumf>, %bitcast_convert_type3A_276, %reduce_min3A_277 [1] : vector<1024x512xf32> to vector<1024xf32>
    %broadcast_in_dim3A_279 = vector.shape_cast %reduce_min3A_278 : vector<1024xf32> to vector<1024x1xf32>
    %lt3A_280 = arith.cmpf olt, %broadcast_in_dim3A_263, %select_n3A_250 : vector<1024x1xf32>
    %select_n3A_281 = arith.select %lt3A_280, %broadcast_in_dim3A_279, %select_n3A_249 : vector<1024x1xi1>, vector<1024x1xf32>
    %select_n3A_282 = arith.select %lt3A_280, %broadcast_in_dim3A_263, %select_n3A_250 : vector<1024x1xi1>, vector<1024x1xf32>
    %get3A_283 = arith.constant 0 : index
    %get3A_284 = arith.constant 4608 : index
    %get3A_285 = vector.load %arg2[%get3A_283, %get3A_284] : memref<64x8192xf32, #tpu.memory_space<vmem>>, vector<64x512xf32>
    %dot_general3A_286 = arith.constant dense<0.000000e+00> : vector<1024x512xf32>
    %dot_general3A_287 = tpu.matmul %get3A_1, %get3A_285, %dot_general3A_286 {dimension_numbers = #tpu.dot_dimension_numbers<[1], [0], [0], [1], [0, 0, 1, 1], [], []>, transpose_lhs_hint = false} : vector<1024x64xf32>, vector<64x512xf32>, vector<1024x512xf32> -> vector<1024x512xf32>
    %get3A_288 = arith.constant 0 : index
    %get3A_289 = arith.constant 4608 : index
    %get3A_290 = vector.load %arg3[%get3A_288, %get3A_289] : memref<8x8192xf32, #tpu.memory_space<vmem>>, vector<1x512xf32>
    %add3A_291 = vector.broadcast %get3A_290 : vector<1x512xf32> to vector<1024x512xf32>
    %add3A_292 = arith.addf %dot_general3A_287, %add3A_291 : vector<1024x512xf32>
    %reduce_min3A_293 = arith.constant dense<0x7F800000> : vector<1024xf32>
    %reduce_min3A_294 = vector.multi_reduction <minimumf>, %add3A_292, %reduce_min3A_293 [1] : vector<1024x512xf32> to vector<1024xf32>
    %broadcast_in_dim3A_295 = vector.shape_cast %reduce_min3A_294 : vector<1024xf32> to vector<1024x1xf32>
    %iota3A_296 = tpu.iota {dimensions = array<i32: 1>} : vector<1024x512xi32>
    %add3A_297 = arith.constant 4608 : i32
    %add3A_298 = vector.broadcast %add3A_297 : i32 to vector<1024x512xi32>
    %add3A_299 = arith.addi %iota3A_296, %add3A_298 : vector<1024x512xi32>
    %le3A_300 = vector.broadcast %broadcast_in_dim3A_295 : vector<1024x1xf32> to vector<1024x512xf32>
    %le3A_301 = arith.cmpf ole, %add3A_292, %le3A_300 : vector<1024x512xf32>
    %or3A_302 = arith.constant 1065353216 : i32
    %or3A_303 = vector.broadcast %or3A_302 : i32 to vector<1024x512xi32>
    %or3A_304 = arith.ori %add3A_299, %or3A_303 : vector<1024x512xi32>
    %jit3A_305 = arith.constant 1073741824 : i32
    %broadcast_in_dim3A_306 = vector.broadcast %jit3A_305 : i32 to vector<1024x512xi32>
    %select_n3A_307 = arith.select %le3A_301, %or3A_304, %broadcast_in_dim3A_306 : vector<1024x512xi1>, vector<1024x512xi32>
    %bitcast_convert_type3A_308 = tpu.bitcast %select_n3A_307 : vector<1024x512xi32> -> vector<1024x512xf32>
    %reduce_min3A_309 = arith.constant dense<0x7F800000> : vector<1024xf32>
    %reduce_min3A_310 = vector.multi_reduction <minimumf>, %bitcast_convert_type3A_308, %reduce_min3A_309 [1] : vector<1024x512xf32> to vector<1024xf32>
    %broadcast_in_dim3A_311 = vector.shape_cast %reduce_min3A_310 : vector<1024xf32> to vector<1024x1xf32>
    %lt3A_312 = arith.cmpf olt, %broadcast_in_dim3A_295, %select_n3A_282 : vector<1024x1xf32>
    %select_n3A_313 = arith.select %lt3A_312, %broadcast_in_dim3A_311, %select_n3A_281 : vector<1024x1xi1>, vector<1024x1xf32>
    %select_n3A_314 = arith.select %lt3A_312, %broadcast_in_dim3A_295, %select_n3A_282 : vector<1024x1xi1>, vector<1024x1xf32>
    %get3A_315 = arith.constant 0 : index
    %get3A_316 = arith.constant 5120 : index
    %get3A_317 = vector.load %arg2[%get3A_315, %get3A_316] : memref<64x8192xf32, #tpu.memory_space<vmem>>, vector<64x512xf32>
    %dot_general3A_318 = arith.constant dense<0.000000e+00> : vector<1024x512xf32>
    %dot_general3A_319 = tpu.matmul %get3A_1, %get3A_317, %dot_general3A_318 {dimension_numbers = #tpu.dot_dimension_numbers<[1], [0], [0], [1], [0, 0, 1, 1], [], []>, transpose_lhs_hint = false} : vector<1024x64xf32>, vector<64x512xf32>, vector<1024x512xf32> -> vector<1024x512xf32>
    %get3A_320 = arith.constant 0 : index
    %get3A_321 = arith.constant 5120 : index
    %get3A_322 = vector.load %arg3[%get3A_320, %get3A_321] : memref<8x8192xf32, #tpu.memory_space<vmem>>, vector<1x512xf32>
    %add3A_323 = vector.broadcast %get3A_322 : vector<1x512xf32> to vector<1024x512xf32>
    %add3A_324 = arith.addf %dot_general3A_319, %add3A_323 : vector<1024x512xf32>
    %reduce_min3A_325 = arith.constant dense<0x7F800000> : vector<1024xf32>
    %reduce_min3A_326 = vector.multi_reduction <minimumf>, %add3A_324, %reduce_min3A_325 [1] : vector<1024x512xf32> to vector<1024xf32>
    %broadcast_in_dim3A_327 = vector.shape_cast %reduce_min3A_326 : vector<1024xf32> to vector<1024x1xf32>
    %iota3A_328 = tpu.iota {dimensions = array<i32: 1>} : vector<1024x512xi32>
    %add3A_329 = arith.constant 5120 : i32
    %add3A_330 = vector.broadcast %add3A_329 : i32 to vector<1024x512xi32>
    %add3A_331 = arith.addi %iota3A_328, %add3A_330 : vector<1024x512xi32>
    %le3A_332 = vector.broadcast %broadcast_in_dim3A_327 : vector<1024x1xf32> to vector<1024x512xf32>
    %le3A_333 = arith.cmpf ole, %add3A_324, %le3A_332 : vector<1024x512xf32>
    %or3A_334 = arith.constant 1065353216 : i32
    %or3A_335 = vector.broadcast %or3A_334 : i32 to vector<1024x512xi32>
    %or3A_336 = arith.ori %add3A_331, %or3A_335 : vector<1024x512xi32>
    %jit3A_337 = arith.constant 1073741824 : i32
    %broadcast_in_dim3A_338 = vector.broadcast %jit3A_337 : i32 to vector<1024x512xi32>
    %select_n3A_339 = arith.select %le3A_333, %or3A_336, %broadcast_in_dim3A_338 : vector<1024x512xi1>, vector<1024x512xi32>
    %bitcast_convert_type3A_340 = tpu.bitcast %select_n3A_339 : vector<1024x512xi32> -> vector<1024x512xf32>
    %reduce_min3A_341 = arith.constant dense<0x7F800000> : vector<1024xf32>
    %reduce_min3A_342 = vector.multi_reduction <minimumf>, %bitcast_convert_type3A_340, %reduce_min3A_341 [1] : vector<1024x512xf32> to vector<1024xf32>
    %broadcast_in_dim3A_343 = vector.shape_cast %reduce_min3A_342 : vector<1024xf32> to vector<1024x1xf32>
    %lt3A_344 = arith.cmpf olt, %broadcast_in_dim3A_327, %select_n3A_314 : vector<1024x1xf32>
    %select_n3A_345 = arith.select %lt3A_344, %broadcast_in_dim3A_343, %select_n3A_313 : vector<1024x1xi1>, vector<1024x1xf32>
    %select_n3A_346 = arith.select %lt3A_344, %broadcast_in_dim3A_327, %select_n3A_314 : vector<1024x1xi1>, vector<1024x1xf32>
    %get3A_347 = arith.constant 0 : index
    %get3A_348 = arith.constant 5632 : index
    %get3A_349 = vector.load %arg2[%get3A_347, %get3A_348] : memref<64x8192xf32, #tpu.memory_space<vmem>>, vector<64x512xf32>
    %dot_general3A_350 = arith.constant dense<0.000000e+00> : vector<1024x512xf32>
    %dot_general3A_351 = tpu.matmul %get3A_1, %get3A_349, %dot_general3A_350 {dimension_numbers = #tpu.dot_dimension_numbers<[1], [0], [0], [1], [0, 0, 1, 1], [], []>, transpose_lhs_hint = false} : vector<1024x64xf32>, vector<64x512xf32>, vector<1024x512xf32> -> vector<1024x512xf32>
    %get3A_352 = arith.constant 0 : index
    %get3A_353 = arith.constant 5632 : index
    %get3A_354 = vector.load %arg3[%get3A_352, %get3A_353] : memref<8x8192xf32, #tpu.memory_space<vmem>>, vector<1x512xf32>
    %add3A_355 = vector.broadcast %get3A_354 : vector<1x512xf32> to vector<1024x512xf32>
    %add3A_356 = arith.addf %dot_general3A_351, %add3A_355 : vector<1024x512xf32>
    %reduce_min3A_357 = arith.constant dense<0x7F800000> : vector<1024xf32>
    %reduce_min3A_358 = vector.multi_reduction <minimumf>, %add3A_356, %reduce_min3A_357 [1] : vector<1024x512xf32> to vector<1024xf32>
    %broadcast_in_dim3A_359 = vector.shape_cast %reduce_min3A_358 : vector<1024xf32> to vector<1024x1xf32>
    %iota3A_360 = tpu.iota {dimensions = array<i32: 1>} : vector<1024x512xi32>
    %add3A_361 = arith.constant 5632 : i32
    %add3A_362 = vector.broadcast %add3A_361 : i32 to vector<1024x512xi32>
    %add3A_363 = arith.addi %iota3A_360, %add3A_362 : vector<1024x512xi32>
    %le3A_364 = vector.broadcast %broadcast_in_dim3A_359 : vector<1024x1xf32> to vector<1024x512xf32>
    %le3A_365 = arith.cmpf ole, %add3A_356, %le3A_364 : vector<1024x512xf32>
    %or3A_366 = arith.constant 1065353216 : i32
    %or3A_367 = vector.broadcast %or3A_366 : i32 to vector<1024x512xi32>
    %or3A_368 = arith.ori %add3A_363, %or3A_367 : vector<1024x512xi32>
    %jit3A_369 = arith.constant 1073741824 : i32
    %broadcast_in_dim3A_370 = vector.broadcast %jit3A_369 : i32 to vector<1024x512xi32>
    %select_n3A_371 = arith.select %le3A_365, %or3A_368, %broadcast_in_dim3A_370 : vector<1024x512xi1>, vector<1024x512xi32>
    %bitcast_convert_type3A_372 = tpu.bitcast %select_n3A_371 : vector<1024x512xi32> -> vector<1024x512xf32>
    %reduce_min3A_373 = arith.constant dense<0x7F800000> : vector<1024xf32>
    %reduce_min3A_374 = vector.multi_reduction <minimumf>, %bitcast_convert_type3A_372, %reduce_min3A_373 [1] : vector<1024x512xf32> to vector<1024xf32>
    %broadcast_in_dim3A_375 = vector.shape_cast %reduce_min3A_374 : vector<1024xf32> to vector<1024x1xf32>
    %lt3A_376 = arith.cmpf olt, %broadcast_in_dim3A_359, %select_n3A_346 : vector<1024x1xf32>
    %select_n3A_377 = arith.select %lt3A_376, %broadcast_in_dim3A_375, %select_n3A_345 : vector<1024x1xi1>, vector<1024x1xf32>
    %select_n3A_378 = arith.select %lt3A_376, %broadcast_in_dim3A_359, %select_n3A_346 : vector<1024x1xi1>, vector<1024x1xf32>
    %get3A_379 = arith.constant 0 : index
    %get3A_380 = arith.constant 6144 : index
    %get3A_381 = vector.load %arg2[%get3A_379, %get3A_380] : memref<64x8192xf32, #tpu.memory_space<vmem>>, vector<64x512xf32>
    %dot_general3A_382 = arith.constant dense<0.000000e+00> : vector<1024x512xf32>
    %dot_general3A_383 = tpu.matmul %get3A_1, %get3A_381, %dot_general3A_382 {dimension_numbers = #tpu.dot_dimension_numbers<[1], [0], [0], [1], [0, 0, 1, 1], [], []>, transpose_lhs_hint = false} : vector<1024x64xf32>, vector<64x512xf32>, vector<1024x512xf32> -> vector<1024x512xf32>
    %get3A_384 = arith.constant 0 : index
    %get3A_385 = arith.constant 6144 : index
    %get3A_386 = vector.load %arg3[%get3A_384, %get3A_385] : memref<8x8192xf32, #tpu.memory_space<vmem>>, vector<1x512xf32>
    %add3A_387 = vector.broadcast %get3A_386 : vector<1x512xf32> to vector<1024x512xf32>
    %add3A_388 = arith.addf %dot_general3A_383, %add3A_387 : vector<1024x512xf32>
    %reduce_min3A_389 = arith.constant dense<0x7F800000> : vector<1024xf32>
    %reduce_min3A_390 = vector.multi_reduction <minimumf>, %add3A_388, %reduce_min3A_389 [1] : vector<1024x512xf32> to vector<1024xf32>
    %broadcast_in_dim3A_391 = vector.shape_cast %reduce_min3A_390 : vector<1024xf32> to vector<1024x1xf32>
    %iota3A_392 = tpu.iota {dimensions = array<i32: 1>} : vector<1024x512xi32>
    %add3A_393 = arith.constant 6144 : i32
    %add3A_394 = vector.broadcast %add3A_393 : i32 to vector<1024x512xi32>
    %add3A_395 = arith.addi %iota3A_392, %add3A_394 : vector<1024x512xi32>
    %le3A_396 = vector.broadcast %broadcast_in_dim3A_391 : vector<1024x1xf32> to vector<1024x512xf32>
    %le3A_397 = arith.cmpf ole, %add3A_388, %le3A_396 : vector<1024x512xf32>
    %or3A_398 = arith.constant 1065353216 : i32
    %or3A_399 = vector.broadcast %or3A_398 : i32 to vector<1024x512xi32>
    %or3A_400 = arith.ori %add3A_395, %or3A_399 : vector<1024x512xi32>
    %jit3A_401 = arith.constant 1073741824 : i32
    %broadcast_in_dim3A_402 = vector.broadcast %jit3A_401 : i32 to vector<1024x512xi32>
    %select_n3A_403 = arith.select %le3A_397, %or3A_400, %broadcast_in_dim3A_402 : vector<1024x512xi1>, vector<1024x512xi32>
    %bitcast_convert_type3A_404 = tpu.bitcast %select_n3A_403 : vector<1024x512xi32> -> vector<1024x512xf32>
    %reduce_min3A_405 = arith.constant dense<0x7F800000> : vector<1024xf32>
    %reduce_min3A_406 = vector.multi_reduction <minimumf>, %bitcast_convert_type3A_404, %reduce_min3A_405 [1] : vector<1024x512xf32> to vector<1024xf32>
    %broadcast_in_dim3A_407 = vector.shape_cast %reduce_min3A_406 : vector<1024xf32> to vector<1024x1xf32>
    %lt3A_408 = arith.cmpf olt, %broadcast_in_dim3A_391, %select_n3A_378 : vector<1024x1xf32>
    %select_n3A_409 = arith.select %lt3A_408, %broadcast_in_dim3A_407, %select_n3A_377 : vector<1024x1xi1>, vector<1024x1xf32>
    %select_n3A_410 = arith.select %lt3A_408, %broadcast_in_dim3A_391, %select_n3A_378 : vector<1024x1xi1>, vector<1024x1xf32>
    %get3A_411 = arith.constant 0 : index
    %get3A_412 = arith.constant 6656 : index
    %get3A_413 = vector.load %arg2[%get3A_411, %get3A_412] : memref<64x8192xf32, #tpu.memory_space<vmem>>, vector<64x512xf32>
    %dot_general3A_414 = arith.constant dense<0.000000e+00> : vector<1024x512xf32>
    %dot_general3A_415 = tpu.matmul %get3A_1, %get3A_413, %dot_general3A_414 {dimension_numbers = #tpu.dot_dimension_numbers<[1], [0], [0], [1], [0, 0, 1, 1], [], []>, transpose_lhs_hint = false} : vector<1024x64xf32>, vector<64x512xf32>, vector<1024x512xf32> -> vector<1024x512xf32>
    %get3A_416 = arith.constant 0 : index
    %get3A_417 = arith.constant 6656 : index
    %get3A_418 = vector.load %arg3[%get3A_416, %get3A_417] : memref<8x8192xf32, #tpu.memory_space<vmem>>, vector<1x512xf32>
    %add3A_419 = vector.broadcast %get3A_418 : vector<1x512xf32> to vector<1024x512xf32>
    %add3A_420 = arith.addf %dot_general3A_415, %add3A_419 : vector<1024x512xf32>
    %reduce_min3A_421 = arith.constant dense<0x7F800000> : vector<1024xf32>
    %reduce_min3A_422 = vector.multi_reduction <minimumf>, %add3A_420, %reduce_min3A_421 [1] : vector<1024x512xf32> to vector<1024xf32>
    %broadcast_in_dim3A_423 = vector.shape_cast %reduce_min3A_422 : vector<1024xf32> to vector<1024x1xf32>
    %iota3A_424 = tpu.iota {dimensions = array<i32: 1>} : vector<1024x512xi32>
    %add3A_425 = arith.constant 6656 : i32
    %add3A_426 = vector.broadcast %add3A_425 : i32 to vector<1024x512xi32>
    %add3A_427 = arith.addi %iota3A_424, %add3A_426 : vector<1024x512xi32>
    %le3A_428 = vector.broadcast %broadcast_in_dim3A_423 : vector<1024x1xf32> to vector<1024x512xf32>
    %le3A_429 = arith.cmpf ole, %add3A_420, %le3A_428 : vector<1024x512xf32>
    %or3A_430 = arith.constant 1065353216 : i32
    %or3A_431 = vector.broadcast %or3A_430 : i32 to vector<1024x512xi32>
    %or3A_432 = arith.ori %add3A_427, %or3A_431 : vector<1024x512xi32>
    %jit3A_433 = arith.constant 1073741824 : i32
    %broadcast_in_dim3A_434 = vector.broadcast %jit3A_433 : i32 to vector<1024x512xi32>
    %select_n3A_435 = arith.select %le3A_429, %or3A_432, %broadcast_in_dim3A_434 : vector<1024x512xi1>, vector<1024x512xi32>
    %bitcast_convert_type3A_436 = tpu.bitcast %select_n3A_435 : vector<1024x512xi32> -> vector<1024x512xf32>
    %reduce_min3A_437 = arith.constant dense<0x7F800000> : vector<1024xf32>
    %reduce_min3A_438 = vector.multi_reduction <minimumf>, %bitcast_convert_type3A_436, %reduce_min3A_437 [1] : vector<1024x512xf32> to vector<1024xf32>
    %broadcast_in_dim3A_439 = vector.shape_cast %reduce_min3A_438 : vector<1024xf32> to vector<1024x1xf32>
    %lt3A_440 = arith.cmpf olt, %broadcast_in_dim3A_423, %select_n3A_410 : vector<1024x1xf32>
    %select_n3A_441 = arith.select %lt3A_440, %broadcast_in_dim3A_439, %select_n3A_409 : vector<1024x1xi1>, vector<1024x1xf32>
    %select_n3A_442 = arith.select %lt3A_440, %broadcast_in_dim3A_423, %select_n3A_410 : vector<1024x1xi1>, vector<1024x1xf32>
    %get3A_443 = arith.constant 0 : index
    %get3A_444 = arith.constant 7168 : index
    %get3A_445 = vector.load %arg2[%get3A_443, %get3A_444] : memref<64x8192xf32, #tpu.memory_space<vmem>>, vector<64x512xf32>
    %dot_general3A_446 = arith.constant dense<0.000000e+00> : vector<1024x512xf32>
    %dot_general3A_447 = tpu.matmul %get3A_1, %get3A_445, %dot_general3A_446 {dimension_numbers = #tpu.dot_dimension_numbers<[1], [0], [0], [1], [0, 0, 1, 1], [], []>, transpose_lhs_hint = false} : vector<1024x64xf32>, vector<64x512xf32>, vector<1024x512xf32> -> vector<1024x512xf32>
    %get3A_448 = arith.constant 0 : index
    %get3A_449 = arith.constant 7168 : index
    %get3A_450 = vector.load %arg3[%get3A_448, %get3A_449] : memref<8x8192xf32, #tpu.memory_space<vmem>>, vector<1x512xf32>
    %add3A_451 = vector.broadcast %get3A_450 : vector<1x512xf32> to vector<1024x512xf32>
    %add3A_452 = arith.addf %dot_general3A_447, %add3A_451 : vector<1024x512xf32>
    %reduce_min3A_453 = arith.constant dense<0x7F800000> : vector<1024xf32>
    %reduce_min3A_454 = vector.multi_reduction <minimumf>, %add3A_452, %reduce_min3A_453 [1] : vector<1024x512xf32> to vector<1024xf32>
    %broadcast_in_dim3A_455 = vector.shape_cast %reduce_min3A_454 : vector<1024xf32> to vector<1024x1xf32>
    %iota3A_456 = tpu.iota {dimensions = array<i32: 1>} : vector<1024x512xi32>
    %add3A_457 = arith.constant 7168 : i32
    %add3A_458 = vector.broadcast %add3A_457 : i32 to vector<1024x512xi32>
    %add3A_459 = arith.addi %iota3A_456, %add3A_458 : vector<1024x512xi32>
    %le3A_460 = vector.broadcast %broadcast_in_dim3A_455 : vector<1024x1xf32> to vector<1024x512xf32>
    %le3A_461 = arith.cmpf ole, %add3A_452, %le3A_460 : vector<1024x512xf32>
    %or3A_462 = arith.constant 1065353216 : i32
    %or3A_463 = vector.broadcast %or3A_462 : i32 to vector<1024x512xi32>
    %or3A_464 = arith.ori %add3A_459, %or3A_463 : vector<1024x512xi32>
    %jit3A_465 = arith.constant 1073741824 : i32
    %broadcast_in_dim3A_466 = vector.broadcast %jit3A_465 : i32 to vector<1024x512xi32>
    %select_n3A_467 = arith.select %le3A_461, %or3A_464, %broadcast_in_dim3A_466 : vector<1024x512xi1>, vector<1024x512xi32>
    %bitcast_convert_type3A_468 = tpu.bitcast %select_n3A_467 : vector<1024x512xi32> -> vector<1024x512xf32>
    %reduce_min3A_469 = arith.constant dense<0x7F800000> : vector<1024xf32>
    %reduce_min3A_470 = vector.multi_reduction <minimumf>, %bitcast_convert_type3A_468, %reduce_min3A_469 [1] : vector<1024x512xf32> to vector<1024xf32>
    %broadcast_in_dim3A_471 = vector.shape_cast %reduce_min3A_470 : vector<1024xf32> to vector<1024x1xf32>
    %lt3A_472 = arith.cmpf olt, %broadcast_in_dim3A_455, %select_n3A_442 : vector<1024x1xf32>
    %select_n3A_473 = arith.select %lt3A_472, %broadcast_in_dim3A_471, %select_n3A_441 : vector<1024x1xi1>, vector<1024x1xf32>
    %select_n3A_474 = arith.select %lt3A_472, %broadcast_in_dim3A_455, %select_n3A_442 : vector<1024x1xi1>, vector<1024x1xf32>
    %get3A_475 = arith.constant 0 : index
    %get3A_476 = arith.constant 7680 : index
    %get3A_477 = vector.load %arg2[%get3A_475, %get3A_476] : memref<64x8192xf32, #tpu.memory_space<vmem>>, vector<64x512xf32>
    %dot_general3A_478 = arith.constant dense<0.000000e+00> : vector<1024x512xf32>
    %dot_general3A_479 = tpu.matmul %get3A_1, %get3A_477, %dot_general3A_478 {dimension_numbers = #tpu.dot_dimension_numbers<[1], [0], [0], [1], [0, 0, 1, 1], [], []>, transpose_lhs_hint = false} : vector<1024x64xf32>, vector<64x512xf32>, vector<1024x512xf32> -> vector<1024x512xf32>
    %get3A_480 = arith.constant 0 : index
    %get3A_481 = arith.constant 7680 : index
    %get3A_482 = vector.load %arg3[%get3A_480, %get3A_481] : memref<8x8192xf32, #tpu.memory_space<vmem>>, vector<1x512xf32>
    %add3A_483 = vector.broadcast %get3A_482 : vector<1x512xf32> to vector<1024x512xf32>
    %add3A_484 = arith.addf %dot_general3A_479, %add3A_483 : vector<1024x512xf32>
    %reduce_min3A_485 = arith.constant dense<0x7F800000> : vector<1024xf32>
    %reduce_min3A_486 = vector.multi_reduction <minimumf>, %add3A_484, %reduce_min3A_485 [1] : vector<1024x512xf32> to vector<1024xf32>
    %broadcast_in_dim3A_487 = vector.shape_cast %reduce_min3A_486 : vector<1024xf32> to vector<1024x1xf32>
    %iota3A_488 = tpu.iota {dimensions = array<i32: 1>} : vector<1024x512xi32>
    %add3A_489 = arith.constant 7680 : i32
    %add3A_490 = vector.broadcast %add3A_489 : i32 to vector<1024x512xi32>
    %add3A_491 = arith.addi %iota3A_488, %add3A_490 : vector<1024x512xi32>
    %le3A_492 = vector.broadcast %broadcast_in_dim3A_487 : vector<1024x1xf32> to vector<1024x512xf32>
    %le3A_493 = arith.cmpf ole, %add3A_484, %le3A_492 : vector<1024x512xf32>
    %or3A_494 = arith.constant 1065353216 : i32
    %or3A_495 = vector.broadcast %or3A_494 : i32 to vector<1024x512xi32>
    %or3A_496 = arith.ori %add3A_491, %or3A_495 : vector<1024x512xi32>
    %jit3A_497 = arith.constant 1073741824 : i32
    %broadcast_in_dim3A_498 = vector.broadcast %jit3A_497 : i32 to vector<1024x512xi32>
    %select_n3A_499 = arith.select %le3A_493, %or3A_496, %broadcast_in_dim3A_498 : vector<1024x512xi1>, vector<1024x512xi32>
    %bitcast_convert_type3A_500 = tpu.bitcast %select_n3A_499 : vector<1024x512xi32> -> vector<1024x512xf32>
    %reduce_min3A_501 = arith.constant dense<0x7F800000> : vector<1024xf32>
    %reduce_min3A_502 = vector.multi_reduction <minimumf>, %bitcast_convert_type3A_500, %reduce_min3A_501 [1] : vector<1024x512xf32> to vector<1024xf32>
    %broadcast_in_dim3A_503 = vector.shape_cast %reduce_min3A_502 : vector<1024xf32> to vector<1024x1xf32>
    %lt3A_504 = arith.cmpf olt, %broadcast_in_dim3A_487, %select_n3A_474 : vector<1024x1xf32>
    %select_n3A_505 = arith.select %lt3A_504, %broadcast_in_dim3A_503, %select_n3A_473 : vector<1024x1xi1>, vector<1024x1xf32>
    %squeeze3A = vector.shape_cast %select_n3A_505 : vector<1024x1xf32> to vector<1024xf32>
    %bitcast_convert_type3A_506 = tpu.bitcast %squeeze3A : vector<1024xf32> -> vector<1024xi32>
    %and3A = arith.constant 8388607 : i32
    %and3A_507 = vector.broadcast %and3A : i32 to vector<1024xi32>
    %and3A_508 = arith.andi %bitcast_convert_type3A_506, %and3A_507 : vector<1024xi32>
    %swap3A = arith.constant 0 : index
    %swap3A_509 = arith.constant 0 : index
    %swap3A_510 = arith.constant 0 : index
    %swap3A_511 = vector.load %arg4[%swap3A, %swap3A_509, %swap3A_510] : memref<1x1x1024xi32, #tpu.memory_space<vmem>>, vector<1x1x1024xi32>
    %swap3A_512 = vector.shape_cast %swap3A_511 : vector<1x1x1024xi32> to vector<1024xi32>
    %swap3A_513 = vector.shape_cast %and3A_508 : vector<1024xi32> to vector<1x1x1024xi32>
    tpu.vector_store %arg4[%swap3A, %swap3A_509, %swap3A_510], %swap3A_513 {strides = array<i32>} : memref<1x1x1024xi32, #tpu.memory_space<vmem>>, vector<1x1x1024xi32>,
    return
  }
  func.func @transform_0(%arg0: i32) -> (i32, i32) {
    %c0_i32 = arith.constant 0 : i32
    %c0_i32_0 = arith.constant 0 : i32
    return %arg0, %c0_i32 : i32, i32
  }
  func.func @transform_1(%arg0: i32) -> (i32, i32) {
    %c0_i32 = arith.constant 0 : i32
    %c0_i32_0 = arith.constant 0 : i32
    %c0_i32_1 = arith.constant 0 : i32
    return %c0_i32, %c0_i32_0 : i32, i32
  }
  func.func @transform_2(%arg0: i32) -> (i32, i32) {
    %c0_i32 = arith.constant 0 : i32
    %c0_i32_0 = arith.constant 0 : i32
    %c0_i32_1 = arith.constant 0 : i32
    return %c0_i32, %c0_i32_0 : i32, i32
  }
  func.func @transform_3(%arg0: i32) -> (i32, i32, i32) {
    %c0_i32 = arith.constant 0 : i32
    %c0_i32_0 = arith.constant 0 : i32
    %c0_i32_1 = arith.constant 0 : i32
    return %arg0, %c0_i32, %c0_i32_0 : i32, i32, i32
  }
}

module attributes {stable_mosaic.version = 14 : i64} {
  func.func @_argmin_res_body(%arg0: i32, %arg1: memref<1024x64xf32, #tpu.memory_space<vmem>>, %arg2: memref<1024x128xf32, #tpu.memory_space<vmem>>, %arg3: memref<64x8192xf32, #tpu.memory_space<vmem>>, %arg4: memref<8x8192xf32, #tpu.memory_space<vmem>>, %arg5: memref<1x1x1024xi32, #tpu.memory_space<vmem>>) attributes {dimension_semantics = [#tpu.dimension_semantics<arbitrary>], iteration_bounds = array<i64: 96>, scalar_prefetch = 0 : i64, scratch_operands = 0 : i64, tpu.core_type = #tpu.core_type<tc>, window_params = [{transform_indices = @transform_0, window_bounds = array<i64: 1024, 64>}, {transform_indices = @transform_1, window_bounds = array<i64: 1024, 128>}, {pipeline_mode = #tpu.pipeline_mode<synchronous>, transform_indices = @transform_2, window_bounds = array<i64: 64, 8192>}, {pipeline_mode = #tpu.pipeline_mode<synchronous>, transform_indices = @transform_3, window_bounds = array<i64: 8, 8192>}, {transform_indices = @transform_4, window_bounds = array<i64: 1, 1, 1024>}]} {
    %get3A = arith.constant 0 : index
    %get3A_0 = arith.constant 0 : index
    %get3A_1 = vector.load %arg1[%get3A, %get3A_0] : memref<1024x64xf32, #tpu.memory_space<vmem>>, vector<1024x64xf32>
    %get3A_2 = arith.constant 0 : index
    %get3A_3 = arith.constant 0 : index
    %get3A_4 = vector.load %arg2[%get3A_2, %get3A_3] : memref<1024x128xf32, #tpu.memory_space<vmem>>, vector<1024x64xf32>
    %sub3A = arith.subf %get3A_1, %get3A_4 : vector<1024x64xf32>
    %broadcast_in_dim3A = arith.constant 3.000000e+38 : f32
    %broadcast_in_dim3A_5 = vector.broadcast %broadcast_in_dim3A : f32 to vector<1024x1xf32>
    %broadcast_in_dim3A_6 = arith.constant 2.000000e+00 : f32
    %broadcast_in_dim3A_7 = vector.broadcast %broadcast_in_dim3A_6 : f32 to vector<1024x1xf32>
    %get3A_8 = arith.constant 0 : index
    %get3A_9 = arith.constant 0 : index
    %get3A_10 = vector.load %arg3[%get3A_8, %get3A_9] : memref<64x8192xf32, #tpu.memory_space<vmem>>, vector<64x512xf32>
    %dot_general3A = arith.constant dense<0.000000e+00> : vector<1024x512xf32>
    %dot_general3A_11 = tpu.matmul %sub3A, %get3A_10, %dot_general3A {dimension_numbers = #tpu.dot_dimension_numbers<[1], [0], [0], [1], [0, 0, 1, 1], [], []>, transpose_lhs_hint = false} : vector<1024x64xf32>, vector<64x512xf32>, vector<1024x512xf32> -> vector<1024x512xf32>
    %get3A_12 = arith.constant 0 : index
    %get3A_13 = arith.constant 0 : index
    %get3A_14 = vector.load %arg4[%get3A_12, %get3A_13] : memref<8x8192xf32, #tpu.memory_space<vmem>>, vector<1x512xf32>
    %add3A = vector.broadcast %get3A_14 : vector<1x512xf32> to vector<1024x512xf32>
    %add3A_15 = arith.addf %dot_general3A_11, %add3A : vector<1024x512xf32>
    %reduce_min3A = arith.constant dense<0x7F800000> : vector<1024xf32>
    %reduce_min3A_16 = vector.multi_reduction <minimumf>, %add3A_15, %reduce_min3A [1] : vector<1024x512xf32> to vector<1024xf32>
    %broadcast_in_dim3A_17 = vector.shape_cast %reduce_min3A_16 : vector<1024xf32> to vector<1024x1xf32>
    %iota3A = tpu.iota {dimensions = array<i32: 1>} : vector<1024x512xi32>
    %add3A_18 = arith.constant 0 : i32
    %add3A_19 = vector.broadcast %add3A_18 : i32 to vector<1024x512xi32>
    %add3A_20 = arith.addi %iota3A, %add3A_19 : vector<1024x512xi32>
    %le3A = vector.broadcast %broadcast_in_dim3A_17 : vector<1024x1xf32> to vector<1024x512xf32>
    %le3A_21 = arith.cmpf ole, %add3A_15, %le3A : vector<1024x512xf32>
    %or3A = arith.constant 1065353216 : i32
    %or3A_22 = vector.broadcast %or3A : i32 to vector<1024x512xi32>
    %or3A_23 = arith.ori %add3A_20, %or3A_22 : vector<1024x512xi32>
    %jit3A = arith.constant 1073741824 : i32
    %broadcast_in_dim3A_24 = vector.broadcast %jit3A : i32 to vector<1024x512xi32>
    %select_n3A = arith.select %le3A_21, %or3A_23, %broadcast_in_dim3A_24 : vector<1024x512xi1>, vector<1024x512xi32>
    %bitcast_convert_type3A = tpu.bitcast %select_n3A : vector<1024x512xi32> -> vector<1024x512xf32>
    %reduce_min3A_25 = arith.constant dense<0x7F800000> : vector<1024xf32>
    %reduce_min3A_26 = vector.multi_reduction <minimumf>, %bitcast_convert_type3A, %reduce_min3A_25 [1] : vector<1024x512xf32> to vector<1024xf32>
    %broadcast_in_dim3A_27 = vector.shape_cast %reduce_min3A_26 : vector<1024xf32> to vector<1024x1xf32>
    %lt3A = arith.cmpf olt, %broadcast_in_dim3A_17, %broadcast_in_dim3A_5 : vector<1024x1xf32>
    %select_n3A_28 = arith.select %lt3A, %broadcast_in_dim3A_27, %broadcast_in_dim3A_7 : vector<1024x1xi1>, vector<1024x1xf32>
    %select_n3A_29 = arith.select %lt3A, %broadcast_in_dim3A_17, %broadcast_in_dim3A_5 : vector<1024x1xi1>, vector<1024x1xf32>
    %get3A_30 = arith.constant 0 : index
    %get3A_31 = arith.constant 512 : index
    %get3A_32 = vector.load %arg3[%get3A_30, %get3A_31] : memref<64x8192xf32, #tpu.memory_space<vmem>>, vector<64x512xf32>
    %dot_general3A_33 = arith.constant dense<0.000000e+00> : vector<1024x512xf32>
    %dot_general3A_34 = tpu.matmul %sub3A, %get3A_32, %dot_general3A_33 {dimension_numbers = #tpu.dot_dimension_numbers<[1], [0], [0], [1], [0, 0, 1, 1], [], []>, transpose_lhs_hint = false} : vector<1024x64xf32>, vector<64x512xf32>, vector<1024x512xf32> -> vector<1024x512xf32>
    %get3A_35 = arith.constant 0 : index
    %get3A_36 = arith.constant 512 : index
    %get3A_37 = vector.load %arg4[%get3A_35, %get3A_36] : memref<8x8192xf32, #tpu.memory_space<vmem>>, vector<1x512xf32>
    %add3A_38 = vector.broadcast %get3A_37 : vector<1x512xf32> to vector<1024x512xf32>
    %add3A_39 = arith.addf %dot_general3A_34, %add3A_38 : vector<1024x512xf32>
    %reduce_min3A_40 = arith.constant dense<0x7F800000> : vector<1024xf32>
    %reduce_min3A_41 = vector.multi_reduction <minimumf>, %add3A_39, %reduce_min3A_40 [1] : vector<1024x512xf32> to vector<1024xf32>
    %broadcast_in_dim3A_42 = vector.shape_cast %reduce_min3A_41 : vector<1024xf32> to vector<1024x1xf32>
    %iota3A_43 = tpu.iota {dimensions = array<i32: 1>} : vector<1024x512xi32>
    %add3A_44 = arith.constant 512 : i32
    %add3A_45 = vector.broadcast %add3A_44 : i32 to vector<1024x512xi32>
    %add3A_46 = arith.addi %iota3A_43, %add3A_45 : vector<1024x512xi32>
    %le3A_47 = vector.broadcast %broadcast_in_dim3A_42 : vector<1024x1xf32> to vector<1024x512xf32>
    %le3A_48 = arith.cmpf ole, %add3A_39, %le3A_47 : vector<1024x512xf32>
    %or3A_49 = arith.constant 1065353216 : i32
    %or3A_50 = vector.broadcast %or3A_49 : i32 to vector<1024x512xi32>
    %or3A_51 = arith.ori %add3A_46, %or3A_50 : vector<1024x512xi32>
    %jit3A_52 = arith.constant 1073741824 : i32
    %broadcast_in_dim3A_53 = vector.broadcast %jit3A_52 : i32 to vector<1024x512xi32>
    %select_n3A_54 = arith.select %le3A_48, %or3A_51, %broadcast_in_dim3A_53 : vector<1024x512xi1>, vector<1024x512xi32>
    %bitcast_convert_type3A_55 = tpu.bitcast %select_n3A_54 : vector<1024x512xi32> -> vector<1024x512xf32>
    %reduce_min3A_56 = arith.constant dense<0x7F800000> : vector<1024xf32>
    %reduce_min3A_57 = vector.multi_reduction <minimumf>, %bitcast_convert_type3A_55, %reduce_min3A_56 [1] : vector<1024x512xf32> to vector<1024xf32>
    %broadcast_in_dim3A_58 = vector.shape_cast %reduce_min3A_57 : vector<1024xf32> to vector<1024x1xf32>
    %lt3A_59 = arith.cmpf olt, %broadcast_in_dim3A_42, %select_n3A_29 : vector<1024x1xf32>
    %select_n3A_60 = arith.select %lt3A_59, %broadcast_in_dim3A_58, %select_n3A_28 : vector<1024x1xi1>, vector<1024x1xf32>
    %select_n3A_61 = arith.select %lt3A_59, %broadcast_in_dim3A_42, %select_n3A_29 : vector<1024x1xi1>, vector<1024x1xf32>
    %get3A_62 = arith.constant 0 : index
    %get3A_63 = arith.constant 1024 : index
    %get3A_64 = vector.load %arg3[%get3A_62, %get3A_63] : memref<64x8192xf32, #tpu.memory_space<vmem>>, vector<64x512xf32>
    %dot_general3A_65 = arith.constant dense<0.000000e+00> : vector<1024x512xf32>
    %dot_general3A_66 = tpu.matmul %sub3A, %get3A_64, %dot_general3A_65 {dimension_numbers = #tpu.dot_dimension_numbers<[1], [0], [0], [1], [0, 0, 1, 1], [], []>, transpose_lhs_hint = false} : vector<1024x64xf32>, vector<64x512xf32>, vector<1024x512xf32> -> vector<1024x512xf32>
    %get3A_67 = arith.constant 0 : index
    %get3A_68 = arith.constant 1024 : index
    %get3A_69 = vector.load %arg4[%get3A_67, %get3A_68] : memref<8x8192xf32, #tpu.memory_space<vmem>>, vector<1x512xf32>
    %add3A_70 = vector.broadcast %get3A_69 : vector<1x512xf32> to vector<1024x512xf32>
    %add3A_71 = arith.addf %dot_general3A_66, %add3A_70 : vector<1024x512xf32>
    %reduce_min3A_72 = arith.constant dense<0x7F800000> : vector<1024xf32>
    %reduce_min3A_73 = vector.multi_reduction <minimumf>, %add3A_71, %reduce_min3A_72 [1] : vector<1024x512xf32> to vector<1024xf32>
    %broadcast_in_dim3A_74 = vector.shape_cast %reduce_min3A_73 : vector<1024xf32> to vector<1024x1xf32>
    %iota3A_75 = tpu.iota {dimensions = array<i32: 1>} : vector<1024x512xi32>
    %add3A_76 = arith.constant 1024 : i32
    %add3A_77 = vector.broadcast %add3A_76 : i32 to vector<1024x512xi32>
    %add3A_78 = arith.addi %iota3A_75, %add3A_77 : vector<1024x512xi32>
    %le3A_79 = vector.broadcast %broadcast_in_dim3A_74 : vector<1024x1xf32> to vector<1024x512xf32>
    %le3A_80 = arith.cmpf ole, %add3A_71, %le3A_79 : vector<1024x512xf32>
    %or3A_81 = arith.constant 1065353216 : i32
    %or3A_82 = vector.broadcast %or3A_81 : i32 to vector<1024x512xi32>
    %or3A_83 = arith.ori %add3A_78, %or3A_82 : vector<1024x512xi32>
    %jit3A_84 = arith.constant 1073741824 : i32
    %broadcast_in_dim3A_85 = vector.broadcast %jit3A_84 : i32 to vector<1024x512xi32>
    %select_n3A_86 = arith.select %le3A_80, %or3A_83, %broadcast_in_dim3A_85 : vector<1024x512xi1>, vector<1024x512xi32>
    %bitcast_convert_type3A_87 = tpu.bitcast %select_n3A_86 : vector<1024x512xi32> -> vector<1024x512xf32>
    %reduce_min3A_88 = arith.constant dense<0x7F800000> : vector<1024xf32>
    %reduce_min3A_89 = vector.multi_reduction <minimumf>, %bitcast_convert_type3A_87, %reduce_min3A_88 [1] : vector<1024x512xf32> to vector<1024xf32>
    %broadcast_in_dim3A_90 = vector.shape_cast %reduce_min3A_89 : vector<1024xf32> to vector<1024x1xf32>
    %lt3A_91 = arith.cmpf olt, %broadcast_in_dim3A_74, %select_n3A_61 : vector<1024x1xf32>
    %select_n3A_92 = arith.select %lt3A_91, %broadcast_in_dim3A_90, %select_n3A_60 : vector<1024x1xi1>, vector<1024x1xf32>
    %select_n3A_93 = arith.select %lt3A_91, %broadcast_in_dim3A_74, %select_n3A_61 : vector<1024x1xi1>, vector<1024x1xf32>
    %get3A_94 = arith.constant 0 : index
    %get3A_95 = arith.constant 1536 : index
    %get3A_96 = vector.load %arg3[%get3A_94, %get3A_95] : memref<64x8192xf32, #tpu.memory_space<vmem>>, vector<64x512xf32>
    %dot_general3A_97 = arith.constant dense<0.000000e+00> : vector<1024x512xf32>
    %dot_general3A_98 = tpu.matmul %sub3A, %get3A_96, %dot_general3A_97 {dimension_numbers = #tpu.dot_dimension_numbers<[1], [0], [0], [1], [0, 0, 1, 1], [], []>, transpose_lhs_hint = false} : vector<1024x64xf32>, vector<64x512xf32>, vector<1024x512xf32> -> vector<1024x512xf32>
    %get3A_99 = arith.constant 0 : index
    %get3A_100 = arith.constant 1536 : index
    %get3A_101 = vector.load %arg4[%get3A_99, %get3A_100] : memref<8x8192xf32, #tpu.memory_space<vmem>>, vector<1x512xf32>
    %add3A_102 = vector.broadcast %get3A_101 : vector<1x512xf32> to vector<1024x512xf32>
    %add3A_103 = arith.addf %dot_general3A_98, %add3A_102 : vector<1024x512xf32>
    %reduce_min3A_104 = arith.constant dense<0x7F800000> : vector<1024xf32>
    %reduce_min3A_105 = vector.multi_reduction <minimumf>, %add3A_103, %reduce_min3A_104 [1] : vector<1024x512xf32> to vector<1024xf32>
    %broadcast_in_dim3A_106 = vector.shape_cast %reduce_min3A_105 : vector<1024xf32> to vector<1024x1xf32>
    %iota3A_107 = tpu.iota {dimensions = array<i32: 1>} : vector<1024x512xi32>
    %add3A_108 = arith.constant 1536 : i32
    %add3A_109 = vector.broadcast %add3A_108 : i32 to vector<1024x512xi32>
    %add3A_110 = arith.addi %iota3A_107, %add3A_109 : vector<1024x512xi32>
    %le3A_111 = vector.broadcast %broadcast_in_dim3A_106 : vector<1024x1xf32> to vector<1024x512xf32>
    %le3A_112 = arith.cmpf ole, %add3A_103, %le3A_111 : vector<1024x512xf32>
    %or3A_113 = arith.constant 1065353216 : i32
    %or3A_114 = vector.broadcast %or3A_113 : i32 to vector<1024x512xi32>
    %or3A_115 = arith.ori %add3A_110, %or3A_114 : vector<1024x512xi32>
    %jit3A_116 = arith.constant 1073741824 : i32
    %broadcast_in_dim3A_117 = vector.broadcast %jit3A_116 : i32 to vector<1024x512xi32>
    %select_n3A_118 = arith.select %le3A_112, %or3A_115, %broadcast_in_dim3A_117 : vector<1024x512xi1>, vector<1024x512xi32>
    %bitcast_convert_type3A_119 = tpu.bitcast %select_n3A_118 : vector<1024x512xi32> -> vector<1024x512xf32>
    %reduce_min3A_120 = arith.constant dense<0x7F800000> : vector<1024xf32>
    %reduce_min3A_121 = vector.multi_reduction <minimumf>, %bitcast_convert_type3A_119, %reduce_min3A_120 [1] : vector<1024x512xf32> to vector<1024xf32>
    %broadcast_in_dim3A_122 = vector.shape_cast %reduce_min3A_121 : vector<1024xf32> to vector<1024x1xf32>
    %lt3A_123 = arith.cmpf olt, %broadcast_in_dim3A_106, %select_n3A_93 : vector<1024x1xf32>
    %select_n3A_124 = arith.select %lt3A_123, %broadcast_in_dim3A_122, %select_n3A_92 : vector<1024x1xi1>, vector<1024x1xf32>
    %select_n3A_125 = arith.select %lt3A_123, %broadcast_in_dim3A_106, %select_n3A_93 : vector<1024x1xi1>, vector<1024x1xf32>
    %get3A_126 = arith.constant 0 : index
    %get3A_127 = arith.constant 2048 : index
    %get3A_128 = vector.load %arg3[%get3A_126, %get3A_127] : memref<64x8192xf32, #tpu.memory_space<vmem>>, vector<64x512xf32>
    %dot_general3A_129 = arith.constant dense<0.000000e+00> : vector<1024x512xf32>
    %dot_general3A_130 = tpu.matmul %sub3A, %get3A_128, %dot_general3A_129 {dimension_numbers = #tpu.dot_dimension_numbers<[1], [0], [0], [1], [0, 0, 1, 1], [], []>, transpose_lhs_hint = false} : vector<1024x64xf32>, vector<64x512xf32>, vector<1024x512xf32> -> vector<1024x512xf32>
    %get3A_131 = arith.constant 0 : index
    %get3A_132 = arith.constant 2048 : index
    %get3A_133 = vector.load %arg4[%get3A_131, %get3A_132] : memref<8x8192xf32, #tpu.memory_space<vmem>>, vector<1x512xf32>
    %add3A_134 = vector.broadcast %get3A_133 : vector<1x512xf32> to vector<1024x512xf32>
    %add3A_135 = arith.addf %dot_general3A_130, %add3A_134 : vector<1024x512xf32>
    %reduce_min3A_136 = arith.constant dense<0x7F800000> : vector<1024xf32>
    %reduce_min3A_137 = vector.multi_reduction <minimumf>, %add3A_135, %reduce_min3A_136 [1] : vector<1024x512xf32> to vector<1024xf32>
    %broadcast_in_dim3A_138 = vector.shape_cast %reduce_min3A_137 : vector<1024xf32> to vector<1024x1xf32>
    %iota3A_139 = tpu.iota {dimensions = array<i32: 1>} : vector<1024x512xi32>
    %add3A_140 = arith.constant 2048 : i32
    %add3A_141 = vector.broadcast %add3A_140 : i32 to vector<1024x512xi32>
    %add3A_142 = arith.addi %iota3A_139, %add3A_141 : vector<1024x512xi32>
    %le3A_143 = vector.broadcast %broadcast_in_dim3A_138 : vector<1024x1xf32> to vector<1024x512xf32>
    %le3A_144 = arith.cmpf ole, %add3A_135, %le3A_143 : vector<1024x512xf32>
    %or3A_145 = arith.constant 1065353216 : i32
    %or3A_146 = vector.broadcast %or3A_145 : i32 to vector<1024x512xi32>
    %or3A_147 = arith.ori %add3A_142, %or3A_146 : vector<1024x512xi32>
    %jit3A_148 = arith.constant 1073741824 : i32
    %broadcast_in_dim3A_149 = vector.broadcast %jit3A_148 : i32 to vector<1024x512xi32>
    %select_n3A_150 = arith.select %le3A_144, %or3A_147, %broadcast_in_dim3A_149 : vector<1024x512xi1>, vector<1024x512xi32>
    %bitcast_convert_type3A_151 = tpu.bitcast %select_n3A_150 : vector<1024x512xi32> -> vector<1024x512xf32>
    %reduce_min3A_152 = arith.constant dense<0x7F800000> : vector<1024xf32>
    %reduce_min3A_153 = vector.multi_reduction <minimumf>, %bitcast_convert_type3A_151, %reduce_min3A_152 [1] : vector<1024x512xf32> to vector<1024xf32>
    %broadcast_in_dim3A_154 = vector.shape_cast %reduce_min3A_153 : vector<1024xf32> to vector<1024x1xf32>
    %lt3A_155 = arith.cmpf olt, %broadcast_in_dim3A_138, %select_n3A_125 : vector<1024x1xf32>
    %select_n3A_156 = arith.select %lt3A_155, %broadcast_in_dim3A_154, %select_n3A_124 : vector<1024x1xi1>, vector<1024x1xf32>
    %select_n3A_157 = arith.select %lt3A_155, %broadcast_in_dim3A_138, %select_n3A_125 : vector<1024x1xi1>, vector<1024x1xf32>
    %get3A_158 = arith.constant 0 : index
    %get3A_159 = arith.constant 2560 : index
    %get3A_160 = vector.load %arg3[%get3A_158, %get3A_159] : memref<64x8192xf32, #tpu.memory_space<vmem>>, vector<64x512xf32>
    %dot_general3A_161 = arith.constant dense<0.000000e+00> : vector<1024x512xf32>
    %dot_general3A_162 = tpu.matmul %sub3A, %get3A_160, %dot_general3A_161 {dimension_numbers = #tpu.dot_dimension_numbers<[1], [0], [0], [1], [0, 0, 1, 1], [], []>, transpose_lhs_hint = false} : vector<1024x64xf32>, vector<64x512xf32>, vector<1024x512xf32> -> vector<1024x512xf32>
    %get3A_163 = arith.constant 0 : index
    %get3A_164 = arith.constant 2560 : index
    %get3A_165 = vector.load %arg4[%get3A_163, %get3A_164] : memref<8x8192xf32, #tpu.memory_space<vmem>>, vector<1x512xf32>
    %add3A_166 = vector.broadcast %get3A_165 : vector<1x512xf32> to vector<1024x512xf32>
    %add3A_167 = arith.addf %dot_general3A_162, %add3A_166 : vector<1024x512xf32>
    %reduce_min3A_168 = arith.constant dense<0x7F800000> : vector<1024xf32>
    %reduce_min3A_169 = vector.multi_reduction <minimumf>, %add3A_167, %reduce_min3A_168 [1] : vector<1024x512xf32> to vector<1024xf32>
    %broadcast_in_dim3A_170 = vector.shape_cast %reduce_min3A_169 : vector<1024xf32> to vector<1024x1xf32>
    %iota3A_171 = tpu.iota {dimensions = array<i32: 1>} : vector<1024x512xi32>
    %add3A_172 = arith.constant 2560 : i32
    %add3A_173 = vector.broadcast %add3A_172 : i32 to vector<1024x512xi32>
    %add3A_174 = arith.addi %iota3A_171, %add3A_173 : vector<1024x512xi32>
    %le3A_175 = vector.broadcast %broadcast_in_dim3A_170 : vector<1024x1xf32> to vector<1024x512xf32>
    %le3A_176 = arith.cmpf ole, %add3A_167, %le3A_175 : vector<1024x512xf32>
    %or3A_177 = arith.constant 1065353216 : i32
    %or3A_178 = vector.broadcast %or3A_177 : i32 to vector<1024x512xi32>
    %or3A_179 = arith.ori %add3A_174, %or3A_178 : vector<1024x512xi32>
    %jit3A_180 = arith.constant 1073741824 : i32
    %broadcast_in_dim3A_181 = vector.broadcast %jit3A_180 : i32 to vector<1024x512xi32>
    %select_n3A_182 = arith.select %le3A_176, %or3A_179, %broadcast_in_dim3A_181 : vector<1024x512xi1>, vector<1024x512xi32>
    %bitcast_convert_type3A_183 = tpu.bitcast %select_n3A_182 : vector<1024x512xi32> -> vector<1024x512xf32>
    %reduce_min3A_184 = arith.constant dense<0x7F800000> : vector<1024xf32>
    %reduce_min3A_185 = vector.multi_reduction <minimumf>, %bitcast_convert_type3A_183, %reduce_min3A_184 [1] : vector<1024x512xf32> to vector<1024xf32>
    %broadcast_in_dim3A_186 = vector.shape_cast %reduce_min3A_185 : vector<1024xf32> to vector<1024x1xf32>
    %lt3A_187 = arith.cmpf olt, %broadcast_in_dim3A_170, %select_n3A_157 : vector<1024x1xf32>
    %select_n3A_188 = arith.select %lt3A_187, %broadcast_in_dim3A_186, %select_n3A_156 : vector<1024x1xi1>, vector<1024x1xf32>
    %select_n3A_189 = arith.select %lt3A_187, %broadcast_in_dim3A_170, %select_n3A_157 : vector<1024x1xi1>, vector<1024x1xf32>
    %get3A_190 = arith.constant 0 : index
    %get3A_191 = arith.constant 3072 : index
    %get3A_192 = vector.load %arg3[%get3A_190, %get3A_191] : memref<64x8192xf32, #tpu.memory_space<vmem>>, vector<64x512xf32>
    %dot_general3A_193 = arith.constant dense<0.000000e+00> : vector<1024x512xf32>
    %dot_general3A_194 = tpu.matmul %sub3A, %get3A_192, %dot_general3A_193 {dimension_numbers = #tpu.dot_dimension_numbers<[1], [0], [0], [1], [0, 0, 1, 1], [], []>, transpose_lhs_hint = false} : vector<1024x64xf32>, vector<64x512xf32>, vector<1024x512xf32> -> vector<1024x512xf32>
    %get3A_195 = arith.constant 0 : index
    %get3A_196 = arith.constant 3072 : index
    %get3A_197 = vector.load %arg4[%get3A_195, %get3A_196] : memref<8x8192xf32, #tpu.memory_space<vmem>>, vector<1x512xf32>
    %add3A_198 = vector.broadcast %get3A_197 : vector<1x512xf32> to vector<1024x512xf32>
    %add3A_199 = arith.addf %dot_general3A_194, %add3A_198 : vector<1024x512xf32>
    %reduce_min3A_200 = arith.constant dense<0x7F800000> : vector<1024xf32>
    %reduce_min3A_201 = vector.multi_reduction <minimumf>, %add3A_199, %reduce_min3A_200 [1] : vector<1024x512xf32> to vector<1024xf32>
    %broadcast_in_dim3A_202 = vector.shape_cast %reduce_min3A_201 : vector<1024xf32> to vector<1024x1xf32>
    %iota3A_203 = tpu.iota {dimensions = array<i32: 1>} : vector<1024x512xi32>
    %add3A_204 = arith.constant 3072 : i32
    %add3A_205 = vector.broadcast %add3A_204 : i32 to vector<1024x512xi32>
    %add3A_206 = arith.addi %iota3A_203, %add3A_205 : vector<1024x512xi32>
    %le3A_207 = vector.broadcast %broadcast_in_dim3A_202 : vector<1024x1xf32> to vector<1024x512xf32>
    %le3A_208 = arith.cmpf ole, %add3A_199, %le3A_207 : vector<1024x512xf32>
    %or3A_209 = arith.constant 1065353216 : i32
    %or3A_210 = vector.broadcast %or3A_209 : i32 to vector<1024x512xi32>
    %or3A_211 = arith.ori %add3A_206, %or3A_210 : vector<1024x512xi32>
    %jit3A_212 = arith.constant 1073741824 : i32
    %broadcast_in_dim3A_213 = vector.broadcast %jit3A_212 : i32 to vector<1024x512xi32>
    %select_n3A_214 = arith.select %le3A_208, %or3A_211, %broadcast_in_dim3A_213 : vector<1024x512xi1>, vector<1024x512xi32>
    %bitcast_convert_type3A_215 = tpu.bitcast %select_n3A_214 : vector<1024x512xi32> -> vector<1024x512xf32>
    %reduce_min3A_216 = arith.constant dense<0x7F800000> : vector<1024xf32>
    %reduce_min3A_217 = vector.multi_reduction <minimumf>, %bitcast_convert_type3A_215, %reduce_min3A_216 [1] : vector<1024x512xf32> to vector<1024xf32>
    %broadcast_in_dim3A_218 = vector.shape_cast %reduce_min3A_217 : vector<1024xf32> to vector<1024x1xf32>
    %lt3A_219 = arith.cmpf olt, %broadcast_in_dim3A_202, %select_n3A_189 : vector<1024x1xf32>
    %select_n3A_220 = arith.select %lt3A_219, %broadcast_in_dim3A_218, %select_n3A_188 : vector<1024x1xi1>, vector<1024x1xf32>
    %select_n3A_221 = arith.select %lt3A_219, %broadcast_in_dim3A_202, %select_n3A_189 : vector<1024x1xi1>, vector<1024x1xf32>
    %get3A_222 = arith.constant 0 : index
    %get3A_223 = arith.constant 3584 : index
    %get3A_224 = vector.load %arg3[%get3A_222, %get3A_223] : memref<64x8192xf32, #tpu.memory_space<vmem>>, vector<64x512xf32>
    %dot_general3A_225 = arith.constant dense<0.000000e+00> : vector<1024x512xf32>
    %dot_general3A_226 = tpu.matmul %sub3A, %get3A_224, %dot_general3A_225 {dimension_numbers = #tpu.dot_dimension_numbers<[1], [0], [0], [1], [0, 0, 1, 1], [], []>, transpose_lhs_hint = false} : vector<1024x64xf32>, vector<64x512xf32>, vector<1024x512xf32> -> vector<1024x512xf32>
    %get3A_227 = arith.constant 0 : index
    %get3A_228 = arith.constant 3584 : index
    %get3A_229 = vector.load %arg4[%get3A_227, %get3A_228] : memref<8x8192xf32, #tpu.memory_space<vmem>>, vector<1x512xf32>
    %add3A_230 = vector.broadcast %get3A_229 : vector<1x512xf32> to vector<1024x512xf32>
    %add3A_231 = arith.addf %dot_general3A_226, %add3A_230 : vector<1024x512xf32>
    %reduce_min3A_232 = arith.constant dense<0x7F800000> : vector<1024xf32>
    %reduce_min3A_233 = vector.multi_reduction <minimumf>, %add3A_231, %reduce_min3A_232 [1] : vector<1024x512xf32> to vector<1024xf32>
    %broadcast_in_dim3A_234 = vector.shape_cast %reduce_min3A_233 : vector<1024xf32> to vector<1024x1xf32>
    %iota3A_235 = tpu.iota {dimensions = array<i32: 1>} : vector<1024x512xi32>
    %add3A_236 = arith.constant 3584 : i32
    %add3A_237 = vector.broadcast %add3A_236 : i32 to vector<1024x512xi32>
    %add3A_238 = arith.addi %iota3A_235, %add3A_237 : vector<1024x512xi32>
    %le3A_239 = vector.broadcast %broadcast_in_dim3A_234 : vector<1024x1xf32> to vector<1024x512xf32>
    %le3A_240 = arith.cmpf ole, %add3A_231, %le3A_239 : vector<1024x512xf32>
    %or3A_241 = arith.constant 1065353216 : i32
    %or3A_242 = vector.broadcast %or3A_241 : i32 to vector<1024x512xi32>
    %or3A_243 = arith.ori %add3A_238, %or3A_242 : vector<1024x512xi32>
    %jit3A_244 = arith.constant 1073741824 : i32
    %broadcast_in_dim3A_245 = vector.broadcast %jit3A_244 : i32 to vector<1024x512xi32>
    %select_n3A_246 = arith.select %le3A_240, %or3A_243, %broadcast_in_dim3A_245 : vector<1024x512xi1>, vector<1024x512xi32>
    %bitcast_convert_type3A_247 = tpu.bitcast %select_n3A_246 : vector<1024x512xi32> -> vector<1024x512xf32>
    %reduce_min3A_248 = arith.constant dense<0x7F800000> : vector<1024xf32>
    %reduce_min3A_249 = vector.multi_reduction <minimumf>, %bitcast_convert_type3A_247, %reduce_min3A_248 [1] : vector<1024x512xf32> to vector<1024xf32>
    %broadcast_in_dim3A_250 = vector.shape_cast %reduce_min3A_249 : vector<1024xf32> to vector<1024x1xf32>
    %lt3A_251 = arith.cmpf olt, %broadcast_in_dim3A_234, %select_n3A_221 : vector<1024x1xf32>
    %select_n3A_252 = arith.select %lt3A_251, %broadcast_in_dim3A_250, %select_n3A_220 : vector<1024x1xi1>, vector<1024x1xf32>
    %select_n3A_253 = arith.select %lt3A_251, %broadcast_in_dim3A_234, %select_n3A_221 : vector<1024x1xi1>, vector<1024x1xf32>
    %get3A_254 = arith.constant 0 : index
    %get3A_255 = arith.constant 4096 : index
    %get3A_256 = vector.load %arg3[%get3A_254, %get3A_255] : memref<64x8192xf32, #tpu.memory_space<vmem>>, vector<64x512xf32>
    %dot_general3A_257 = arith.constant dense<0.000000e+00> : vector<1024x512xf32>
    %dot_general3A_258 = tpu.matmul %sub3A, %get3A_256, %dot_general3A_257 {dimension_numbers = #tpu.dot_dimension_numbers<[1], [0], [0], [1], [0, 0, 1, 1], [], []>, transpose_lhs_hint = false} : vector<1024x64xf32>, vector<64x512xf32>, vector<1024x512xf32> -> vector<1024x512xf32>
    %get3A_259 = arith.constant 0 : index
    %get3A_260 = arith.constant 4096 : index
    %get3A_261 = vector.load %arg4[%get3A_259, %get3A_260] : memref<8x8192xf32, #tpu.memory_space<vmem>>, vector<1x512xf32>
    %add3A_262 = vector.broadcast %get3A_261 : vector<1x512xf32> to vector<1024x512xf32>
    %add3A_263 = arith.addf %dot_general3A_258, %add3A_262 : vector<1024x512xf32>
    %reduce_min3A_264 = arith.constant dense<0x7F800000> : vector<1024xf32>
    %reduce_min3A_265 = vector.multi_reduction <minimumf>, %add3A_263, %reduce_min3A_264 [1] : vector<1024x512xf32> to vector<1024xf32>
    %broadcast_in_dim3A_266 = vector.shape_cast %reduce_min3A_265 : vector<1024xf32> to vector<1024x1xf32>
    %iota3A_267 = tpu.iota {dimensions = array<i32: 1>} : vector<1024x512xi32>
    %add3A_268 = arith.constant 4096 : i32
    %add3A_269 = vector.broadcast %add3A_268 : i32 to vector<1024x512xi32>
    %add3A_270 = arith.addi %iota3A_267, %add3A_269 : vector<1024x512xi32>
    %le3A_271 = vector.broadcast %broadcast_in_dim3A_266 : vector<1024x1xf32> to vector<1024x512xf32>
    %le3A_272 = arith.cmpf ole, %add3A_263, %le3A_271 : vector<1024x512xf32>
    %or3A_273 = arith.constant 1065353216 : i32
    %or3A_274 = vector.broadcast %or3A_273 : i32 to vector<1024x512xi32>
    %or3A_275 = arith.ori %add3A_270, %or3A_274 : vector<1024x512xi32>
    %jit3A_276 = arith.constant 1073741824 : i32
    %broadcast_in_dim3A_277 = vector.broadcast %jit3A_276 : i32 to vector<1024x512xi32>
    %select_n3A_278 = arith.select %le3A_272, %or3A_275, %broadcast_in_dim3A_277 : vector<1024x512xi1>, vector<1024x512xi32>
    %bitcast_convert_type3A_279 = tpu.bitcast %select_n3A_278 : vector<1024x512xi32> -> vector<1024x512xf32>
    %reduce_min3A_280 = arith.constant dense<0x7F800000> : vector<1024xf32>
    %reduce_min3A_281 = vector.multi_reduction <minimumf>, %bitcast_convert_type3A_279, %reduce_min3A_280 [1] : vector<1024x512xf32> to vector<1024xf32>
    %broadcast_in_dim3A_282 = vector.shape_cast %reduce_min3A_281 : vector<1024xf32> to vector<1024x1xf32>
    %lt3A_283 = arith.cmpf olt, %broadcast_in_dim3A_266, %select_n3A_253 : vector<1024x1xf32>
    %select_n3A_284 = arith.select %lt3A_283, %broadcast_in_dim3A_282, %select_n3A_252 : vector<1024x1xi1>, vector<1024x1xf32>
    %select_n3A_285 = arith.select %lt3A_283, %broadcast_in_dim3A_266, %select_n3A_253 : vector<1024x1xi1>, vector<1024x1xf32>
    %get3A_286 = arith.constant 0 : index
    %get3A_287 = arith.constant 4608 : index
    %get3A_288 = vector.load %arg3[%get3A_286, %get3A_287] : memref<64x8192xf32, #tpu.memory_space<vmem>>, vector<64x512xf32>
    %dot_general3A_289 = arith.constant dense<0.000000e+00> : vector<1024x512xf32>
    %dot_general3A_290 = tpu.matmul %sub3A, %get3A_288, %dot_general3A_289 {dimension_numbers = #tpu.dot_dimension_numbers<[1], [0], [0], [1], [0, 0, 1, 1], [], []>, transpose_lhs_hint = false} : vector<1024x64xf32>, vector<64x512xf32>, vector<1024x512xf32> -> vector<1024x512xf32>
    %get3A_291 = arith.constant 0 : index
    %get3A_292 = arith.constant 4608 : index
    %get3A_293 = vector.load %arg4[%get3A_291, %get3A_292] : memref<8x8192xf32, #tpu.memory_space<vmem>>, vector<1x512xf32>
    %add3A_294 = vector.broadcast %get3A_293 : vector<1x512xf32> to vector<1024x512xf32>
    %add3A_295 = arith.addf %dot_general3A_290, %add3A_294 : vector<1024x512xf32>
    %reduce_min3A_296 = arith.constant dense<0x7F800000> : vector<1024xf32>
    %reduce_min3A_297 = vector.multi_reduction <minimumf>, %add3A_295, %reduce_min3A_296 [1] : vector<1024x512xf32> to vector<1024xf32>
    %broadcast_in_dim3A_298 = vector.shape_cast %reduce_min3A_297 : vector<1024xf32> to vector<1024x1xf32>
    %iota3A_299 = tpu.iota {dimensions = array<i32: 1>} : vector<1024x512xi32>
    %add3A_300 = arith.constant 4608 : i32
    %add3A_301 = vector.broadcast %add3A_300 : i32 to vector<1024x512xi32>
    %add3A_302 = arith.addi %iota3A_299, %add3A_301 : vector<1024x512xi32>
    %le3A_303 = vector.broadcast %broadcast_in_dim3A_298 : vector<1024x1xf32> to vector<1024x512xf32>
    %le3A_304 = arith.cmpf ole, %add3A_295, %le3A_303 : vector<1024x512xf32>
    %or3A_305 = arith.constant 1065353216 : i32
    %or3A_306 = vector.broadcast %or3A_305 : i32 to vector<1024x512xi32>
    %or3A_307 = arith.ori %add3A_302, %or3A_306 : vector<1024x512xi32>
    %jit3A_308 = arith.constant 1073741824 : i32
    %broadcast_in_dim3A_309 = vector.broadcast %jit3A_308 : i32 to vector<1024x512xi32>
    %select_n3A_310 = arith.select %le3A_304, %or3A_307, %broadcast_in_dim3A_309 : vector<1024x512xi1>, vector<1024x512xi32>
    %bitcast_convert_type3A_311 = tpu.bitcast %select_n3A_310 : vector<1024x512xi32> -> vector<1024x512xf32>
    %reduce_min3A_312 = arith.constant dense<0x7F800000> : vector<1024xf32>
    %reduce_min3A_313 = vector.multi_reduction <minimumf>, %bitcast_convert_type3A_311, %reduce_min3A_312 [1] : vector<1024x512xf32> to vector<1024xf32>
    %broadcast_in_dim3A_314 = vector.shape_cast %reduce_min3A_313 : vector<1024xf32> to vector<1024x1xf32>
    %lt3A_315 = arith.cmpf olt, %broadcast_in_dim3A_298, %select_n3A_285 : vector<1024x1xf32>
    %select_n3A_316 = arith.select %lt3A_315, %broadcast_in_dim3A_314, %select_n3A_284 : vector<1024x1xi1>, vector<1024x1xf32>
    %select_n3A_317 = arith.select %lt3A_315, %broadcast_in_dim3A_298, %select_n3A_285 : vector<1024x1xi1>, vector<1024x1xf32>
    %get3A_318 = arith.constant 0 : index
    %get3A_319 = arith.constant 5120 : index
    %get3A_320 = vector.load %arg3[%get3A_318, %get3A_319] : memref<64x8192xf32, #tpu.memory_space<vmem>>, vector<64x512xf32>
    %dot_general3A_321 = arith.constant dense<0.000000e+00> : vector<1024x512xf32>
    %dot_general3A_322 = tpu.matmul %sub3A, %get3A_320, %dot_general3A_321 {dimension_numbers = #tpu.dot_dimension_numbers<[1], [0], [0], [1], [0, 0, 1, 1], [], []>, transpose_lhs_hint = false} : vector<1024x64xf32>, vector<64x512xf32>, vector<1024x512xf32> -> vector<1024x512xf32>
    %get3A_323 = arith.constant 0 : index
    %get3A_324 = arith.constant 5120 : index
    %get3A_325 = vector.load %arg4[%get3A_323, %get3A_324] : memref<8x8192xf32, #tpu.memory_space<vmem>>, vector<1x512xf32>
    %add3A_326 = vector.broadcast %get3A_325 : vector<1x512xf32> to vector<1024x512xf32>
    %add3A_327 = arith.addf %dot_general3A_322, %add3A_326 : vector<1024x512xf32>
    %reduce_min3A_328 = arith.constant dense<0x7F800000> : vector<1024xf32>
    %reduce_min3A_329 = vector.multi_reduction <minimumf>, %add3A_327, %reduce_min3A_328 [1] : vector<1024x512xf32> to vector<1024xf32>
    %broadcast_in_dim3A_330 = vector.shape_cast %reduce_min3A_329 : vector<1024xf32> to vector<1024x1xf32>
    %iota3A_331 = tpu.iota {dimensions = array<i32: 1>} : vector<1024x512xi32>
    %add3A_332 = arith.constant 5120 : i32
    %add3A_333 = vector.broadcast %add3A_332 : i32 to vector<1024x512xi32>
    %add3A_334 = arith.addi %iota3A_331, %add3A_333 : vector<1024x512xi32>
    %le3A_335 = vector.broadcast %broadcast_in_dim3A_330 : vector<1024x1xf32> to vector<1024x512xf32>
    %le3A_336 = arith.cmpf ole, %add3A_327, %le3A_335 : vector<1024x512xf32>
    %or3A_337 = arith.constant 1065353216 : i32
    %or3A_338 = vector.broadcast %or3A_337 : i32 to vector<1024x512xi32>
    %or3A_339 = arith.ori %add3A_334, %or3A_338 : vector<1024x512xi32>
    %jit3A_340 = arith.constant 1073741824 : i32
    %broadcast_in_dim3A_341 = vector.broadcast %jit3A_340 : i32 to vector<1024x512xi32>
    %select_n3A_342 = arith.select %le3A_336, %or3A_339, %broadcast_in_dim3A_341 : vector<1024x512xi1>, vector<1024x512xi32>
    %bitcast_convert_type3A_343 = tpu.bitcast %select_n3A_342 : vector<1024x512xi32> -> vector<1024x512xf32>
    %reduce_min3A_344 = arith.constant dense<0x7F800000> : vector<1024xf32>
    %reduce_min3A_345 = vector.multi_reduction <minimumf>, %bitcast_convert_type3A_343, %reduce_min3A_344 [1] : vector<1024x512xf32> to vector<1024xf32>
    %broadcast_in_dim3A_346 = vector.shape_cast %reduce_min3A_345 : vector<1024xf32> to vector<1024x1xf32>
    %lt3A_347 = arith.cmpf olt, %broadcast_in_dim3A_330, %select_n3A_317 : vector<1024x1xf32>
    %select_n3A_348 = arith.select %lt3A_347, %broadcast_in_dim3A_346, %select_n3A_316 : vector<1024x1xi1>, vector<1024x1xf32>
    %select_n3A_349 = arith.select %lt3A_347, %broadcast_in_dim3A_330, %select_n3A_317 : vector<1024x1xi1>, vector<1024x1xf32>
    %get3A_350 = arith.constant 0 : index
    %get3A_351 = arith.constant 5632 : index
    %get3A_352 = vector.load %arg3[%get3A_350, %get3A_351] : memref<64x8192xf32, #tpu.memory_space<vmem>>, vector<64x512xf32>
    %dot_general3A_353 = arith.constant dense<0.000000e+00> : vector<1024x512xf32>
    %dot_general3A_354 = tpu.matmul %sub3A, %get3A_352, %dot_general3A_353 {dimension_numbers = #tpu.dot_dimension_numbers<[1], [0], [0], [1], [0, 0, 1, 1], [], []>, transpose_lhs_hint = false} : vector<1024x64xf32>, vector<64x512xf32>, vector<1024x512xf32> -> vector<1024x512xf32>
    %get3A_355 = arith.constant 0 : index
    %get3A_356 = arith.constant 5632 : index
    %get3A_357 = vector.load %arg4[%get3A_355, %get3A_356] : memref<8x8192xf32, #tpu.memory_space<vmem>>, vector<1x512xf32>
    %add3A_358 = vector.broadcast %get3A_357 : vector<1x512xf32> to vector<1024x512xf32>
    %add3A_359 = arith.addf %dot_general3A_354, %add3A_358 : vector<1024x512xf32>
    %reduce_min3A_360 = arith.constant dense<0x7F800000> : vector<1024xf32>
    %reduce_min3A_361 = vector.multi_reduction <minimumf>, %add3A_359, %reduce_min3A_360 [1] : vector<1024x512xf32> to vector<1024xf32>
    %broadcast_in_dim3A_362 = vector.shape_cast %reduce_min3A_361 : vector<1024xf32> to vector<1024x1xf32>
    %iota3A_363 = tpu.iota {dimensions = array<i32: 1>} : vector<1024x512xi32>
    %add3A_364 = arith.constant 5632 : i32
    %add3A_365 = vector.broadcast %add3A_364 : i32 to vector<1024x512xi32>
    %add3A_366 = arith.addi %iota3A_363, %add3A_365 : vector<1024x512xi32>
    %le3A_367 = vector.broadcast %broadcast_in_dim3A_362 : vector<1024x1xf32> to vector<1024x512xf32>
    %le3A_368 = arith.cmpf ole, %add3A_359, %le3A_367 : vector<1024x512xf32>
    %or3A_369 = arith.constant 1065353216 : i32
    %or3A_370 = vector.broadcast %or3A_369 : i32 to vector<1024x512xi32>
    %or3A_371 = arith.ori %add3A_366, %or3A_370 : vector<1024x512xi32>
    %jit3A_372 = arith.constant 1073741824 : i32
    %broadcast_in_dim3A_373 = vector.broadcast %jit3A_372 : i32 to vector<1024x512xi32>
    %select_n3A_374 = arith.select %le3A_368, %or3A_371, %broadcast_in_dim3A_373 : vector<1024x512xi1>, vector<1024x512xi32>
    %bitcast_convert_type3A_375 = tpu.bitcast %select_n3A_374 : vector<1024x512xi32> -> vector<1024x512xf32>
    %reduce_min3A_376 = arith.constant dense<0x7F800000> : vector<1024xf32>
    %reduce_min3A_377 = vector.multi_reduction <minimumf>, %bitcast_convert_type3A_375, %reduce_min3A_376 [1] : vector<1024x512xf32> to vector<1024xf32>
    %broadcast_in_dim3A_378 = vector.shape_cast %reduce_min3A_377 : vector<1024xf32> to vector<1024x1xf32>
    %lt3A_379 = arith.cmpf olt, %broadcast_in_dim3A_362, %select_n3A_349 : vector<1024x1xf32>
    %select_n3A_380 = arith.select %lt3A_379, %broadcast_in_dim3A_378, %select_n3A_348 : vector<1024x1xi1>, vector<1024x1xf32>
    %select_n3A_381 = arith.select %lt3A_379, %broadcast_in_dim3A_362, %select_n3A_349 : vector<1024x1xi1>, vector<1024x1xf32>
    %get3A_382 = arith.constant 0 : index
    %get3A_383 = arith.constant 6144 : index
    %get3A_384 = vector.load %arg3[%get3A_382, %get3A_383] : memref<64x8192xf32, #tpu.memory_space<vmem>>, vector<64x512xf32>
    %dot_general3A_385 = arith.constant dense<0.000000e+00> : vector<1024x512xf32>
    %dot_general3A_386 = tpu.matmul %sub3A, %get3A_384, %dot_general3A_385 {dimension_numbers = #tpu.dot_dimension_numbers<[1], [0], [0], [1], [0, 0, 1, 1], [], []>, transpose_lhs_hint = false} : vector<1024x64xf32>, vector<64x512xf32>, vector<1024x512xf32> -> vector<1024x512xf32>
    %get3A_387 = arith.constant 0 : index
    %get3A_388 = arith.constant 6144 : index
    %get3A_389 = vector.load %arg4[%get3A_387, %get3A_388] : memref<8x8192xf32, #tpu.memory_space<vmem>>, vector<1x512xf32>
    %add3A_390 = vector.broadcast %get3A_389 : vector<1x512xf32> to vector<1024x512xf32>
    %add3A_391 = arith.addf %dot_general3A_386, %add3A_390 : vector<1024x512xf32>
    %reduce_min3A_392 = arith.constant dense<0x7F800000> : vector<1024xf32>
    %reduce_min3A_393 = vector.multi_reduction <minimumf>, %add3A_391, %reduce_min3A_392 [1] : vector<1024x512xf32> to vector<1024xf32>
    %broadcast_in_dim3A_394 = vector.shape_cast %reduce_min3A_393 : vector<1024xf32> to vector<1024x1xf32>
    %iota3A_395 = tpu.iota {dimensions = array<i32: 1>} : vector<1024x512xi32>
    %add3A_396 = arith.constant 6144 : i32
    %add3A_397 = vector.broadcast %add3A_396 : i32 to vector<1024x512xi32>
    %add3A_398 = arith.addi %iota3A_395, %add3A_397 : vector<1024x512xi32>
    %le3A_399 = vector.broadcast %broadcast_in_dim3A_394 : vector<1024x1xf32> to vector<1024x512xf32>
    %le3A_400 = arith.cmpf ole, %add3A_391, %le3A_399 : vector<1024x512xf32>
    %or3A_401 = arith.constant 1065353216 : i32
    %or3A_402 = vector.broadcast %or3A_401 : i32 to vector<1024x512xi32>
    %or3A_403 = arith.ori %add3A_398, %or3A_402 : vector<1024x512xi32>
    %jit3A_404 = arith.constant 1073741824 : i32
    %broadcast_in_dim3A_405 = vector.broadcast %jit3A_404 : i32 to vector<1024x512xi32>
    %select_n3A_406 = arith.select %le3A_400, %or3A_403, %broadcast_in_dim3A_405 : vector<1024x512xi1>, vector<1024x512xi32>
    %bitcast_convert_type3A_407 = tpu.bitcast %select_n3A_406 : vector<1024x512xi32> -> vector<1024x512xf32>
    %reduce_min3A_408 = arith.constant dense<0x7F800000> : vector<1024xf32>
    %reduce_min3A_409 = vector.multi_reduction <minimumf>, %bitcast_convert_type3A_407, %reduce_min3A_408 [1] : vector<1024x512xf32> to vector<1024xf32>
    %broadcast_in_dim3A_410 = vector.shape_cast %reduce_min3A_409 : vector<1024xf32> to vector<1024x1xf32>
    %lt3A_411 = arith.cmpf olt, %broadcast_in_dim3A_394, %select_n3A_381 : vector<1024x1xf32>
    %select_n3A_412 = arith.select %lt3A_411, %broadcast_in_dim3A_410, %select_n3A_380 : vector<1024x1xi1>, vector<1024x1xf32>
    %select_n3A_413 = arith.select %lt3A_411, %broadcast_in_dim3A_394, %select_n3A_381 : vector<1024x1xi1>, vector<1024x1xf32>
    %get3A_414 = arith.constant 0 : index
    %get3A_415 = arith.constant 6656 : index
    %get3A_416 = vector.load %arg3[%get3A_414, %get3A_415] : memref<64x8192xf32, #tpu.memory_space<vmem>>, vector<64x512xf32>
    %dot_general3A_417 = arith.constant dense<0.000000e+00> : vector<1024x512xf32>
    %dot_general3A_418 = tpu.matmul %sub3A, %get3A_416, %dot_general3A_417 {dimension_numbers = #tpu.dot_dimension_numbers<[1], [0], [0], [1], [0, 0, 1, 1], [], []>, transpose_lhs_hint = false} : vector<1024x64xf32>, vector<64x512xf32>, vector<1024x512xf32> -> vector<1024x512xf32>
    %get3A_419 = arith.constant 0 : index
    %get3A_420 = arith.constant 6656 : index
    %get3A_421 = vector.load %arg4[%get3A_419, %get3A_420] : memref<8x8192xf32, #tpu.memory_space<vmem>>, vector<1x512xf32>
    %add3A_422 = vector.broadcast %get3A_421 : vector<1x512xf32> to vector<1024x512xf32>
    %add3A_423 = arith.addf %dot_general3A_418, %add3A_422 : vector<1024x512xf32>
    %reduce_min3A_424 = arith.constant dense<0x7F800000> : vector<1024xf32>
    %reduce_min3A_425 = vector.multi_reduction <minimumf>, %add3A_423, %reduce_min3A_424 [1] : vector<1024x512xf32> to vector<1024xf32>
    %broadcast_in_dim3A_426 = vector.shape_cast %reduce_min3A_425 : vector<1024xf32> to vector<1024x1xf32>
    %iota3A_427 = tpu.iota {dimensions = array<i32: 1>} : vector<1024x512xi32>
    %add3A_428 = arith.constant 6656 : i32
    %add3A_429 = vector.broadcast %add3A_428 : i32 to vector<1024x512xi32>
    %add3A_430 = arith.addi %iota3A_427, %add3A_429 : vector<1024x512xi32>
    %le3A_431 = vector.broadcast %broadcast_in_dim3A_426 : vector<1024x1xf32> to vector<1024x512xf32>
    %le3A_432 = arith.cmpf ole, %add3A_423, %le3A_431 : vector<1024x512xf32>
    %or3A_433 = arith.constant 1065353216 : i32
    %or3A_434 = vector.broadcast %or3A_433 : i32 to vector<1024x512xi32>
    %or3A_435 = arith.ori %add3A_430, %or3A_434 : vector<1024x512xi32>
    %jit3A_436 = arith.constant 1073741824 : i32
    %broadcast_in_dim3A_437 = vector.broadcast %jit3A_436 : i32 to vector<1024x512xi32>
    %select_n3A_438 = arith.select %le3A_432, %or3A_435, %broadcast_in_dim3A_437 : vector<1024x512xi1>, vector<1024x512xi32>
    %bitcast_convert_type3A_439 = tpu.bitcast %select_n3A_438 : vector<1024x512xi32> -> vector<1024x512xf32>
    %reduce_min3A_440 = arith.constant dense<0x7F800000> : vector<1024xf32>
    %reduce_min3A_441 = vector.multi_reduction <minimumf>, %bitcast_convert_type3A_439, %reduce_min3A_440 [1] : vector<1024x512xf32> to vector<1024xf32>
    %broadcast_in_dim3A_442 = vector.shape_cast %reduce_min3A_441 : vector<1024xf32> to vector<1024x1xf32>
    %lt3A_443 = arith.cmpf olt, %broadcast_in_dim3A_426, %select_n3A_413 : vector<1024x1xf32>
    %select_n3A_444 = arith.select %lt3A_443, %broadcast_in_dim3A_442, %select_n3A_412 : vector<1024x1xi1>, vector<1024x1xf32>
    %select_n3A_445 = arith.select %lt3A_443, %broadcast_in_dim3A_426, %select_n3A_413 : vector<1024x1xi1>, vector<1024x1xf32>
    %get3A_446 = arith.constant 0 : index
    %get3A_447 = arith.constant 7168 : index
    %get3A_448 = vector.load %arg3[%get3A_446, %get3A_447] : memref<64x8192xf32, #tpu.memory_space<vmem>>, vector<64x512xf32>
    %dot_general3A_449 = arith.constant dense<0.000000e+00> : vector<1024x512xf32>
    %dot_general3A_450 = tpu.matmul %sub3A, %get3A_448, %dot_general3A_449 {dimension_numbers = #tpu.dot_dimension_numbers<[1], [0], [0], [1], [0, 0, 1, 1], [], []>, transpose_lhs_hint = false} : vector<1024x64xf32>, vector<64x512xf32>, vector<1024x512xf32> -> vector<1024x512xf32>
    %get3A_451 = arith.constant 0 : index
    %get3A_452 = arith.constant 7168 : index
    %get3A_453 = vector.load %arg4[%get3A_451, %get3A_452] : memref<8x8192xf32, #tpu.memory_space<vmem>>, vector<1x512xf32>
    %add3A_454 = vector.broadcast %get3A_453 : vector<1x512xf32> to vector<1024x512xf32>
    %add3A_455 = arith.addf %dot_general3A_450, %add3A_454 : vector<1024x512xf32>
    %reduce_min3A_456 = arith.constant dense<0x7F800000> : vector<1024xf32>
    %reduce_min3A_457 = vector.multi_reduction <minimumf>, %add3A_455, %reduce_min3A_456 [1] : vector<1024x512xf32> to vector<1024xf32>
    %broadcast_in_dim3A_458 = vector.shape_cast %reduce_min3A_457 : vector<1024xf32> to vector<1024x1xf32>
    %iota3A_459 = tpu.iota {dimensions = array<i32: 1>} : vector<1024x512xi32>
    %add3A_460 = arith.constant 7168 : i32
    %add3A_461 = vector.broadcast %add3A_460 : i32 to vector<1024x512xi32>
    %add3A_462 = arith.addi %iota3A_459, %add3A_461 : vector<1024x512xi32>
    %le3A_463 = vector.broadcast %broadcast_in_dim3A_458 : vector<1024x1xf32> to vector<1024x512xf32>
    %le3A_464 = arith.cmpf ole, %add3A_455, %le3A_463 : vector<1024x512xf32>
    %or3A_465 = arith.constant 1065353216 : i32
    %or3A_466 = vector.broadcast %or3A_465 : i32 to vector<1024x512xi32>
    %or3A_467 = arith.ori %add3A_462, %or3A_466 : vector<1024x512xi32>
    %jit3A_468 = arith.constant 1073741824 : i32
    %broadcast_in_dim3A_469 = vector.broadcast %jit3A_468 : i32 to vector<1024x512xi32>
    %select_n3A_470 = arith.select %le3A_464, %or3A_467, %broadcast_in_dim3A_469 : vector<1024x512xi1>, vector<1024x512xi32>
    %bitcast_convert_type3A_471 = tpu.bitcast %select_n3A_470 : vector<1024x512xi32> -> vector<1024x512xf32>
    %reduce_min3A_472 = arith.constant dense<0x7F800000> : vector<1024xf32>
    %reduce_min3A_473 = vector.multi_reduction <minimumf>, %bitcast_convert_type3A_471, %reduce_min3A_472 [1] : vector<1024x512xf32> to vector<1024xf32>
    %broadcast_in_dim3A_474 = vector.shape_cast %reduce_min3A_473 : vector<1024xf32> to vector<1024x1xf32>
    %lt3A_475 = arith.cmpf olt, %broadcast_in_dim3A_458, %select_n3A_445 : vector<1024x1xf32>
    %select_n3A_476 = arith.select %lt3A_475, %broadcast_in_dim3A_474, %select_n3A_444 : vector<1024x1xi1>, vector<1024x1xf32>
    %select_n3A_477 = arith.select %lt3A_475, %broadcast_in_dim3A_458, %select_n3A_445 : vector<1024x1xi1>, vector<1024x1xf32>
    %get3A_478 = arith.constant 0 : index
    %get3A_479 = arith.constant 7680 : index
    %get3A_480 = vector.load %arg3[%get3A_478, %get3A_479] : memref<64x8192xf32, #tpu.memory_space<vmem>>, vector<64x512xf32>
    %dot_general3A_481 = arith.constant dense<0.000000e+00> : vector<1024x512xf32>
    %dot_general3A_482 = tpu.matmul %sub3A, %get3A_480, %dot_general3A_481 {dimension_numbers = #tpu.dot_dimension_numbers<[1], [0], [0], [1], [0, 0, 1, 1], [], []>, transpose_lhs_hint = false} : vector<1024x64xf32>, vector<64x512xf32>, vector<1024x512xf32> -> vector<1024x512xf32>
    %get3A_483 = arith.constant 0 : index
    %get3A_484 = arith.constant 7680 : index
    %get3A_485 = vector.load %arg4[%get3A_483, %get3A_484] : memref<8x8192xf32, #tpu.memory_space<vmem>>, vector<1x512xf32>
    %add3A_486 = vector.broadcast %get3A_485 : vector<1x512xf32> to vector<1024x512xf32>
    %add3A_487 = arith.addf %dot_general3A_482, %add3A_486 : vector<1024x512xf32>
    %reduce_min3A_488 = arith.constant dense<0x7F800000> : vector<1024xf32>
    %reduce_min3A_489 = vector.multi_reduction <minimumf>, %add3A_487, %reduce_min3A_488 [1] : vector<1024x512xf32> to vector<1024xf32>
    %broadcast_in_dim3A_490 = vector.shape_cast %reduce_min3A_489 : vector<1024xf32> to vector<1024x1xf32>
    %iota3A_491 = tpu.iota {dimensions = array<i32: 1>} : vector<1024x512xi32>
    %add3A_492 = arith.constant 7680 : i32
    %add3A_493 = vector.broadcast %add3A_492 : i32 to vector<1024x512xi32>
    %add3A_494 = arith.addi %iota3A_491, %add3A_493 : vector<1024x512xi32>
    %le3A_495 = vector.broadcast %broadcast_in_dim3A_490 : vector<1024x1xf32> to vector<1024x512xf32>
    %le3A_496 = arith.cmpf ole, %add3A_487, %le3A_495 : vector<1024x512xf32>
    %or3A_497 = arith.constant 1065353216 : i32
    %or3A_498 = vector.broadcast %or3A_497 : i32 to vector<1024x512xi32>
    %or3A_499 = arith.ori %add3A_494, %or3A_498 : vector<1024x512xi32>
    %jit3A_500 = arith.constant 1073741824 : i32
    %broadcast_in_dim3A_501 = vector.broadcast %jit3A_500 : i32 to vector<1024x512xi32>
    %select_n3A_502 = arith.select %le3A_496, %or3A_499, %broadcast_in_dim3A_501 : vector<1024x512xi1>, vector<1024x512xi32>
    %bitcast_convert_type3A_503 = tpu.bitcast %select_n3A_502 : vector<1024x512xi32> -> vector<1024x512xf32>
    %reduce_min3A_504 = arith.constant dense<0x7F800000> : vector<1024xf32>
    %reduce_min3A_505 = vector.multi_reduction <minimumf>, %bitcast_convert_type3A_503, %reduce_min3A_504 [1] : vector<1024x512xf32> to vector<1024xf32>
    %broadcast_in_dim3A_506 = vector.shape_cast %reduce_min3A_505 : vector<1024xf32> to vector<1024x1xf32>
    %lt3A_507 = arith.cmpf olt, %broadcast_in_dim3A_490, %select_n3A_477 : vector<1024x1xf32>
    %select_n3A_508 = arith.select %lt3A_507, %broadcast_in_dim3A_506, %select_n3A_476 : vector<1024x1xi1>, vector<1024x1xf32>
    %squeeze3A = vector.shape_cast %select_n3A_508 : vector<1024x1xf32> to vector<1024xf32>
    %bitcast_convert_type3A_509 = tpu.bitcast %squeeze3A : vector<1024xf32> -> vector<1024xi32>
    %and3A = arith.constant 8388607 : i32
    %and3A_510 = vector.broadcast %and3A : i32 to vector<1024xi32>
    %and3A_511 = arith.andi %bitcast_convert_type3A_509, %and3A_510 : vector<1024xi32>
    %swap3A = arith.constant 0 : index
    %swap3A_512 = arith.constant 0 : index
    %swap3A_513 = arith.constant 0 : index
    %swap3A_514 = vector.load %arg5[%swap3A, %swap3A_512, %swap3A_513] : memref<1x1x1024xi32, #tpu.memory_space<vmem>>, vector<1x1x1024xi32>
    %swap3A_515 = vector.shape_cast %swap3A_514 : vector<1x1x1024xi32> to vector<1024xi32>
    %swap3A_516 = vector.shape_cast %and3A_511 : vector<1024xi32> to vector<1x1x1024xi32>
    tpu.vector_store %arg5[%swap3A, %swap3A_512, %swap3A_513], %swap3A_516 {strides = array<i32>} : memref<1x1x1024xi32, #tpu.memory_space<vmem>>, vector<1x1x1024xi32>,
    return
  }
  func.func @transform_0(%arg0: i32) -> (i32, i32) {
    %c0_i32 = arith.constant 0 : i32
    %c0_i32_0 = arith.constant 0 : i32
    return %arg0, %c0_i32 : i32, i32
  }
  func.func @transform_1(%arg0: i32) -> (i32, i32) {
    %c0_i32 = arith.constant 0 : i32
    %c0_i32_0 = arith.constant 0 : i32
    return %arg0, %c0_i32 : i32, i32
  }
  func.func @transform_2(%arg0: i32) -> (i32, i32) {
    %c0_i32 = arith.constant 0 : i32
    %c0_i32_0 = arith.constant 0 : i32
    %c0_i32_1 = arith.constant 0 : i32
    return %c0_i32, %c0_i32_0 : i32, i32
  }
  func.func @transform_3(%arg0: i32) -> (i32, i32) {
    %c0_i32 = arith.constant 0 : i32
    %c0_i32_0 = arith.constant 0 : i32
    %c0_i32_1 = arith.constant 0 : i32
    return %c0_i32, %c0_i32_0 : i32, i32
  }
  func.func @transform_4(%arg0: i32) -> (i32, i32, i32) {
    %c0_i32 = arith.constant 0 : i32
    %c0_i32_0 = arith.constant 0 : i32
    %c0_i32_1 = arith.constant 0 : i32
    return %arg0, %c0_i32, %c0_i32_0 : i32, i32, i32
  }
}

module attributes {stable_mosaic.version = 14 : i64} {
  func.func @_finish_body(%arg0: i32, %arg1: memref<512x64xf32, #tpu.memory_space<vmem>>, %arg2: memref<512x128xf32, #tpu.memory_space<vmem>>, %arg3: memref<512x128xf32, #tpu.memory_space<vmem>>, %arg4: memref<512x64xf32, #tpu.memory_space<vmem>>, %arg5: memref<1x1xf32, #tpu.memory_space<vmem>>, %arg6: memref<1x1xf32, #tpu.memory_space<vmem>>) attributes {dimension_semantics = [#tpu.dimension_semantics<arbitrary>], iteration_bounds = array<i64: 192>, scalar_prefetch = 0 : i64, scratch_operands = 0 : i64, tpu.core_type = #tpu.core_type<tc>, window_params = [{transform_indices = @transform_0, window_bounds = array<i64: 512, 64>}, {transform_indices = @transform_1, window_bounds = array<i64: 512, 128>}, {transform_indices = @transform_2, window_bounds = array<i64: 512, 128>}, {transform_indices = @transform_3, window_bounds = array<i64: 512, 64>}, {pipeline_mode = #tpu.pipeline_mode<synchronous>, transform_indices = @transform_4, window_bounds = array<i64: 1, 1>}, {pipeline_mode = #tpu.pipeline_mode<synchronous>, transform_indices = @transform_5, window_bounds = array<i64: 1, 1>}]} {
    %get3A = arith.constant 0 : index
    %get3A_0 = arith.constant 0 : index
    %get3A_1 = vector.load %arg1[%get3A, %get3A_0] : memref<512x64xf32, #tpu.memory_space<vmem>>, vector<512x64xf32>
    %get3A_2 = arith.constant 0 : index
    %get3A_3 = arith.constant 0 : index
    %get3A_4 = vector.load %arg2[%get3A_2, %get3A_3] : memref<512x128xf32, #tpu.memory_space<vmem>>, vector<512x64xf32>
    %get3A_5 = arith.constant 0 : index
    %get3A_6 = arith.constant 0 : index
    %get3A_7 = vector.load %arg3[%get3A_5, %get3A_6] : memref<512x128xf32, #tpu.memory_space<vmem>>, vector<512x64xf32>
    %sub3A = arith.subf %get3A_1, %get3A_4 : vector<512x64xf32>
    %sub3A_8 = arith.subf %sub3A, %get3A_7 : vector<512x64xf32>
    %add3A = arith.addf %get3A_4, %get3A_7 : vector<512x64xf32>
    %swap3A = arith.constant 0 : index
    %swap3A_9 = arith.constant 0 : index
    %swap3A_10 = vector.load %arg4[%swap3A, %swap3A_9] : memref<512x64xf32, #tpu.memory_space<vmem>>, vector<512x64xf32>
    tpu.vector_store %arg4[%swap3A, %swap3A_9], %add3A {strides = array<i32>} : memref<512x64xf32, #tpu.memory_space<vmem>>, vector<512x64xf32>,
    %eq3A = arith.constant 0 : i32
    %eq3A_11 = arith.cmpi eq, %arg0, %eq3A : i32
    %convert_element_type3A = arith.extui %eq3A_11 : i1 to i32
    %cond3A = arith.constant 0 : i32
    %cond3A_12 = arith.cmpi ne, %convert_element_type3A, %cond3A : i32
    scf.if %cond3A_12 {
      %broadcast_in_dim3A = arith.constant 0.000000e+00 : f32
      %broadcast_in_dim3A_38 = vector.broadcast %broadcast_in_dim3A : f32 to vector<1x1xf32>
      %swap3A_39 = arith.constant 0 : index
      %swap3A_40 = arith.constant 0 : index
      %swap3A_41 = vector.load %arg5[%swap3A_39, %swap3A_40] : memref<1x1xf32, #tpu.memory_space<vmem>>, vector<1x1xf32>
      tpu.vector_store %arg5[%swap3A_39, %swap3A_40], %broadcast_in_dim3A_38 {strides = array<i32>} : memref<1x1xf32, #tpu.memory_space<vmem>>, vector<1x1xf32>,
      %broadcast_in_dim3A_42 = arith.constant 0.000000e+00 : f32
      %broadcast_in_dim3A_43 = vector.broadcast %broadcast_in_dim3A_42 : f32 to vector<1x1xf32>
      %swap3A_44 = arith.constant 0 : index
      %swap3A_45 = arith.constant 0 : index
      %swap3A_46 = vector.load %arg6[%swap3A_44, %swap3A_45] : memref<1x1xf32, #tpu.memory_space<vmem>>, vector<1x1xf32>
      tpu.vector_store %arg6[%swap3A_44, %swap3A_45], %broadcast_in_dim3A_43 {strides = array<i32>} : memref<1x1xf32, #tpu.memory_space<vmem>>, vector<1x1xf32>,
    } else {
    }
    %get3A_13 = arith.constant 0 : index
    %get3A_14 = arith.constant 0 : index
    %get3A_15 = vector.load %arg5[%get3A_13, %get3A_14] : memref<1x1xf32, #tpu.memory_space<vmem>>, vector<1x1xf32>
    %mul3A = arith.mulf %sub3A, %sub3A : vector<512x64xf32>
    %reduce_sum3A = vector.shape_cast %mul3A : vector<512x64xf32> to vector<1x512x64xf32>
    %reduce_sum3A_16 = arith.constant dense<0.000000e+00> : vector<1xf32>
    %reduce_sum3A_17 = vector.multi_reduction <add>, %reduce_sum3A, %reduce_sum3A_16 [1, 2] : vector<1x512x64xf32> to vector<1xf32>
    %reduce_sum3A_18 = vector.shape_cast %reduce_sum3A_17 : vector<1xf32> to vector<1x1x1xf32>
    %reduce_sum3A_19 = vector.extract %reduce_sum3A_18[0, 0, 0] : f32 from vector<1x1x1xf32>
    %reshape3A = vector.broadcast %reduce_sum3A_19 : f32 to vector<1x1xf32>
    %add3A_20 = arith.addf %get3A_15, %reshape3A : vector<1x1xf32>
    %swap3A_21 = arith.constant 0 : index
    %swap3A_22 = arith.constant 0 : index
    %swap3A_23 = vector.load %arg5[%swap3A_21, %swap3A_22] : memref<1x1xf32, #tpu.memory_space<vmem>>, vector<1x1xf32>
    tpu.vector_store %arg5[%swap3A_21, %swap3A_22], %add3A_20 {strides = array<i32>} : memref<1x1xf32, #tpu.memory_space<vmem>>, vector<1x1xf32>,
    %get3A_24 = arith.constant 0 : index
    %get3A_25 = arith.constant 0 : index
    %get3A_26 = vector.load %arg6[%get3A_24, %get3A_25] : memref<1x1xf32, #tpu.memory_space<vmem>>, vector<1x1xf32>
    %mul3A_27 = arith.mulf %sub3A_8, %sub3A_8 : vector<512x64xf32>
    %reduce_sum3A_28 = vector.shape_cast %mul3A_27 : vector<512x64xf32> to vector<1x512x64xf32>
    %reduce_sum3A_29 = arith.constant dense<0.000000e+00> : vector<1xf32>
    %reduce_sum3A_30 = vector.multi_reduction <add>, %reduce_sum3A_28, %reduce_sum3A_29 [1, 2] : vector<1x512x64xf32> to vector<1xf32>
    %reduce_sum3A_31 = vector.shape_cast %reduce_sum3A_30 : vector<1xf32> to vector<1x1x1xf32>
    %reduce_sum3A_32 = vector.extract %reduce_sum3A_31[0, 0, 0] : f32 from vector<1x1x1xf32>
    %reshape3A_33 = vector.broadcast %reduce_sum3A_32 : f32 to vector<1x1xf32>
    %add3A_34 = arith.addf %get3A_26, %reshape3A_33 : vector<1x1xf32>
    %swap3A_35 = arith.constant 0 : index
    %swap3A_36 = arith.constant 0 : index
    %swap3A_37 = vector.load %arg6[%swap3A_35, %swap3A_36] : memref<1x1xf32, #tpu.memory_space<vmem>>, vector<1x1xf32>
    tpu.vector_store %arg6[%swap3A_35, %swap3A_36], %add3A_34 {strides = array<i32>} : memref<1x1xf32, #tpu.memory_space<vmem>>, vector<1x1xf32>,
    return
  }
  func.func @transform_0(%arg0: i32) -> (i32, i32) {
    %c0_i32 = arith.constant 0 : i32
    %c0_i32_0 = arith.constant 0 : i32
    return %arg0, %c0_i32 : i32, i32
  }
  func.func @transform_1(%arg0: i32) -> (i32, i32) {
    %c0_i32 = arith.constant 0 : i32
    %c0_i32_0 = arith.constant 0 : i32
    return %arg0, %c0_i32 : i32, i32
  }
  func.func @transform_2(%arg0: i32) -> (i32, i32) {
    %c0_i32 = arith.constant 0 : i32
    %c0_i32_0 = arith.constant 0 : i32
    return %arg0, %c0_i32 : i32, i32
  }
  func.func @transform_3(%arg0: i32) -> (i32, i32) {
    %c0_i32 = arith.constant 0 : i32
    %c0_i32_0 = arith.constant 0 : i32
    return %arg0, %c0_i32 : i32, i32
  }
  func.func @transform_4(%arg0: i32) -> (i32, i32) {
    %c0_i32 = arith.constant 0 : i32
    %c0_i32_0 = arith.constant 0 : i32
    %c0_i32_1 = arith.constant 0 : i32
    return %c0_i32, %c0_i32_0 : i32, i32
  }
  func.func @transform_5(%arg0: i32) -> (i32, i32) {
    %c0_i32 = arith.constant 0 : i32
    %c0_i32_0 = arith.constant 0 : i32
    %c0_i32_1 = arith.constant 0 : i32
    return %c0_i32, %c0_i32_0 : i32, i32
  }
}

</mosaic_0001>

<sc_bundles>
// kernel: kernel.11.cloned.1.call-start
scs
__scs_entry_jumppad:
0x0: {  	(pc) =	sbr.rel $0x88, $3  }
0x1: {  	(tag) =	ssettag $0x0;
	lr =	simm.s32 $0x1  }
0x2: {  	[smem:$0x3F9F] =	sst lr;
	_ =	strace $0xD0000000  }
0x3: {  	_ = 	snop  }
0x4: {  	_ = 	snop  }
0x5: {  	_ = 	snop  }
0x6: {  	_ = 	snop  }
0x7: {  	_ = 	snop  }
__scs_overlays_trampoline_lowered:
0x8: {  	[smem:$0x3FAE] =	sst s0  }
0x9: {  	[smem:$0x3FAF] =	sst s1  }
0xa: {  	[smem:$0x3FB0] =	sst s2  }
0xb: {  	[smem:$0x3FB1] =	sst s3  }
0xc: {  	[smem:$0x3FB2] =	sst s4  }
0xd: {  	[smem:$0x3FB3] =	sst s5  }
0xe: {  	[smem:$0x3FB4] =	sst s6  }
0xf: {  	[smem:$0x3FB5] =	sst s7  }
0x10: {  	[smem:$0x3FB6] =	sst s8  }
0x11: {  	[smem:$0x3FB7] =	sst s9;
	s0 =	simm.s32 @!p0 $0x0  }
0x12: {  	s1 =	sld [smem:$0x3F9D];
	s0 =	simm.s32 @p0 $0x1  }
0x13: {  	[smem:$0x3FB8] =	sst s0;
	s0 =	simm.s32 @!p1 $0x0  }
0x14: {  	s2 =	sld [smem:$0x3F9C];
	s0 =	simm.s32 @p1 $0x1  }
0x15: {  	[smem:$0x3FB9] =	sst s0;
	s0 =	simm.s32 @!p2 $0x0  }
0x16: {  	s3 =	sld [smem:$0x3FDB];
	s0 =	simm.s32 @p2 $0x1  }
0x17: {  	s4 =	simm.s32 $0x1BF5;
	[smem:$0x3FBB] =	sst s0  }
0x18: {  	s0 =	sld [smem:$0x3F9E];
	_ =	swait.ge [sflag:s4], $0x0  }
0x19: {  	s7 =	sld [smem:$0x3F9F]  }
0x1a: {  	s8 =	sadd.s32 $0xFFFFE003, lr  }
0x1b: {  	s9 =	sadd.s32 $0xFFFFFEF7, lr;
	s5 =	simm.s32 $0xFFFFFFFF;
	p2 =	slt.u32 s8, $0xFFFFF086  }
0x1c: {  	p1 =	slt.u32 s9, $0xF7A;
	s5 =	simm.s32 @!p2 $0x0  }
0x1d: {  	s5 =	simm.s32 @p1 $0x1;
	p0 =	seq.s32 s7, s2  }
0x1e: {  	s7 =	smul.u32 @!p0 $0xF7A, s2;
	p2 =	seq.s32 @!p0 s5, $0x0  }
0x1f: {  	s9 =	smul.u32 $0xF7A, s1;
	s8 =	simm.s32 @!p0 $0x1BF5;
	p2 =	por !p2, p0  }
0x20: {  	[sflag:s8] =	ssyncset.s32 @!p0 $0xFFFFF086;
	s6 =	sadd.s32 @!p0 s3, s7;
	s7 =	simm.s32 @!p0 $0x108  }
0x21: {  	s3 =	sadd.s32 s3, s9;
	s6 =	sadd.s32 @!p0 $0x88, s6;
	s7 =	simm.s32 @p2 $0x1082  }
0x22: {  	[simem:s7], [sflag:s8] =	dma.local @!p0 [hbm:s6], $0xF7A  }
0x23: {  	s9 =	sor.u32 $0xD0000000, s2;
	s6 =	simm.s32 $0x108;
	_ =	swait.ge @!p0 [sflag:s8], $0x0  }
0x24: {  	s3 =	sadd.s32 $0x88, s3;
	s6 =	simm.s32 @!p1 $0x1082;
	[sflag:s4] =	ssyncset.s32 $0xFFFFF086  }
0x25: {  	[simem:s6], [sflag:s4] =	dma.local [hbm:s3], $0xF7A  }
0x26: {  	[smem:$0x3F9F] =	sst s1;
	(tag) =	ssettag s2;
	_ =	strace s9  }
0x27: {  	s1 =	sld [smem:$0x3FAF]  }
0x28: {  	s2 =	sld [smem:$0x3FB0]  }
0x29: {  	s4 =	sld [smem:$0x3FB2]  }
0x2a: {  	p0 =	seq.s32 s5, $0x0;
	s5 =	sld [smem:$0x3FB3]  }
0x2b: {  	s6 =	sld [smem:$0x3FB4]  }
0x2c: {  	s7 =	sld [smem:$0x3FB5]  }
0x2d: {  	s3 =	simm.s32 $0x108;
	s8 =	sld [smem:$0x3FB6]  }
0x2e: {  	s3 =	simm.s32 @!p0 $0x1082;
	s9 =	sld [smem:$0x3FB7]  }
0x2f: {  	lr =	sadd.s32 s0, s3;
	s0 =	sld [smem:$0x3FAE]  }
0x30: {  	s3 =	sld [smem:$0x3FB1]  }
0x31: {  	[smem:$0x3FBA] =	sst s10  }
0x32: {  	s10 =	sld [smem:$0x3FB8];
	_ =	sdelay $0x3  }
0x33: {  	p0 =	seq.s32 s10, $0x1;
	s10 =	sld [smem:$0x3FBA];
	_ =	sdelay $0x3  }
0x34: {  	[smem:$0x3FBA] =	sst s10  }
0x35: {  	s10 =	sld [smem:$0x3FB9];
	_ =	sdelay $0x3  }
0x36: {  	p1 =	seq.s32 s10, $0x1;
	s10 =	sld [smem:$0x3FBA];
	_ =	sdelay $0x3  }
0x37: {  	[smem:$0x3FBA] =	sst s10  }
0x38: {  	s10 =	sld [smem:$0x3FBB]  }
0x39: {  	_ = 	snop;
	(pc) =	sbr.ind lr, $3  }
0x3a: {  	_ = 	snop  }
0x3b: {  	_ = 	snop  }
0x3c: {  	p2 =	seq.s32 s10, $0x1;
	s10 =	sld [smem:$0x3FBA]  }
0x3d: {  	_ =	shalt  }
0x3e: {  	_ =	shalt  }
0x3f: {  	_ =	shalt  }
0x40: {  	_ =	shalt  }
0x41: {  	_ =	shalt  }
0x42: {  	_ =	shalt  }
0x43: {  	_ =	shalt  }
0x44: {  	_ =	shalt  }
0x45: {  	_ =	shalt  }
0x46: {  	_ =	shalt  }
0x47: {  	_ =	shalt  }
0x48: {  	_ =	shalt  }
0x49: {  	_ =	shalt  }
0x4a: {  	_ =	shalt  }
0x4b: {  	_ =	shalt  }
0x4c: {  	_ =	shalt  }
0x4d: {  	_ =	shalt  }
0x4e: {  	_ =	shalt  }
0x4f: {  	_ =	shalt  }
0x50: {  	_ =	shalt  }
0x51: {  	_ =	shalt  }
0x52: {  	_ =	shalt  }
0x53: {  	_ =	shalt  }
0x54: {  	_ =	shalt  }
0x55: {  	_ =	shalt  }
0x56: {  	_ =	shalt  }
0x57: {  	_ =	shalt  }
0x58: {  	_ =	shalt  }
0x59: {  	_ =	shalt  }
0x5a: {  	_ =	shalt  }
0x5b: {  	_ =	shalt  }
0x5c: {  	_ =	shalt  }
0x5d: {  	_ =	shalt  }
0x5e: {  	_ =	shalt  }
0x5f: {  	_ =	shalt  }
0x60: {  	_ =	shalt  }
0x61: {  	_ =	shalt  }
0x62: {  	_ =	shalt  }
0x63: {  	_ =	shalt  }
0x64: {  	_ =	shalt  }
0x65: {  	_ =	shalt  }
0x66: {  	_ =	shalt  }
0x67: {  	_ =	shalt  }
0x68: {  	_ =	shalt  }
0x69: {  	_ =	shalt  }
0x6a: {  	_ =	shalt  }
0x6b: {  	_ =	shalt  }
0x6c: {  	_ =	shalt  }
0x6d: {  	_ =	shalt  }
0x6e: {  	_ =	shalt  }
0x6f: {  	_ =	shalt  }
0x70: {  	_ =	shalt  }
0x71: {  	_ =	shalt  }
0x72: {  	_ =	shalt  }
0x73: {  	_ =	shalt  }
0x74: {  	_ =	shalt  }
0x75: {  	_ =	shalt  }
0x76: {  	_ =	shalt  }
0x77: {  	_ =	shalt  }
0x78: {  	_ =	shalt  }
0x79: {  	_ =	shalt  }
0x7a: {  	_ =	shalt  }
0x7b: {  	_ =	shalt  }
0x7c: {  	_ =	shalt  }
0x7d: {  	_ =	shalt  }
0x7e: {  	_ =	shalt  }
0x7f: {  	_ =	shalt  }
0x80: {  	_ =	shalt  }
0x81: {  	_ =	shalt  }
0x82: {  	_ =	shalt  }
0x83: {  	_ =	shalt  }
0x84: {  	_ =	shalt  }
0x85: {  	_ =	shalt  }
0x86: {  	_ =	shalt  }
0x87: {  	_ =	shalt  }
.Lfunc_end0:
.L_simem_size_0:
called_computation.1_lowered:
.L_overlay_start_0:
0x88: {  	s2 =	sld [smem:$0x3FD9]  }
0x89: {  	s3 =	sld [smem:$0x3FFE];
	_ =	sdelay $0x1  }
0x8a: {  	s1 =	srdreg.scid  }
0x8b: {  	s0 =	sand.u32 $0x1, s1  }
0x8c: {  	s14 =	sshll.u32 s0, $0xA;
	s2 =	sadd.s32 s3, s2  }
0x8d: {  	s2 =	sadd.s32 s2, s14  }
0x8e: {  	[smem:$0x3FC6] =	sst s2  }
0x8f: {  	_ = 	snop  }
0x90: {  	s2 =	sld [smem:$0x3FD0];
	_ =	sdelay $0x2  }
0x91: {  	s15 =	simm.s32 $0xA;
	s4 =	simm.s32 $0x10  }
0x92: {  	[smem:s4], [sflag:s15] =	dma.local [hbm:s2], $0x1  }
0x93: {  	_ =	swait.eq [sflag:s15], $0x1  }
0x94: {  	[sflag:s15] =	ssyncset.done $0x0  }
0x95: {  	[sflag:s15] =	ssyncadd.s32 $0xFFFFFFFF  }
0x96: {  	s16 =	sld [smem:$0x10];
	(tm) =	ssettm $0x1  }
0x97: {  	s17 =	sld [smem:$0x3FFB];
	_ =	sdelay $0x3  }
0x98: {  	_ =	strace s17  }
0x99: {  	s3 =	sld [smem:$0x3FFC];
	_ =	sdelay $0x3  }
0x9a: {  	_ =	strace s3  }
0x9b: {  	s3 =	sld [smem:$0x3FFD];
	_ =	sdelay $0x3  }
0x9c: {  	_ =	strace s3  }
0x9d: {  	_ =	strace $0x8FFFFFFF  }
0x9e: {  	s18 =	sld [smem:$0x3FDB];
	_ =	sdelay $0x1  }
0x9f: {  	s19 =	simm.s32 $_scs_section_size  }
0xa0: {  	s5 =	simm.s32 $_size__tile_overlayer_lowered;
	s6 =	simm.s32 $_tile_overlayer_lowered  }
0xa1: {  	s22 =	simm.s32 $0x1BFF;
	s21 =	sshll.u32 s6, $0x1;
	s3 =	sadd.s32 s19, s18  }
0xa2: {  	s7 =	simm.s32 $0x0;
	s20 =	sshll.u32 s5, $0x1;
	s5 =	sadd.s32 s21, s3  }
0xa3: {  	[timem:s7], [sflag:s22] =	dma.local [hbm:s5], s20  }
0xa4: {  	_ =	swait.ge [sflag:s22], s20  }
0xa5: {  	s4 =	ssub.s32 $0x0, s20;
	[sflag:s22] =	ssyncset.done $0x0  }
0xa6: {  	[sflag:s22] =	ssyncadd.s32 s4;
	_ =	sdelay $0x1  }
0xa7: {  	s23 =	simm.s32 $0x1B8B  }
0xa8: {  	_ =	swait.ge [sflag:s23], $0x1  }
0xa9: {  	[sflag:s23] =	ssyncset.done $0x0  }
0xaa: {  	s25 =	simm.s32 $0x1B8E;
	s24 =	sld [smem:$0x3FFE];
	[sflag:s23] =	ssyncadd.s32 $0xFFFFFFFF  }
0xab: {  	s26 =	simm.s32 $execute0_lowered;
	[smem:$0x3FD2] =	sst s25  }
0xac: {  	s5 =	sshll.u32 s26, $0x1;
	_ =	strace $0x80000049;
	[dreg:$0x1] =	wrdreg $0xFFFFFFFF  }
0xad: {  	s28 =	simm.s32 $_size_execute0_lowered;
	s3 =	sadd.s32 s3, s5;
	[dreg:$0x0] =	wrdreg $0x0  }
0xae: {  	s5 =	sshll.u32 s28, $0x1;
	[dreg:$0x2] =	wrdreg s3  }
0xaf: {  	[dreg:$0x3] =	wrdreg s5  }
0xb0: {  	[dreg:$0x4] =	wrdreg $0xC0  }
0xb1: {  	_ =	task [dreg:s7], $0x5FFFF  }
0xb2: {  	[dreg:$0x1] =	wrdreg $0xFFFFFFFF  }
0xb3: {  	[dreg:$0x0] =	wrdreg $0x60  }
0xb4: {  	[dreg:$0x2] =	wrdreg s16  }
0xb5: {  	[dreg:$0x3] =	wrdreg s24  }
0xb6: {  	[dreg:$0x4] =	wrdreg $0x9  }
0xb7: {  	_ =	task.clear_ibuf [dreg:s7], $0x5FFFF;
	_ =	strace $0x90000049  }
0xb8: {  	s29 =	simm.s32 $0x9;
	_ =	strace $0x8000004B  }
0xb9: {  	_ =	swait.ge [sflag:s29], $0x1  }
0xba: {  	[sflag:s29] =	ssyncadd.s32 $0xFFFFFFFF  }
0xbb: {  	_ =	strace $0x9000004B  }
0xbc: {  	_ =	sfence  }
0xbd: {  	s30 =	sld [smem:$0x0];
	_ =	sdelay $0x2  }
0xbe: {  	s31 =	sshll.u32 s1, $0xD;
	s1 =	sshrl.u32 s1, $0x2  }
0xbf: {  	s3 =	sand.u32 $0x4000, s31;
	s1 =	sadd.s32 s1, s30  }
0xc0: {  	s0 =	sor.u32 s3, s0;
	s1 =	sshll.u32 s1, $0x11  }
0xc1: {  	s0 =	sor.u32 s1, s0  }
0xc2: {  	s0 =	sadd.s32 $0x8F2B, s0  }
0xc3: {  	[sflag:s0] =	ssyncadd.remote.s32 $0x1  }
0xc4: {  	_ =	sfence.sel $0xFFFF  }
0xc5: {  	[dreg:$0x0] =	wrdreg $0xFFFFFFFF;
	(pc) =	sbr.abs _section_cstart, $3  }
0xc6: {  	[dreg:$0x1] =	wrdreg $0xFFFFFFFF  }
0xc7: {  	_ =	task.clear_ibuf [dreg:s7], $0x2FFFF;
	_ =	strace $0x9FFFFFFF  }
0xc8: {  	(tm) =	ssettm $0x7FFFFFFF  }
0xc9: {  	_ =	shalt  }
tec
execute0_lowered:
.L_overlay_start_1:
0x0: {  	(tag) =	ssettag $0x1  }
0x1: {  	s1 =	srdreg.scid;
	s0 =	stileid.u32  }
0x2: {  	s24 =	sand.u32 $0x1, s1;
	s30 =	sshll.u32 s0, $0x1  }
0x3: {  	s2 =	rddreg [dreg:$0x0];
	s16 =	sor.u32 s24, s30  }
0x4: {  	s10 =	rddreg [dreg:$0x1];
	s4 =	smul.u32 $0x180, s16  }
0x5: {  	s3 =	simm.s32 $0x0;
	s1 =	rddreg [dreg:$0x2]  }
0x6: {  	[smem:$0x7FF] =	sst s3;
	s4 =	sadd.s32 s4, s10  }
0x7: {  	_ =	strace $0x8000004A;
	s5 =	sadd.s32 $0x1600, s4;
	s4 =	simm.s32 $0x3  }
0x8: {  	[tilespmem:s3], [sflag:$0x3] =	stream.linear.gather [hbm4b:s5+s3], $0xC00, $0x38;
	[tilespmem:$0x18C00] =	vst v63  }
0x9: {  	_ =	swait.ge [sflag:s4], $0xC00  }
0xa: {  	[sflag:s4] =	ssyncset.done $0x0  }
0xb: {  	s6 =	simm.s32 $0x180;
	s7 =	simm.s32 $0xC00;
	[sflag:s4] =	ssyncadd.s32 $0xFFFFF400  }
0xc: {  	[tilespmem:s7], [sflag:$0x1] =	stream.indirect.gather [hbm4b:s2+s6], $0x80, s3, s6, $0xb8;
	[tilespmem:$0x18C00] =	vst v63  }
0xd: {  	s8 =	simm.s32 $0xCC00;
	s9 =	simm.s32 $0x1  }
0xe: {  	[tilespmem:s8], [sflag:$0x2] =	stream.indirect.gather [hbm4b:s2+s6], $0x80, s6, s6, $0xb8;
	[tilespmem:$0x18C00] =	vst v63  }
0xf: {  	s11 =	smul.u32 $0xC000, s16;
	_ =	swait.ge [sflag:s9], $0xC000  }
0x10: {  	s17 =	sadd.s32 $0x401600, s10;
	[sflag:s9] =	ssyncset.done $0x0  }
0x11: {  	s10 =	sadd.s32 s17, s11;
	[sflag:s9] =	ssyncadd.s32 $0xFFFF4000  }
0x12: {  	[hbm4b:s10+s3] =	stream.linear.scatter [tilespmem:s7], [sflag:$0x3], $0xC000, $0x38;
	[tilespmem:$0x18C00] =	vst v63  }
0x13: {  	_ =	swait.ge [sflag:s4], $0xC000  }
0x14: {  	[sflag:s4] =	ssyncset.done $0x0  }
0x15: {  	s12 =	simm.s32 $0x2;
	s11 =	simm.s32 $0x300;
	[sflag:s4] =	ssyncadd.s32 $0xFFFF4000  }
0x16: {  	[tilespmem:s7], [sflag:$0x1] =	stream.indirect.gather [hbm4b:s2+s6], $0x80, s11, s6, $0xb8;
	[tilespmem:$0x18C00] =	vst v63  }
0x17: {  	_ =	swait.ge [sflag:s12], $0xC000  }
0x18: {  	[sflag:s12] =	ssyncset.done $0x0  }
0x19: {  	s13 =	sadd.s32 $0x1800, s10;
	[sflag:s12] =	ssyncadd.s32 $0xFFFF4000  }
0x1a: {  	[hbm4b:s13+s3] =	stream.linear.scatter [tilespmem:s8], [sflag:$0x3], $0xC000, $0x38;
	[tilespmem:$0x18C00] =	vst v63  }
0x1b: {  	_ =	swait.ge [sflag:s4], $0xC000  }
0x1c: {  	[sflag:s4] =	ssyncset.done $0x0  }
0x1d: {  	s14 =	simm.s32 $0x480;
	[sflag:s4] =	ssyncadd.s32 $0xFFFF4000  }
0x1e: {  	[tilespmem:s8], [sflag:$0x2] =	stream.indirect.gather [hbm4b:s2+s6], $0x80, s14, s6, $0xb8;
	[tilespmem:$0x18C00] =	vst v63  }
0x1f: {  	_ =	swait.ge [sflag:s9], $0xC000  }
0x20: {  	[sflag:s9] =	ssyncset.done $0x0  }
0x21: {  	s15 =	sadd.s32 $0x3000, s10;
	[sflag:s9] =	ssyncadd.s32 $0xFFFF4000  }
0x22: {  	[hbm4b:s15+s3] =	stream.linear.scatter [tilespmem:s7], [sflag:$0x3], $0xC000, $0x38;
	[tilespmem:$0x18C00] =	vst v63  }
0x23: {  	_ =	swait.ge [sflag:s4], $0xC000  }
0x24: {  	[sflag:s4] =	ssyncset.done $0x0  }
0x25: {  	s18 =	smul.u32 $0x60000, s16;
	s16 =	simm.s32 $0x600;
	[sflag:s4] =	ssyncadd.s32 $0xFFFF4000  }
0x26: {  	[tilespmem:s7], [sflag:$0x1] =	stream.indirect.gather [hbm4b:s2+s6], $0x80, s16, s6, $0xb8;
	[tilespmem:$0x18C00] =	vst v63  }
0x27: {  	s18 =	sshrl.u32 s18, $0x3;
	_ =	swait.ge [sflag:s12], $0xC000  }
0x28: {  	s25 =	sadd.s32 s17, s18;
	[sflag:s12] =	ssyncset.done $0x0  }
0x29: {  	s17 =	sadd.s32 $0x4800, s25;
	[sflag:s12] =	ssyncadd.s32 $0xFFFF4000  }
0x2a: {  	[hbm4b:s17+s3] =	stream.linear.scatter [tilespmem:s8], [sflag:$0x3], $0xC000, $0x38;
	[tilespmem:$0x18C00] =	vst v63  }
0x2b: {  	_ =	swait.ge [sflag:s4], $0xC000  }
0x2c: {  	[sflag:s4] =	ssyncset.done $0x0  }
0x2d: {  	s18 =	simm.s32 $0x780;
	[sflag:s4] =	ssyncadd.s32 $0xFFFF4000  }
0x2e: {  	[tilespmem:s8], [sflag:$0x2] =	stream.indirect.gather [hbm4b:s2+s6], $0x80, s18, s6, $0xb8;
	[tilespmem:$0x18C00] =	vst v63  }
0x2f: {  	_ =	swait.ge [sflag:s9], $0xC000  }
0x30: {  	[sflag:s9] =	ssyncset.done $0x0  }
0x31: {  	s19 =	sadd.s32 $0x6000, s25;
	[sflag:s9] =	ssyncadd.s32 $0xFFFF4000  }
0x32: {  	[hbm4b:s19+s3] =	stream.linear.scatter [tilespmem:s7], [sflag:$0x3], $0xC000, $0x38;
	[tilespmem:$0x18C00] =	vst v63  }
0x33: {  	_ =	swait.ge [sflag:s4], $0xC000  }
0x34: {  	[sflag:s4] =	ssyncset.done $0x0  }
0x35: {  	s20 =	simm.s32 $0x900;
	[sflag:s4] =	ssyncadd.s32 $0xFFFF4000  }
0x36: {  	[tilespmem:s7], [sflag:$0x1] =	stream.indirect.gather [hbm4b:s2+s6], $0x80, s20, s6, $0xb8;
	[tilespmem:$0x18C00] =	vst v63  }
0x37: {  	_ =	swait.ge [sflag:s12], $0xC000  }
0x38: {  	[sflag:s12] =	ssyncset.done $0x0  }
0x39: {  	s21 =	sadd.s32 $0x7800, s25;
	[sflag:s12] =	ssyncadd.s32 $0xFFFF4000  }
0x3a: {  	[hbm4b:s21+s3] =	stream.linear.scatter [tilespmem:s8], [sflag:$0x3], $0xC000, $0x38;
	[tilespmem:$0x18C00] =	vst v63  }
0x3b: {  	_ =	swait.ge [sflag:s4], $0xC000  }
0x3c: {  	[sflag:s4] =	ssyncset.done $0x0  }
0x3d: {  	s22 =	simm.s32 $0xA80;
	[sflag:s4] =	ssyncadd.s32 $0xFFFF4000  }
0x3e: {  	[tilespmem:s8], [sflag:$0x2] =	stream.indirect.gather [hbm4b:s2+s6], $0x80, s22, s6, $0xb8;
	[tilespmem:$0x18C00] =	vst v63  }
0x3f: {  	_ =	swait.ge [sflag:s9], $0xC000  }
0x40: {  	[sflag:s9] =	ssyncset.done $0x0  }
0x41: {  	s24 =	ssub.s32 $0x2, s24;
	s23 =	sadd.s32 $0x9000, s25;
	[sflag:s9] =	ssyncadd.s32 $0xFFFF4000  }
0x42: {  	[hbm4b:s23+s3] =	stream.linear.scatter [tilespmem:s7], [sflag:$0x3], $0xC000, $0x38;
	[tilespmem:$0x18C00] =	vst v63  }
0x43: {  	s26 =	sshrl.u32 s24, $0x1;
	_ =	swait.ge [sflag:s4], $0xC000  }
0x44: {  	s26 =	ssub.s32 s24, s26;
	[sflag:s4] =	ssyncset.done $0x0  }
0x45: {  	s31 =	smax.u32 s26, $0x1;
	[sflag:s4] =	ssyncadd.s32 $0xFFFF4000  }
0x46: {  	p0 =	sne.s32 s31, $0x1;
	_ =	swait.ge [sflag:s12], $0xC000  }
.Ltmp0:
0x47: {  	[sflag:s12] =	ssyncset.done $0x0;
	(pc) =	sbr.rel @!p0 .LBB2_2-.Ltmp0, $4  }
0x48: {  	s24 =	sadd.s32 $0xA800, s25;
	[sflag:s12] =	ssyncadd.s32 $0xFFFF4000  }
0x49: {  	[hbm4b:s24+s3] =	stream.linear.scatter [tilespmem:s8], [sflag:$0x3], $0xC000, $0x38;
	[tilespmem:$0x18C00] =	vst v63  }
0x4a: {  	_ =	swait.ge [sflag:s4], $0xC000  }
0x4b: {  	s25 =	sadd.s32 $0xFFFFFFFF, s31;
	[sflag:s4] =	ssyncset.done $0x0  }
.LBB2_1:
0x4c: {  	p0 =	sne.s32 s25, $0x1;
	s25 =	sadd.s32 $0xFFFFFFFF, s25;
	[sflag:s4] =	ssyncadd.s32 $0xFFFF4000  }
0x4d: {  	[tilespmem:s3], [sflag:$0x3] =	stream.linear.gather [hbm4b:s5+s3], $0xC00, $0x38;
	[tilespmem:$0x18C00] =	vst v63  }
0x4e: {  	_ =	swait.ge [sflag:s4], $0xC00  }
0x4f: {  	[sflag:s4] =	ssyncset.done $0x0  }
0x50: {  	[sflag:s4] =	ssyncadd.s32 $0xFFFFF400  }
0x51: {  	[tilespmem:s7], [sflag:$0x1] =	stream.indirect.gather [hbm4b:s2+s6], $0x80, s3, s6, $0xb8;
	[tilespmem:$0x18C00] =	vst v63  }
0x52: {  	_ = 	snop  }
0x53: {  	[tilespmem:s8], [sflag:$0x2] =	stream.indirect.gather [hbm4b:s2+s6], $0x80, s6, s6, $0xb8;
	[tilespmem:$0x18C00] =	vst v63  }
0x54: {  	_ =	swait.ge [sflag:s9], $0xC000  }
0x55: {  	[sflag:s9] =	ssyncset.done $0x0  }
0x56: {  	[sflag:s9] =	ssyncadd.s32 $0xFFFF4000  }
0x57: {  	[hbm4b:s10+s3] =	stream.linear.scatter [tilespmem:s7], [sflag:$0x3], $0xC000, $0x38;
	[tilespmem:$0x18C00] =	vst v63  }
0x58: {  	_ =	swait.ge [sflag:s4], $0xC000  }
0x59: {  	[sflag:s4] =	ssyncset.done $0x0  }
0x5a: {  	[sflag:s4] =	ssyncadd.s32 $0xFFFF4000  }
0x5b: {  	[tilespmem:s7], [sflag:$0x1] =	stream.indirect.gather [hbm4b:s2+s6], $0x80, s11, s6, $0xb8;
	[tilespmem:$0x18C00] =	vst v63  }
0x5c: {  	_ =	swait.ge [sflag:s12], $0xC000  }
0x5d: {  	[sflag:s12] =	ssyncset.done $0x0  }
0x5e: {  	[sflag:s12] =	ssyncadd.s32 $0xFFFF4000  }
0x5f: {  	[hbm4b:s13+s3] =	stream.linear.scatter [tilespmem:s8], [sflag:$0x3], $0xC000, $0x38;
	[tilespmem:$0x18C00] =	vst v63  }
0x60: {  	_ =	swait.ge [sflag:s4], $0xC000  }
0x61: {  	[sflag:s4] =	ssyncset.done $0x0  }
0x62: {  	[sflag:s4] =	ssyncadd.s32 $0xFFFF4000  }
0x63: {  	[tilespmem:s8], [sflag:$0x2] =	stream.indirect.gather [hbm4b:s2+s6], $0x80, s14, s6, $0xb8;
	[tilespmem:$0x18C00] =	vst v63  }
0x64: {  	_ =	swait.ge [sflag:s9], $0xC000  }
0x65: {  	[sflag:s9] =	ssyncset.done $0x0  }
0x66: {  	[sflag:s9] =	ssyncadd.s32 $0xFFFF4000  }
0x67: {  	[hbm4b:s15+s3] =	stream.linear.scatter [tilespmem:s7], [sflag:$0x3], $0xC000, $0x38;
	[tilespmem:$0x18C00] =	vst v63  }
0x68: {  	_ =	swait.ge [sflag:s4], $0xC000  }
0x69: {  	[sflag:s4] =	ssyncset.done $0x0  }
0x6a: {  	[sflag:s4] =	ssyncadd.s32 $0xFFFF4000  }
0x6b: {  	[tilespmem:s7], [sflag:$0x1] =	stream.indirect.gather [hbm4b:s2+s6], $0x80, s16, s6, $0xb8;
	[tilespmem:$0x18C00] =	vst v63  }
0x6c: {  	_ =	swait.ge [sflag:s12], $0xC000  }
0x6d: {  	[sflag:s12] =	ssyncset.done $0x0  }
0x6e: {  	[sflag:s12] =	ssyncadd.s32 $0xFFFF4000  }
0x6f: {  	[hbm4b:s17+s3] =	stream.linear.scatter [tilespmem:s8], [sflag:$0x3], $0xC000, $0x38;
	[tilespmem:$0x18C00] =	vst v63  }
0x70: {  	_ =	swait.ge [sflag:s4], $0xC000  }
0x71: {  	[sflag:s4] =	ssyncset.done $0x0  }
0x72: {  	[sflag:s4] =	ssyncadd.s32 $0xFFFF4000  }
0x73: {  	[tilespmem:s8], [sflag:$0x2] =	stream.indirect.gather [hbm4b:s2+s6], $0x80, s18, s6, $0xb8;
	[tilespmem:$0x18C00] =	vst v63  }
0x74: {  	_ =	swait.ge [sflag:s9], $0xC000  }
0x75: {  	[sflag:s9] =	ssyncset.done $0x0  }
0x76: {  	[sflag:s9] =	ssyncadd.s32 $0xFFFF4000  }
0x77: {  	[hbm4b:s19+s3] =	stream.linear.scatter [tilespmem:s7], [sflag:$0x3], $0xC000, $0x38;
	[tilespmem:$0x18C00] =	vst v63  }
0x78: {  	_ =	swait.ge [sflag:s4], $0xC000  }
0x79: {  	[sflag:s4] =	ssyncset.done $0x0  }
0x7a: {  	[sflag:s4] =	ssyncadd.s32 $0xFFFF4000  }
0x7b: {  	[tilespmem:s7], [sflag:$0x1] =	stream.indirect.gather [hbm4b:s2+s6], $0x80, s20, s6, $0xb8;
	[tilespmem:$0x18C00] =	vst v63  }
0x7c: {  	_ =	swait.ge [sflag:s12], $0xC000  }
0x7d: {  	[sflag:s12] =	ssyncset.done $0x0  }
0x7e: {  	[sflag:s12] =	ssyncadd.s32 $0xFFFF4000  }
0x7f: {  	[hbm4b:s21+s3] =	stream.linear.scatter [tilespmem:s8], [sflag:$0x3], $0xC000, $0x38;
	[tilespmem:$0x18C00] =	vst v63  }
0x80: {  	_ =	swait.ge [sflag:s4], $0xC000  }
0x81: {  	[sflag:s4] =	ssyncset.done $0x0  }
0x82: {  	[sflag:s4] =	ssyncadd.s32 $0xFFFF4000  }
0x83: {  	[tilespmem:s8], [sflag:$0x2] =	stream.indirect.gather [hbm4b:s2+s6], $0x80, s22, s6, $0xb8;
	[tilespmem:$0x18C00] =	vst v63  }
0x84: {  	_ =	swait.ge [sflag:s9], $0xC000  }
0x85: {  	[sflag:s9] =	ssyncset.done $0x0  }
0x86: {  	[sflag:s9] =	ssyncadd.s32 $0xFFFF4000  }
0x87: {  	[hbm4b:s23+s3] =	stream.linear.scatter [tilespmem:s7], [sflag:$0x3], $0xC000, $0x38;
	[tilespmem:$0x18C00] =	vst v63  }
0x88: {  	_ =	swait.ge [sflag:s4], $0xC000  }
0x89: {  	[sflag:s4] =	ssyncset.done $0x0  }
0x8a: {  	[sflag:s4] =	ssyncadd.s32 $0xFFFF4000  }
0x8b: {  	_ =	swait.ge [sflag:s12], $0xC000  }
.Ltmp1:
0x8c: {  	[sflag:s12] =	ssyncset.done $0x0;
	(pc) =	sbr.rel @p0 .LBB2_1-.Ltmp1, $4  }
0x8d: {  	[sflag:s12] =	ssyncadd.s32 $0xFFFF4000  }
0x8e: {  	[hbm4b:s24+s3] =	stream.linear.scatter [tilespmem:s8], [sflag:$0x3], $0xC000, $0x38;
	[tilespmem:$0x18C00] =	vst v63  }
0x8f: {  	_ =	swait.ge [sflag:s4], $0xC000  }
0x90: {  	[sflag:s4] =	ssyncset.done $0x0  }
.LBB2_2:
0x91: {  	[sflag:s4] =	ssyncadd.s32 $0xFFFF4000  }
0x92: {  	_ =	sfence.sel $0x180000  }
0x93: {  	[bflag:$0x0] =	sbarrier.arrive $0xFFFF  }
0x94: {  	p0 =	sne.s32 s0, $0x0;
	_ =	strace $0x9000004A  }
0x95: {  	s0 =	sadd.s32 @!p0 $0x100000, s1;
	[bflag:$0x2] =	sbarrier.arrive $0xFFFF  }
0x96: {  	[sflag:s0] =	ssyncadd.tile.s32 @!p0 $0x1;
	_ =	shalt  }
.Lfunc_end2:
_tile_overlayer_lowered:
.L_overlay_start_2:
0x97: {  	(tag) =	ssettag $0x2  }
0x98: {  	s0 =	rddreg [dreg:$0x0];
	s2 =	stileid.u32  }
0x99: {  	s1 =	rddreg [dreg:$0x1];
	p0 =	sne.s32 s2, $0x0  }
0x9a: {  	s3 =	rddreg [dreg:$0x2];
	[bflag:$0x3] =	sbarrier.arrive $0xFFFF;
	s2 =	simm.s32 @!p0 $0x1C03  }
0x9b: {  	[timem:s3], [sflag:s2] =	dma.local @!p0 [hbm:s0], s1  }
0x9c: {  	s0 =	simm.s32 @!p0 $0x3  }
0x9d: {  	_ =	swait.ge @!p0 [sflag:s0], s1  }
0x9e: {  	s1 =	ssub.s32 @!p0 $0x0, s1;
	[sflag:s0] =	ssyncset.done @!p0 $0x0  }
0x9f: {  	[sflag:s0] =	ssyncadd.s32 @!p0 s1  }
0xa0: {  	[bflag:$0x3] =	sbarrier.arrive $0xFFFF  }
0xa1: {  	_ =	shalt  }

// kernel: kernel.8.cloned.1.call-start
scs
__scs_entry_jumppad:
0x0: {  	(pc) =	sbr.rel $0x88, $3  }
0x1: {  	(tag) =	ssettag $0x0;
	lr =	simm.s32 $0x1  }
0x2: {  	[smem:$0x3F9F] =	sst lr;
	_ =	strace $0xD0000000  }
0x3: {  	_ = 	snop  }
0x4: {  	_ = 	snop  }
0x5: {  	_ = 	snop  }
0x6: {  	_ = 	snop  }
0x7: {  	_ = 	snop  }
__scs_overlays_trampoline_lowered:
0x8: {  	[smem:$0x3FAE] =	sst s0  }
0x9: {  	[smem:$0x3FAF] =	sst s1  }
0xa: {  	[smem:$0x3FB0] =	sst s2  }
0xb: {  	[smem:$0x3FB1] =	sst s3  }
0xc: {  	[smem:$0x3FB2] =	sst s4  }
0xd: {  	[smem:$0x3FB3] =	sst s5  }
0xe: {  	[smem:$0x3FB4] =	sst s6  }
0xf: {  	[smem:$0x3FB5] =	sst s7  }
0x10: {  	[smem:$0x3FB6] =	sst s8  }
0x11: {  	[smem:$0x3FB7] =	sst s9;
	s0 =	simm.s32 @!p0 $0x0  }
0x12: {  	s1 =	sld [smem:$0x3F9D];
	s0 =	simm.s32 @p0 $0x1  }
0x13: {  	[smem:$0x3FB8] =	sst s0;
	s0 =	simm.s32 @!p1 $0x0  }
0x14: {  	s2 =	sld [smem:$0x3F9C];
	s0 =	simm.s32 @p1 $0x1  }
0x15: {  	[smem:$0x3FB9] =	sst s0;
	s0 =	simm.s32 @!p2 $0x0  }
0x16: {  	s3 =	sld [smem:$0x3FDB];
	s0 =	simm.s32 @p2 $0x1  }
0x17: {  	s4 =	simm.s32 $0x1BF5;
	[smem:$0x3FBB] =	sst s0  }
0x18: {  	s0 =	sld [smem:$0x3F9E];
	_ =	swait.ge [sflag:s4], $0x0  }
0x19: {  	s7 =	sld [smem:$0x3F9F]  }
0x1a: {  	s8 =	sadd.s32 $0xFFFFE003, lr  }
0x1b: {  	s9 =	sadd.s32 $0xFFFFFEF7, lr;
	s5 =	simm.s32 $0xFFFFFFFF;
	p2 =	slt.u32 s8, $0xFFFFF086  }
0x1c: {  	p1 =	slt.u32 s9, $0xF7A;
	s5 =	simm.s32 @!p2 $0x0  }
0x1d: {  	s5 =	simm.s32 @p1 $0x1;
	p0 =	seq.s32 s7, s2  }
0x1e: {  	s7 =	smul.u32 @!p0 $0xF7A, s2;
	p2 =	seq.s32 @!p0 s5, $0x0  }
0x1f: {  	s9 =	smul.u32 $0xF7A, s1;
	s8 =	simm.s32 @!p0 $0x1BF5;
	p2 =	por !p2, p0  }
0x20: {  	[sflag:s8] =	ssyncset.s32 @!p0 $0xFFFFF086;
	s6 =	sadd.s32 @!p0 s3, s7;
	s7 =	simm.s32 @!p0 $0x108  }
0x21: {  	s3 =	sadd.s32 s3, s9;
	s6 =	sadd.s32 @!p0 $0x88, s6;
	s7 =	simm.s32 @p2 $0x1082  }
0x22: {  	[simem:s7], [sflag:s8] =	dma.local @!p0 [hbm:s6], $0xF7A  }
0x23: {  	s9 =	sor.u32 $0xD0000000, s2;
	s6 =	simm.s32 $0x108;
	_ =	swait.ge @!p0 [sflag:s8], $0x0  }
0x24: {  	s3 =	sadd.s32 $0x88, s3;
	s6 =	simm.s32 @!p1 $0x1082;
	[sflag:s4] =	ssyncset.s32 $0xFFFFF086  }
0x25: {  	[simem:s6], [sflag:s4] =	dma.local [hbm:s3], $0xF7A  }
0x26: {  	[smem:$0x3F9F] =	sst s1;
	(tag) =	ssettag s2;
	_ =	strace s9  }
0x27: {  	s1 =	sld [smem:$0x3FAF]  }
0x28: {  	s2 =	sld [smem:$0x3FB0]  }
0x29: {  	s4 =	sld [smem:$0x3FB2]  }
0x2a: {  	p0 =	seq.s32 s5, $0x0;
	s5 =	sld [smem:$0x3FB3]  }
0x2b: {  	s6 =	sld [smem:$0x3FB4]  }
0x2c: {  	s7 =	sld [smem:$0x3FB5]  }
0x2d: {  	s3 =	simm.s32 $0x108;
	s8 =	sld [smem:$0x3FB6]  }
0x2e: {  	s3 =	simm.s32 @!p0 $0x1082;
	s9 =	sld [smem:$0x3FB7]  }
0x2f: {  	lr =	sadd.s32 s0, s3;
	s0 =	sld [smem:$0x3FAE]  }
0x30: {  	s3 =	sld [smem:$0x3FB1]  }
0x31: {  	[smem:$0x3FBA] =	sst s10  }
0x32: {  	s10 =	sld [smem:$0x3FB8];
	_ =	sdelay $0x3  }
0x33: {  	p0 =	seq.s32 s10, $0x1;
	s10 =	sld [smem:$0x3FBA];
	_ =	sdelay $0x3  }
0x34: {  	[smem:$0x3FBA] =	sst s10  }
0x35: {  	s10 =	sld [smem:$0x3FB9];
	_ =	sdelay $0x3  }
0x36: {  	p1 =	seq.s32 s10, $0x1;
	s10 =	sld [smem:$0x3FBA];
	_ =	sdelay $0x3  }
0x37: {  	[smem:$0x3FBA] =	sst s10  }
0x38: {  	s10 =	sld [smem:$0x3FBB]  }
0x39: {  	_ = 	snop;
	(pc) =	sbr.ind lr, $3  }
0x3a: {  	_ = 	snop  }
0x3b: {  	_ = 	snop  }
0x3c: {  	p2 =	seq.s32 s10, $0x1;
	s10 =	sld [smem:$0x3FBA]  }
0x3d: {  	_ =	shalt  }
0x3e: {  	_ =	shalt  }
0x3f: {  	_ =	shalt  }
0x40: {  	_ =	shalt  }
0x41: {  	_ =	shalt  }
0x42: {  	_ =	shalt  }
0x43: {  	_ =	shalt  }
0x44: {  	_ =	shalt  }
0x45: {  	_ =	shalt  }
0x46: {  	_ =	shalt  }
0x47: {  	_ =	shalt  }
0x48: {  	_ =	shalt  }
0x49: {  	_ =	shalt  }
0x4a: {  	_ =	shalt  }
0x4b: {  	_ =	shalt  }
0x4c: {  	_ =	shalt  }
0x4d: {  	_ =	shalt  }
0x4e: {  	_ =	shalt  }
0x4f: {  	_ =	shalt  }
0x50: {  	_ =	shalt  }
0x51: {  	_ =	shalt  }
0x52: {  	_ =	shalt  }
0x53: {  	_ =	shalt  }
0x54: {  	_ =	shalt  }
0x55: {  	_ =	shalt  }
0x56: {  	_ =	shalt  }
0x57: {  	_ =	shalt  }
0x58: {  	_ =	shalt  }
0x59: {  	_ =	shalt  }
0x5a: {  	_ =	shalt  }
0x5b: {  	_ =	shalt  }
0x5c: {  	_ =	shalt  }
0x5d: {  	_ =	shalt  }
0x5e: {  	_ =	shalt  }
0x5f: {  	_ =	shalt  }
0x60: {  	_ =	shalt  }
0x61: {  	_ =	shalt  }
0x62: {  	_ =	shalt  }
0x63: {  	_ =	shalt  }
0x64: {  	_ =	shalt  }
0x65: {  	_ =	shalt  }
0x66: {  	_ =	shalt  }
0x67: {  	_ =	shalt  }
0x68: {  	_ =	shalt  }
0x69: {  	_ =	shalt  }
0x6a: {  	_ =	shalt  }
0x6b: {  	_ =	shalt  }
0x6c: {  	_ =	shalt  }
0x6d: {  	_ =	shalt  }
0x6e: {  	_ =	shalt  }
0x6f: {  	_ =	shalt  }
0x70: {  	_ =	shalt  }
0x71: {  	_ =	shalt  }
0x72: {  	_ =	shalt  }
0x73: {  	_ =	shalt  }
0x74: {  	_ =	shalt  }
0x75: {  	_ =	shalt  }
0x76: {  	_ =	shalt  }
0x77: {  	_ =	shalt  }
0x78: {  	_ =	shalt  }
0x79: {  	_ =	shalt  }
0x7a: {  	_ =	shalt  }
0x7b: {  	_ =	shalt  }
0x7c: {  	_ =	shalt  }
0x7d: {  	_ =	shalt  }
0x7e: {  	_ =	shalt  }
0x7f: {  	_ =	shalt  }
0x80: {  	_ =	shalt  }
0x81: {  	_ =	shalt  }
0x82: {  	_ =	shalt  }
0x83: {  	_ =	shalt  }
0x84: {  	_ =	shalt  }
0x85: {  	_ =	shalt  }
0x86: {  	_ =	shalt  }
0x87: {  	_ =	shalt  }
.Lfunc_end0:
.L_simem_size_0:
called_computation_lowered:
.L_overlay_start_0:
0x88: {  	s2 =	sld [smem:$0x3FD9]  }
0x89: {  	s3 =	sld [smem:$0x3FFE];
	_ =	sdelay $0x1  }
0x8a: {  	s1 =	srdreg.scid  }
0x8b: {  	s0 =	sand.u32 $0x1, s1  }
0x8c: {  	s14 =	sshll.u32 s0, $0xA;
	s2 =	sadd.s32 s3, s2  }
0x8d: {  	s2 =	sadd.s32 s2, s14  }
0x8e: {  	[smem:$0x3FC6] =	sst s2  }
0x8f: {  	_ = 	snop  }
0x90: {  	s2 =	sld [smem:$0x3FD0];
	_ =	sdelay $0x2  }
0x91: {  	s15 =	simm.s32 $0xA;
	s4 =	simm.s32 $0x10  }
0x92: {  	[smem:s4], [sflag:s15] =	dma.local [hbm:s2], $0x1  }
0x93: {  	_ =	swait.eq [sflag:s15], $0x1  }
0x94: {  	[sflag:s15] =	ssyncset.done $0x0  }
0x95: {  	s16 =	sld [smem:$0x10];
	[sflag:s15] =	ssyncadd.s32 $0xFFFFFFFF  }
0x96: {  	s17 =	sld [smem:$0x11];
	(tm) =	ssettm $0x1  }
0x97: {  	s18 =	sld [smem:$0x3FFB];
	_ =	sdelay $0x3  }
0x98: {  	_ =	strace s18  }
0x99: {  	s4 =	sld [smem:$0x3FFC];
	_ =	sdelay $0x3  }
0x9a: {  	_ =	strace s4  }
0x9b: {  	s4 =	sld [smem:$0x3FFD];
	_ =	sdelay $0x3  }
0x9c: {  	_ =	strace s4  }
0x9d: {  	_ =	strace $0x8FFFFFFF  }
0x9e: {  	s19 =	sld [smem:$0x3FDB];
	_ =	sdelay $0x1  }
0x9f: {  	s5 =	simm.s32 $_scs_section_size  }
0xa0: {  	s6 =	simm.s32 $_size__tile_overlayer_lowered;
	s7 =	simm.s32 $_tile_overlayer_lowered  }
0xa1: {  	s22 =	simm.s32 $0x1BFF;
	s21 =	sshll.u32 s7, $0x1;
	s4 =	sadd.s32 s5, s19  }
0xa2: {  	s8 =	simm.s32 $0x0;
	s20 =	sshll.u32 s6, $0x1;
	s6 =	sadd.s32 s21, s4  }
0xa3: {  	[timem:s8], [sflag:s22] =	dma.local [hbm:s6], s20  }
0xa4: {  	_ =	swait.ge [sflag:s22], s20  }
0xa5: {  	s5 =	ssub.s32 $0x0, s20;
	[sflag:s22] =	ssyncset.done $0x0  }
0xa6: {  	[sflag:s22] =	ssyncadd.s32 s5;
	_ =	sdelay $0x1  }
0xa7: {  	s23 =	simm.s32 $0x1B8B  }
0xa8: {  	_ =	swait.ge [sflag:s23], $0x1  }
0xa9: {  	[sflag:s23] =	ssyncset.done $0x0  }
0xaa: {  	s25 =	simm.s32 $0x1B8E;
	s24 =	sld [smem:$0x3FFE];
	[sflag:s23] =	ssyncadd.s32 $0xFFFFFFFF  }
0xab: {  	s26 =	simm.s32 $execute0_lowered;
	[smem:$0x3FD2] =	sst s25  }
0xac: {  	s6 =	sshll.u32 s26, $0x1;
	_ =	strace $0x80000046;
	[dreg:$0x1] =	wrdreg $0xFFFFFFFF  }
0xad: {  	s28 =	simm.s32 $_size_execute0_lowered;
	s4 =	sadd.s32 s4, s6;
	[dreg:$0x0] =	wrdreg $0x0  }
0xae: {  	s6 =	sshll.u32 s28, $0x1;
	[dreg:$0x2] =	wrdreg s4  }
0xaf: {  	[dreg:$0x3] =	wrdreg s6  }
0xb0: {  	[dreg:$0x4] =	wrdreg $0xC0  }
0xb1: {  	_ =	task [dreg:s8], $0x5FFFF  }
0xb2: {  	[dreg:$0x1] =	wrdreg $0xFFFFFFFF  }
0xb3: {  	[dreg:$0x0] =	wrdreg $0x60  }
0xb4: {  	[dreg:$0x2] =	wrdreg s16  }
0xb5: {  	[dreg:$0x3] =	wrdreg s17  }
0xb6: {  	[dreg:$0x4] =	wrdreg s24  }
0xb7: {  	[dreg:$0x5] =	wrdreg $0x9  }
0xb8: {  	_ =	task.clear_ibuf [dreg:s8], $0x6FFFF;
	_ =	strace $0x90000046  }
0xb9: {  	s29 =	simm.s32 $0x9;
	_ =	strace $0x80000048  }
0xba: {  	_ =	swait.ge [sflag:s29], $0x1  }
0xbb: {  	[sflag:s29] =	ssyncadd.s32 $0xFFFFFFFF  }
0xbc: {  	_ =	strace $0x90000048  }
0xbd: {  	_ =	sfence  }
0xbe: {  	s30 =	sld [smem:$0x0];
	_ =	sdelay $0x2  }
0xbf: {  	s31 =	sshll.u32 s1, $0xD;
	s1 =	sshrl.u32 s1, $0x2  }
0xc0: {  	s3 =	sand.u32 $0x4000, s31;
	s1 =	sadd.s32 s1, s30  }
0xc1: {  	s0 =	sor.u32 s3, s0;
	s1 =	sshll.u32 s1, $0x11  }
0xc2: {  	s0 =	sor.u32 s1, s0  }
0xc3: {  	s0 =	sadd.s32 $0x8F2B, s0  }
0xc4: {  	[sflag:s0] =	ssyncadd.remote.s32 $0x1  }
0xc5: {  	_ =	sfence.sel $0xFFFF  }
0xc6: {  	[dreg:$0x0] =	wrdreg $0xFFFFFFFF;
	(pc) =	sbr.abs _section_cstart, $3  }
0xc7: {  	[dreg:$0x1] =	wrdreg $0xFFFFFFFF  }
0xc8: {  	_ =	task.clear_ibuf [dreg:s8], $0x2FFFF;
	_ =	strace $0x9FFFFFFF  }
0xc9: {  	(tm) =	ssettm $0x7FFFFFFF  }
tec
execute0_lowered:
.L_overlay_start_1:
0x0: {  	(tag) =	ssettag $0x1  }
0x1: {  	s1 =	rddreg [dreg:$0x0]  }
0x2: {  	s2 =	srdreg.scid;
	s0 =	stileid.u32  }
0x3: {  	s4 =	rddreg [dreg:$0x1];
	s24 =	sand.u32 $0x1, s2;
	s30 =	sshll.u32 s0, $0x1  }
0x4: {  	s10 =	rddreg [dreg:$0x2];
	s16 =	sor.u32 s24, s30  }
0x5: {  	s3 =	simm.s32 $0x0;
	s2 =	rddreg [dreg:$0x3];
	s5 =	smul.u32 $0x180, s16  }
0x6: {  	[smem:$0x7FF] =	sst s3  }
0x7: {  	_ =	strace $0x80000047;
	s5 =	sadd.s32 s4, s5;
	s4 =	simm.s32 $0x3  }
0x8: {  	[tilespmem:s3], [sflag:$0x3] =	stream.linear.gather [hbm4b:s5+s3], $0xC00, $0x38;
	[tilespmem:$0x18C00] =	vst v63  }
0x9: {  	_ =	swait.ge [sflag:s4], $0xC00  }
0xa: {  	[sflag:s4] =	ssyncset.done $0x0  }
0xb: {  	s6 =	simm.s32 $0x180;
	s7 =	simm.s32 $0xC00;
	[sflag:s4] =	ssyncadd.s32 $0xFFFFF400  }
0xc: {  	[tilespmem:s7], [sflag:$0x1] =	stream.indirect.gather [hbm4b:s1+s6], $0x80, s3, s6, $0xb8;
	[tilespmem:$0x18C00] =	vst v63  }
0xd: {  	s8 =	simm.s32 $0xCC00;
	s9 =	simm.s32 $0x1  }
0xe: {  	[tilespmem:s8], [sflag:$0x2] =	stream.indirect.gather [hbm4b:s1+s6], $0x80, s6, s6, $0xb8;
	[tilespmem:$0x18C00] =	vst v63  }
0xf: {  	s11 =	smul.u32 $0xC000, s16;
	_ =	swait.ge [sflag:s9], $0xC000  }
0x10: {  	s17 =	sadd.s32 $0x281600, s10;
	[sflag:s9] =	ssyncset.done $0x0  }
0x11: {  	s10 =	sadd.s32 s17, s11;
	[sflag:s9] =	ssyncadd.s32 $0xFFFF4000  }
0x12: {  	[hbm4b:s10+s3] =	stream.linear.scatter [tilespmem:s7], [sflag:$0x3], $0xC000, $0x38;
	[tilespmem:$0x18C00] =	vst v63  }
0x13: {  	_ =	swait.ge [sflag:s4], $0xC000  }
0x14: {  	[sflag:s4] =	ssyncset.done $0x0  }
0x15: {  	s12 =	simm.s32 $0x2;
	s11 =	simm.s32 $0x300;
	[sflag:s4] =	ssyncadd.s32 $0xFFFF4000  }
0x16: {  	[tilespmem:s7], [sflag:$0x1] =	stream.indirect.gather [hbm4b:s1+s6], $0x80, s11, s6, $0xb8;
	[tilespmem:$0x18C00] =	vst v63  }
0x17: {  	_ =	swait.ge [sflag:s12], $0xC000  }
0x18: {  	[sflag:s12] =	ssyncset.done $0x0  }
0x19: {  	s13 =	sadd.s32 $0x1800, s10;
	[sflag:s12] =	ssyncadd.s32 $0xFFFF4000  }
0x1a: {  	[hbm4b:s13+s3] =	stream.linear.scatter [tilespmem:s8], [sflag:$0x3], $0xC000, $0x38;
	[tilespmem:$0x18C00] =	vst v63  }
0x1b: {  	_ =	swait.ge [sflag:s4], $0xC000  }
0x1c: {  	[sflag:s4] =	ssyncset.done $0x0  }
0x1d: {  	s14 =	simm.s32 $0x480;
	[sflag:s4] =	ssyncadd.s32 $0xFFFF4000  }
0x1e: {  	[tilespmem:s8], [sflag:$0x2] =	stream.indirect.gather [hbm4b:s1+s6], $0x80, s14, s6, $0xb8;
	[tilespmem:$0x18C00] =	vst v63  }
0x1f: {  	_ =	swait.ge [sflag:s9], $0xC000  }
0x20: {  	[sflag:s9] =	ssyncset.done $0x0  }
0x21: {  	s15 =	sadd.s32 $0x3000, s10;
	[sflag:s9] =	ssyncadd.s32 $0xFFFF4000  }
0x22: {  	[hbm4b:s15+s3] =	stream.linear.scatter [tilespmem:s7], [sflag:$0x3], $0xC000, $0x38;
	[tilespmem:$0x18C00] =	vst v63  }
0x23: {  	_ =	swait.ge [sflag:s4], $0xC000  }
0x24: {  	[sflag:s4] =	ssyncset.done $0x0  }
0x25: {  	s18 =	smul.u32 $0x60000, s16;
	s16 =	simm.s32 $0x600;
	[sflag:s4] =	ssyncadd.s32 $0xFFFF4000  }
0x26: {  	[tilespmem:s7], [sflag:$0x1] =	stream.indirect.gather [hbm4b:s1+s6], $0x80, s16, s6, $0xb8;
	[tilespmem:$0x18C00] =	vst v63  }
0x27: {  	s18 =	sshrl.u32 s18, $0x3;
	_ =	swait.ge [sflag:s12], $0xC000  }
0x28: {  	s25 =	sadd.s32 s17, s18;
	[sflag:s12] =	ssyncset.done $0x0  }
0x29: {  	s17 =	sadd.s32 $0x4800, s25;
	[sflag:s12] =	ssyncadd.s32 $0xFFFF4000  }
0x2a: {  	[hbm4b:s17+s3] =	stream.linear.scatter [tilespmem:s8], [sflag:$0x3], $0xC000, $0x38;
	[tilespmem:$0x18C00] =	vst v63  }
0x2b: {  	_ =	swait.ge [sflag:s4], $0xC000  }
0x2c: {  	[sflag:s4] =	ssyncset.done $0x0  }
0x2d: {  	s18 =	simm.s32 $0x780;
	[sflag:s4] =	ssyncadd.s32 $0xFFFF4000  }
0x2e: {  	[tilespmem:s8], [sflag:$0x2] =	stream.indirect.gather [hbm4b:s1+s6], $0x80, s18, s6, $0xb8;
	[tilespmem:$0x18C00] =	vst v63  }
0x2f: {  	_ =	swait.ge [sflag:s9], $0xC000  }
0x30: {  	[sflag:s9] =	ssyncset.done $0x0  }
0x31: {  	s19 =	sadd.s32 $0x6000, s25;
	[sflag:s9] =	ssyncadd.s32 $0xFFFF4000  }
0x32: {  	[hbm4b:s19+s3] =	stream.linear.scatter [tilespmem:s7], [sflag:$0x3], $0xC000, $0x38;
	[tilespmem:$0x18C00] =	vst v63  }
0x33: {  	_ =	swait.ge [sflag:s4], $0xC000  }
0x34: {  	[sflag:s4] =	ssyncset.done $0x0  }
0x35: {  	s20 =	simm.s32 $0x900;
	[sflag:s4] =	ssyncadd.s32 $0xFFFF4000  }
0x36: {  	[tilespmem:s7], [sflag:$0x1] =	stream.indirect.gather [hbm4b:s1+s6], $0x80, s20, s6, $0xb8;
	[tilespmem:$0x18C00] =	vst v63  }
0x37: {  	_ =	swait.ge [sflag:s12], $0xC000  }
0x38: {  	[sflag:s12] =	ssyncset.done $0x0  }
0x39: {  	s21 =	sadd.s32 $0x7800, s25;
	[sflag:s12] =	ssyncadd.s32 $0xFFFF4000  }
0x3a: {  	[hbm4b:s21+s3] =	stream.linear.scatter [tilespmem:s8], [sflag:$0x3], $0xC000, $0x38;
	[tilespmem:$0x18C00] =	vst v63  }
0x3b: {  	_ =	swait.ge [sflag:s4], $0xC000  }
0x3c: {  	[sflag:s4] =	ssyncset.done $0x0  }
0x3d: {  	s22 =	simm.s32 $0xA80;
	[sflag:s4] =	ssyncadd.s32 $0xFFFF4000  }
0x3e: {  	[tilespmem:s8], [sflag:$0x2] =	stream.indirect.gather [hbm4b:s1+s6], $0x80, s22, s6, $0xb8;
	[tilespmem:$0x18C00] =	vst v63  }
0x3f: {  	_ =	swait.ge [sflag:s9], $0xC000  }
0x40: {  	[sflag:s9] =	ssyncset.done $0x0  }
0x41: {  	s24 =	ssub.s32 $0x2, s24;
	s23 =	sadd.s32 $0x9000, s25;
	[sflag:s9] =	ssyncadd.s32 $0xFFFF4000  }
0x42: {  	[hbm4b:s23+s3] =	stream.linear.scatter [tilespmem:s7], [sflag:$0x3], $0xC000, $0x38;
	[tilespmem:$0x18C00] =	vst v63  }
0x43: {  	s26 =	sshrl.u32 s24, $0x1;
	_ =	swait.ge [sflag:s4], $0xC000  }
0x44: {  	s26 =	ssub.s32 s24, s26;
	[sflag:s4] =	ssyncset.done $0x0  }
0x45: {  	s31 =	smax.u32 s26, $0x1;
	[sflag:s4] =	ssyncadd.s32 $0xFFFF4000  }
0x46: {  	p0 =	sne.s32 s31, $0x1;
	_ =	swait.ge [sflag:s12], $0xC000  }
.Ltmp0:
0x47: {  	[sflag:s12] =	ssyncset.done $0x0;
	(pc) =	sbr.rel @!p0 .LBB2_2-.Ltmp0, $4  }
0x48: {  	s24 =	sadd.s32 $0xA800, s25;
	[sflag:s12] =	ssyncadd.s32 $0xFFFF4000  }
0x49: {  	[hbm4b:s24+s3] =	stream.linear.scatter [tilespmem:s8], [sflag:$0x3], $0xC000, $0x38;
	[tilespmem:$0x18C00] =	vst v63  }
0x4a: {  	_ =	swait.ge [sflag:s4], $0xC000  }
0x4b: {  	s25 =	sadd.s32 $0xFFFFFFFF, s31;
	[sflag:s4] =	ssyncset.done $0x0  }
.LBB2_1:
0x4c: {  	p0 =	sne.s32 s25, $0x1;
	s25 =	sadd.s32 $0xFFFFFFFF, s25;
	[sflag:s4] =	ssyncadd.s32 $0xFFFF4000  }
0x4d: {  	[tilespmem:s3], [sflag:$0x3] =	stream.linear.gather [hbm4b:s5+s3], $0xC00, $0x38;
	[tilespmem:$0x18C00] =	vst v63  }
0x4e: {  	_ =	swait.ge [sflag:s4], $0xC00  }
0x4f: {  	[sflag:s4] =	ssyncset.done $0x0  }
0x50: {  	[sflag:s4] =	ssyncadd.s32 $0xFFFFF400  }
0x51: {  	[tilespmem:s7], [sflag:$0x1] =	stream.indirect.gather [hbm4b:s1+s6], $0x80, s3, s6, $0xb8;
	[tilespmem:$0x18C00] =	vst v63  }
0x52: {  	_ = 	snop  }
0x53: {  	[tilespmem:s8], [sflag:$0x2] =	stream.indirect.gather [hbm4b:s1+s6], $0x80, s6, s6, $0xb8;
	[tilespmem:$0x18C00] =	vst v63  }
0x54: {  	_ =	swait.ge [sflag:s9], $0xC000  }
0x55: {  	[sflag:s9] =	ssyncset.done $0x0  }
0x56: {  	[sflag:s9] =	ssyncadd.s32 $0xFFFF4000  }
0x57: {  	[hbm4b:s10+s3] =	stream.linear.scatter [tilespmem:s7], [sflag:$0x3], $0xC000, $0x38;
	[tilespmem:$0x18C00] =	vst v63  }
0x58: {  	_ =	swait.ge [sflag:s4], $0xC000  }
0x59: {  	[sflag:s4] =	ssyncset.done $0x0  }
0x5a: {  	[sflag:s4] =	ssyncadd.s32 $0xFFFF4000  }
0x5b: {  	[tilespmem:s7], [sflag:$0x1] =	stream.indirect.gather [hbm4b:s1+s6], $0x80, s11, s6, $0xb8;
	[tilespmem:$0x18C00] =	vst v63  }
0x5c: {  	_ =	swait.ge [sflag:s12], $0xC000  }
0x5d: {  	[sflag:s12] =	ssyncset.done $0x0  }
0x5e: {  	[sflag:s12] =	ssyncadd.s32 $0xFFFF4000  }
0x5f: {  	[hbm4b:s13+s3] =	stream.linear.scatter [tilespmem:s8], [sflag:$0x3], $0xC000, $0x38;
	[tilespmem:$0x18C00] =	vst v63  }
0x60: {  	_ =	swait.ge [sflag:s4], $0xC000  }
0x61: {  	[sflag:s4] =	ssyncset.done $0x0  }
0x62: {  	[sflag:s4] =	ssyncadd.s32 $0xFFFF4000  }
0x63: {  	[tilespmem:s8], [sflag:$0x2] =	stream.indirect.gather [hbm4b:s1+s6], $0x80, s14, s6, $0xb8;
	[tilespmem:$0x18C00] =	vst v63  }
0x64: {  	_ =	swait.ge [sflag:s9], $0xC000  }
0x65: {  	[sflag:s9] =	ssyncset.done $0x0  }
0x66: {  	[sflag:s9] =	ssyncadd.s32 $0xFFFF4000  }
0x67: {  	[hbm4b:s15+s3] =	stream.linear.scatter [tilespmem:s7], [sflag:$0x3], $0xC000, $0x38;
	[tilespmem:$0x18C00] =	vst v63  }
0x68: {  	_ =	swait.ge [sflag:s4], $0xC000  }
0x69: {  	[sflag:s4] =	ssyncset.done $0x0  }
0x6a: {  	[sflag:s4] =	ssyncadd.s32 $0xFFFF4000  }
0x6b: {  	[tilespmem:s7], [sflag:$0x1] =	stream.indirect.gather [hbm4b:s1+s6], $0x80, s16, s6, $0xb8;
	[tilespmem:$0x18C00] =	vst v63  }
0x6c: {  	_ =	swait.ge [sflag:s12], $0xC000  }
0x6d: {  	[sflag:s12] =	ssyncset.done $0x0  }
0x6e: {  	[sflag:s12] =	ssyncadd.s32 $0xFFFF4000  }
0x6f: {  	[hbm4b:s17+s3] =	stream.linear.scatter [tilespmem:s8], [sflag:$0x3], $0xC000, $0x38;
	[tilespmem:$0x18C00] =	vst v63  }
0x70: {  	_ =	swait.ge [sflag:s4], $0xC000  }
0x71: {  	[sflag:s4] =	ssyncset.done $0x0  }
0x72: {  	[sflag:s4] =	ssyncadd.s32 $0xFFFF4000  }
0x73: {  	[tilespmem:s8], [sflag:$0x2] =	stream.indirect.gather [hbm4b:s1+s6], $0x80, s18, s6, $0xb8;
	[tilespmem:$0x18C00] =	vst v63  }
0x74: {  	_ =	swait.ge [sflag:s9], $0xC000  }
0x75: {  	[sflag:s9] =	ssyncset.done $0x0  }
0x76: {  	[sflag:s9] =	ssyncadd.s32 $0xFFFF4000  }
0x77: {  	[hbm4b:s19+s3] =	stream.linear.scatter [tilespmem:s7], [sflag:$0x3], $0xC000, $0x38;
	[tilespmem:$0x18C00] =	vst v63  }
0x78: {  	_ =	swait.ge [sflag:s4], $0xC000  }
0x79: {  	[sflag:s4] =	ssyncset.done $0x0  }
0x7a: {  	[sflag:s4] =	ssyncadd.s32 $0xFFFF4000  }
0x7b: {  	[tilespmem:s7], [sflag:$0x1] =	stream.indirect.gather [hbm4b:s1+s6], $0x80, s20, s6, $0xb8;
	[tilespmem:$0x18C00] =	vst v63  }
0x7c: {  	_ =	swait.ge [sflag:s12], $0xC000  }
0x7d: {  	[sflag:s12] =	ssyncset.done $0x0  }
0x7e: {  	[sflag:s12] =	ssyncadd.s32 $0xFFFF4000  }
0x7f: {  	[hbm4b:s21+s3] =	stream.linear.scatter [tilespmem:s8], [sflag:$0x3], $0xC000, $0x38;
	[tilespmem:$0x18C00] =	vst v63  }
0x80: {  	_ =	swait.ge [sflag:s4], $0xC000  }
0x81: {  	[sflag:s4] =	ssyncset.done $0x0  }
0x82: {  	[sflag:s4] =	ssyncadd.s32 $0xFFFF4000  }
0x83: {  	[tilespmem:s8], [sflag:$0x2] =	stream.indirect.gather [hbm4b:s1+s6], $0x80, s22, s6, $0xb8;
	[tilespmem:$0x18C00] =	vst v63  }
0x84: {  	_ =	swait.ge [sflag:s9], $0xC000  }
0x85: {  	[sflag:s9] =	ssyncset.done $0x0  }
0x86: {  	[sflag:s9] =	ssyncadd.s32 $0xFFFF4000  }
0x87: {  	[hbm4b:s23+s3] =	stream.linear.scatter [tilespmem:s7], [sflag:$0x3], $0xC000, $0x38;
	[tilespmem:$0x18C00] =	vst v63  }
0x88: {  	_ =	swait.ge [sflag:s4], $0xC000  }
0x89: {  	[sflag:s4] =	ssyncset.done $0x0  }
0x8a: {  	[sflag:s4] =	ssyncadd.s32 $0xFFFF4000  }
0x8b: {  	_ =	swait.ge [sflag:s12], $0xC000  }
.Ltmp1:
0x8c: {  	[sflag:s12] =	ssyncset.done $0x0;
	(pc) =	sbr.rel @p0 .LBB2_1-.Ltmp1, $4  }
0x8d: {  	[sflag:s12] =	ssyncadd.s32 $0xFFFF4000  }
0x8e: {  	[hbm4b:s24+s3] =	stream.linear.scatter [tilespmem:s8], [sflag:$0x3], $0xC000, $0x38;
	[tilespmem:$0x18C00] =	vst v63  }
0x8f: {  	_ =	swait.ge [sflag:s4], $0xC000  }
0x90: {  	[sflag:s4] =	ssyncset.done $0x0  }
.LBB2_2:
0x91: {  	[sflag:s4] =	ssyncadd.s32 $0xFFFF4000  }
0x92: {  	_ =	sfence.sel $0x180000  }
0x93: {  	[bflag:$0x0] =	sbarrier.arrive $0xFFFF  }
0x94: {  	p0 =	sne.s32 s0, $0x0;
	_ =	strace $0x90000047  }
0x95: {  	s0 =	sadd.s32 @!p0 $0x100000, s2;
	[bflag:$0x2] =	sbarrier.arrive $0xFFFF  }
0x96: {  	[sflag:s0] =	ssyncadd.tile.s32 @!p0 $0x1;
	_ =	shalt  }
.Lfunc_end2:
_tile_overlayer_lowered:
.L_overlay_start_2:
0x97: {  	(tag) =	ssettag $0x2  }
0x98: {  	s0 =	rddreg [dreg:$0x0];
	s2 =	stileid.u32  }
0x99: {  	s1 =	rddreg [dreg:$0x1];
	p0 =	sne.s32 s2, $0x0  }
0x9a: {  	s3 =	rddreg [dreg:$0x2];
	[bflag:$0x3] =	sbarrier.arrive $0xFFFF;
	s2 =	simm.s32 @!p0 $0x1C03  }
0x9b: {  	[timem:s3], [sflag:s2] =	dma.local @!p0 [hbm:s0], s1  }
0x9c: {  	s0 =	simm.s32 @!p0 $0x3  }
0x9d: {  	_ =	swait.ge @!p0 [sflag:s0], s1  }
0x9e: {  	s1 =	ssub.s32 @!p0 $0x0, s1;
	[sflag:s0] =	ssyncset.done @!p0 $0x0  }
0x9f: {  	[sflag:s0] =	ssyncadd.s32 @!p0 s1  }
0xa0: {  	[bflag:$0x3] =	sbarrier.arrive $0xFFFF  }
0xa1: {  	_ =	shalt  }

</sc_bundles>
